<compile_context>
chip_gen: v7x
topology: tpu7x:2x2x1
jax: 0.10.2.dev20260603
libtpu: 0.0.44.dev20260713+nightly
codegen_flags: <defaults>
</compile_context>

<pallas_src>
import functools
import math

import jax
import jax.numpy as jnp
import numpy as np
from jax import lax
from jax.experimental import pallas as pl
from jax.experimental.pallas import tpu as pltpu
from jax.experimental.pallas import tpu_sc as plsc

B = 4096
L = 20
STEPS = L - 1
NODES = 2 * L - 1
D = 64
NCAT = 128
NF = D // 2 + 1

_j = np.arange(D)[:, None].astype(np.float64)
_f = np.arange(NF)[None, :].astype(np.float64)
_ang = 2.0 * math.pi * _j * _f / D
_FR = np.cos(_ang).astype(np.float32)
_FI = (-np.sin(_ang)).astype(np.float32)
_w = np.ones((NF, 1))
_w[1:NF - 1] = 2.0
_GR = (_w * np.cos(_ang.T) / D).astype(np.float32)
_GI = (-_w * np.sin(_ang.T) / D).astype(np.float32)

_FFA = np.zeros((128, 128), np.float32)
_FFA[0:64, 0:NF] = _FR
_FFA[0:64, 64:64 + NF] = _FI
_FFB = np.zeros((128, 128), np.float32)
_FFB[64:128, 0:NF] = _FR
_FFB[64:128, 64:64 + NF] = _FI
_FFB2 = np.zeros((128, 128), np.float32)
_FFB2[64:128, 0:NF] = _FI
_FFB2[64:128, 64:64 + NF] = _FR
_G1 = np.zeros((128, 128), np.float32)
_G1[0:NF, 0:64] = _GR
_G1[0:NF, 64:128] = _GR
_G1[64:64 + NF, 0:64] = _GR
_G1[64:64 + NF, 64:128] = _GR
_G2 = np.zeros((128, 128), np.float32)
_G2[0:NF, 0:64] = _GI
_G2[0:NF, 64:128] = _GI
_G2[64:64 + NF, 0:64] = -_GI
_G2[64:64 + NF, 64:128] = -_GI
_HALF = np.full((128, 128), 0.5, np.float32)



def _sc_gather(table, ids):
    nids = ids.shape[0]
    info = plsc.get_sparse_core_info()
    nc, ns = info.num_cores, info.num_subcores
    nw = nc * ns
    chunk = 128
    per_w = nids // nw
    nchunks = per_w // chunk
    assert per_w * nw == nids and nchunks * chunk == per_w

    mesh = plsc.VectorSubcoreMesh(core_axis_name="c", subcore_axis_name="s")

    @functools.partial(
        pl.kernel,
        mesh=mesh,
        out_type=jax.ShapeDtypeStruct((nids, D), jnp.float32),
        scratch_types=[
            pltpu.VMEM((chunk,), jnp.int32),
            pltpu.VMEM((chunk, D), jnp.float32),
            pltpu.SemaphoreType.DMA,
        ],
        compiler_params=pltpu.CompilerParams(use_tc_tiling_on_sc=False),
    )
    def gather_k(table_hbm, idx_hbm, out_hbm, idx_v, rows_v, sem):
        wid = lax.axis_index("s") * nc + lax.axis_index("c")
        base = wid * per_w
        for ci in range(nchunks):
            off = base + ci * chunk
            pltpu.sync_copy(idx_hbm.at[pl.ds(off, chunk)], idx_v)
            pltpu.async_copy(table_hbm.at[idx_v], rows_v, sem).wait()
            pltpu.sync_copy(rows_v, out_hbm.at[pl.ds(off, chunk)])

    return gather_k(table, ids)



_BS = 256


def _mm(x, y):
    return jax.lax.dot_general(
        x, y, (((x.ndim - 1,), (0,)), ((), ())),
        precision=jax.lax.Precision.HIGHEST,
        preferred_element_type=jnp.float32)


def _tc_body(leaf_ref, li_ref, ri_ref, pi_ref,
             ffa_ref, ffb_ref, ffb2_ref, g1_ref, g2_ref, half_ref,
             w2_ref, b_ref, out_ref, v_ref):
    s = pl.program_id(1)

    @pl.when(s == 0)
    def _init():
        ld = leaf_ref[...]
        n2 = _mm(ld * ld, half_ref[...])
        v_ref[:L] = ld / (jnp.sqrt(n2) + 1e-6)
        v_ref[L:] = jnp.zeros((NODES - L, _BS, 128), jnp.float32)

    li = li_ref[0]
    ri = ri_ref[0]
    pi = pi_ref[0]
    lane = lax.broadcasted_iota(jnp.int32, (_BS, 128), 1)
    lo64 = lane < 64
    lf = (lane == li).astype(jnp.float32)
    rf = (lane == ri).astype(jnp.float32)

    vd = [v_ref[n] for n in range(NODES)]
    g = jnp.zeros((_BS, 128), jnp.float32)
    for n in range(NODES):
        m = jnp.where(lo64, lf[:, n:n + 1], rf[:, n:n + 1])
        g = g + vd[n] * m

    af = _mm(g, ffa_ref[...])
    bf = _mm(g, ffb_ref[...])
    bfr = _mm(g, ffb2_ref[...])
    prod1 = af * bf
    prod2 = af * bfr
    cd = _mm(prod1, g1_ref[...]) + _mm(prod2, g2_ref[...])
    n2 = _mm(cd * cd, half_ref[...])
    cn = cd / (jnp.sqrt(n2) + 1e-6)

    pb = lane == pi
    for n in range(NODES):
        v_ref[n] = jnp.where(pb[:, n:n + 1], cn, v_ref[n])

    @pl.when(s == STEPS - 1)
    def _fin():
        sg = jax.nn.sigmoid(_mm(v_ref[...], w2_ref[...]) + b_ref[...][None])
        for n in range(NODES):
            out_ref[:, n, :] = sg[n]


def _tc_compose(leaf_dup, li, ri, pi, w2, b2):
    grid = (B // _BS, STEPS)
    const = lambda shape: pl.BlockSpec(shape, lambda i, s: (0,) * len(shape))
    ix_spec = pl.BlockSpec((1, _BS, 1), lambda i, s: (s, i, 0))
    return pl.pallas_call(
        _tc_body,
        grid=grid,
        in_specs=[
            pl.BlockSpec((L, _BS, 128), lambda i, s: (0, i, 0)),
            ix_spec,
            ix_spec,
            ix_spec,
            const((128, 128)),
            const((128, 128)),
            const((128, 128)),
            const((128, 128)),
            const((128, 128)),
            const((128, 128)),
            const((128, NCAT)),
            const((1, NCAT)),
        ],
        out_specs=pl.BlockSpec((_BS, NODES, NCAT), lambda i, s: (i, 0, 0)),
        out_shape=jax.ShapeDtypeStruct((B, NODES, NCAT), jnp.float32),
        scratch_shapes=[pltpu.VMEM((NODES, _BS, 128), jnp.float32)],
        compiler_params=pltpu.CompilerParams(
            dimension_semantics=("parallel", "arbitrary"),
            vmem_limit_bytes=100 * 1024 * 1024),
    )(leaf_dup, li, ri, pi,
      jnp.asarray(_FFA), jnp.asarray(_FFB), jnp.asarray(_FFB2),
      jnp.asarray(_G1), jnp.asarray(_G2), jnp.asarray(_HALF),
      w2, b2)


def kernel(leaf_content_id, content_mask, composition_info, emb_table, W, b):
    ids = leaf_content_id.astype(jnp.int32).reshape(-1)
    leaf_rows = _sc_gather(emb_table, ids)
    lv = leaf_rows.reshape(B, L, D)
    lv = lv * content_mask.astype(jnp.float32)[:, :, None]
    lt = jnp.transpose(lv, (1, 0, 2))
    leaf_dup = jnp.concatenate([lt, lt], axis=2)
    ci = composition_info.astype(jnp.int32)
    cit = jnp.transpose(ci, (1, 0, 2))
    li = cit[:, :, 0][:, :, None]
    ri = cit[:, :, 1][:, :, None]
    pi = cit[:, :, 2][:, :, None]
    wt = W.astype(jnp.float32).T
    w2 = jnp.concatenate([wt, jnp.zeros((64, NCAT), jnp.float32)], axis=0)
    b2 = b.astype(jnp.float32).reshape(1, NCAT)
    return _tc_compose(leaf_dup, li, ri, pi, w2, b2)

# --- scband reference (transcript-rebuilt; emitter-appended) ---
"""Pipeline reference for scband-tree-net-74663711473669 (READ-ONLY COPY).

The authoritative reference and input builder live on the scoring server;
editing this copy changes nothing except your own understanding.
"""

import jax, jax.numpy as jnp
import numpy as np

B = 4096
L = 20
NODES = 2 * L - 1
D = 64
VOCAB = 100000
NCAT = 128


def circular_correlation(a, b):
    a_f = jnp.fft.rfft(a, axis=1)
    b_f = jnp.fft.rfft(b, axis=1)
    c = jnp.fft.irfft(jnp.conj(a_f) * b_f, n=a.shape[1], axis=1).astype(jnp.float32)
    return c / (jnp.linalg.norm(c, axis=1, keepdims=True) + 1e-06)


def setup_inputs(seed: int = 0) -> dict:
    key = jax.random.key(seed)
    k1, k2, k3, k4 = jax.random.split(key, 4)
    leaf_content_id = jax.random.randint(k1, (B, L), 0, VOCAB)
    content_mask = jnp.ones((B, L), dtype=bool)
    composition_info = jax.random.randint(k2, (B, L - 1, 3), 0, NODES)
    emb_table = jax.random.normal(k3, (VOCAB, D), dtype=jnp.float32) * 0.02
    W = jax.random.normal(k4, (NCAT, D), dtype=jnp.float32) * (1.0 / np.sqrt(D))
    b = jnp.zeros((NCAT,), dtype=jnp.float32)
    return {
        "leaf_content_id": leaf_content_id,
        "content_mask": content_mask,
        "composition_info": composition_info,
        "emb_table": emb_table,
        "W": W,
        "b": b,
    }


def reference(leaf_content_id, content_mask, composition_info, emb_table, W, b):
    B_, L_ = leaf_content_id.shape
    nodes = 2 * L_ - 1
    # embed_leaf_nodes
    leaf_vec = jnp.take(emb_table, leaf_content_id, axis=0)  # [B, L, D]
    vector = jnp.zeros((B_, nodes, emb_table.shape[1]), dtype=jnp.float32)
    # vector[content_mask.nonzero()] = leaf_vec[content_mask.nonzero()] ; vector starts at zero,
    # and mask nonzeros index columns < L, so this equals masked write into the first L node slots.
    vector = vector.at[:, :L_, :].set(jnp.where(content_mask[:, :, None], leaf_vec, 0.0))
    norm = jnp.linalg.norm(vector, axis=2, keepdims=True) + 1e-06
    vector = vector / norm
    # compose
    ar = jnp.arange(B_)
    for idx in range(composition_info.shape[1]):
        left_idx = composition_info[:, idx, 0]
        right_idx = composition_info[:, idx, 1]
        parent_idx = composition_info[:, idx, 2]
        left_vector = vector[ar, left_idx]
        right_vector = vector[ar, right_idx]
        composed = circular_correlation(left_vector, right_vector)
        vector = vector.at[ar, parent_idx].set(composed)
    logits = jnp.einsum('bnd,cd->bnc', vector, W) + b
    return jax.nn.sigmoid(logits)

if __name__ == "__main__":
    import jax
    _d = setup_inputs()
    print(jax.jit(kernel)(*tuple(_d.values())))

</pallas_src>

<mosaic_0001>
#map = affine_map<(d0, d1) -> (0, 0)>
#map1 = affine_map<(d0, d1) -> (0)>
module attributes {stable_mosaic.version = 14 : i64} {
  func.func @gather_k(%arg0: i32, %arg1: i32, %arg2: memref<100000x64xf32, #tpu.memory_space<hbm>>, %arg3: memref<81920xi32, #tpu.memory_space<hbm>>, %arg4: memref<81920x64xf32, #tpu.memory_space<hbm>>, %arg5: memref<128xi32, #tpu.memory_space<vmem>>, %arg6: memref<128x64xf32, #tpu.memory_space<vmem>>, %arg7: memref<!tpu.dma_semaphore, #tpu.memory_space<semaphore_mem>>) attributes {dimension_semantics = [#tpu.dimension_semantics<core_parallel>, #tpu.dimension_semantics<subcore_parallel>], iteration_bounds = array<i64: 2, 16>, scalar_prefetch = 0 : i64, scratch_operands = 3 : i64, tpu.core_type = #tpu.core_type<sc_vector_subcore>, window_params = [{transform_indices = #map}, {transform_indices = #map1}, {transform_indices = #map}]} {
    %mul3A = arith.constant 2 : i32
    %mul3A_0 = arith.muli %arg1, %mul3A : i32
    %add3A = arith.addi %mul3A_0, %arg0 : i32
    %mul3A_1 = arith.constant 2560 : i32
    %mul3A_2 = arith.muli %add3A, %mul3A_1 : i32
    %add3A_3 = arith.constant 0 : i32
    %add3A_4 = arith.addi %mul3A_2, %add3A_3 : i32
    "tpu.region"() ({
      %run_scoped3A = tpu.sem_alloc : memref<!tpu.dma_semaphore, #tpu.memory_space<semaphore_mem>>
      %dma_start3A_161 = tpu.memref_slice %arg3[%add3A_4] : memref<81920xi32, #tpu.memory_space<hbm>> -> memref<128xi32, #tpu.memory_space<hbm>>
      %dma_start3A_162 = tpu.memref_slice %arg3[%add3A_4] : memref<81920xi32, #tpu.memory_space<hbm>> -> memref<128xi32, #tpu.memory_space<hbm>>
      tpu.enqueue_dma source(%dma_start3A_162 : memref<128xi32, #tpu.memory_space<hbm>>) target(%arg5 : memref<128xi32, #tpu.memory_space<vmem>>) target_semaphore(%run_scoped3A : memref<!tpu.dma_semaphore, #tpu.memory_space<semaphore_mem>>)
      %dma_wait3A_163 = tpu.memref_slice %arg3[%add3A_4] : memref<81920xi32, #tpu.memory_space<hbm>> -> memref<128xi32, #tpu.memory_space<hbm>>
      %dma_wait3A_164 = tpu.memref_slice %arg3[%add3A_4] : memref<81920xi32, #tpu.memory_space<hbm>> -> memref<128xi32, #tpu.memory_space<hbm>>
      tpu.wait_dma2 semaphore(%run_scoped3A : memref<!tpu.dma_semaphore, #tpu.memory_space<semaphore_mem>>) src(%dma_wait3A_164 : memref<128xi32, #tpu.memory_space<hbm>>) dst(%arg5 : memref<128xi32, #tpu.memory_space<vmem>>)
      tpu.yield
    }) : () -> ()
    %dma_start3A = arith.constant 0 : i32
    %dma_start3A_5 = arith.constant 0 : i32
    %dma_start3A_6 = tpu.memref_slice %arg2[%dma_start3A, %dma_start3A_5] : memref<100000x64xf32, #tpu.memory_space<hbm>> -> memref<100000x64xf32, #tpu.memory_space<hbm>>
    tpu.enqueue_indirect_dma source(%dma_start3A_6 : memref<100000x64xf32, #tpu.memory_space<hbm>>) target(%arg6 : memref<128x64xf32, #tpu.memory_space<vmem>>) offsets(%arg5 : memref<128xi32, #tpu.memory_space<vmem>>) semaphore(%arg7 : memref<!tpu.dma_semaphore, #tpu.memory_space<semaphore_mem>>)
    %dma_wait3A = arith.constant 0 : i32
    %dma_wait3A_7 = arith.constant 0 : i32
    %dma_wait3A_8 = tpu.memref_slice %arg2[%dma_wait3A, %dma_wait3A_7] : memref<100000x64xf32, #tpu.memory_space<hbm>> -> memref<100000x64xf32, #tpu.memory_space<hbm>>
    tpu.wait_indirect_dma semaphore(%arg7 : memref<!tpu.dma_semaphore, #tpu.memory_space<semaphore_mem>>) src(%dma_wait3A_8 : memref<100000x64xf32, #tpu.memory_space<hbm>>) dst(%arg6 : memref<128x64xf32, #tpu.memory_space<vmem>>)
    "tpu.region"() ({
      %run_scoped3A = tpu.sem_alloc : memref<!tpu.dma_semaphore, #tpu.memory_space<semaphore_mem>>
      %dma_start3A_161 = arith.constant 0 : i32
      %dma_start3A_162 = tpu.memref_slice %arg4[%add3A_4, %dma_start3A_161] : memref<81920x64xf32, #tpu.memory_space<hbm>> -> memref<128x64xf32, #tpu.memory_space<hbm>>
      %dma_start3A_163 = arith.constant 0 : i32
      %dma_start3A_164 = tpu.memref_slice %arg4[%add3A_4, %dma_start3A_163] : memref<81920x64xf32, #tpu.memory_space<hbm>> -> memref<128x64xf32, #tpu.memory_space<hbm>>
      tpu.enqueue_dma source(%arg6 : memref<128x64xf32, #tpu.memory_space<vmem>>) target(%dma_start3A_164 : memref<128x64xf32, #tpu.memory_space<hbm>>) target_semaphore(%run_scoped3A : memref<!tpu.dma_semaphore, #tpu.memory_space<semaphore_mem>>)
      %dma_wait3A_165 = arith.constant 0 : i32
      %dma_wait3A_166 = tpu.memref_slice %arg4[%add3A_4, %dma_wait3A_165] : memref<81920x64xf32, #tpu.memory_space<hbm>> -> memref<128x64xf32, #tpu.memory_space<hbm>>
      %dma_wait3A_167 = arith.constant 0 : i32
      %dma_wait3A_168 = tpu.memref_slice %arg4[%add3A_4, %dma_wait3A_167] : memref<81920x64xf32, #tpu.memory_space<hbm>> -> memref<128x64xf32, #tpu.memory_space<hbm>>
      tpu.wait_dma2 semaphore(%run_scoped3A : memref<!tpu.dma_semaphore, #tpu.memory_space<semaphore_mem>>) src(%arg6 : memref<128x64xf32, #tpu.memory_space<vmem>>) dst(%dma_wait3A_168 : memref<128x64xf32, #tpu.memory_space<hbm>>)
      tpu.yield
    }) : () -> ()
    %add3A_9 = arith.constant 128 : i32
    %add3A_10 = arith.addi %mul3A_2, %add3A_9 : i32
    "tpu.region"() ({
      %run_scoped3A = tpu.sem_alloc : memref<!tpu.dma_semaphore, #tpu.memory_space<semaphore_mem>>
      %dma_start3A_161 = tpu.memref_slice %arg3[%add3A_10] : memref<81920xi32, #tpu.memory_space<hbm>> -> memref<128xi32, #tpu.memory_space<hbm>>
      %dma_start3A_162 = tpu.memref_slice %arg3[%add3A_10] : memref<81920xi32, #tpu.memory_space<hbm>> -> memref<128xi32, #tpu.memory_space<hbm>>
      tpu.enqueue_dma source(%dma_start3A_162 : memref<128xi32, #tpu.memory_space<hbm>>) target(%arg5 : memref<128xi32, #tpu.memory_space<vmem>>) target_semaphore(%run_scoped3A : memref<!tpu.dma_semaphore, #tpu.memory_space<semaphore_mem>>)
      %dma_wait3A_163 = tpu.memref_slice %arg3[%add3A_10] : memref<81920xi32, #tpu.memory_space<hbm>> -> memref<128xi32, #tpu.memory_space<hbm>>
      %dma_wait3A_164 = tpu.memref_slice %arg3[%add3A_10] : memref<81920xi32, #tpu.memory_space<hbm>> -> memref<128xi32, #tpu.memory_space<hbm>>
      tpu.wait_dma2 semaphore(%run_scoped3A : memref<!tpu.dma_semaphore, #tpu.memory_space<semaphore_mem>>) src(%dma_wait3A_164 : memref<128xi32, #tpu.memory_space<hbm>>) dst(%arg5 : memref<128xi32, #tpu.memory_space<vmem>>)
      tpu.yield
    }) : () -> ()
    %dma_start3A_11 = arith.constant 0 : i32
    %dma_start3A_12 = arith.constant 0 : i32
    %dma_start3A_13 = tpu.memref_slice %arg2[%dma_start3A_11, %dma_start3A_12] : memref<100000x64xf32, #tpu.memory_space<hbm>> -> memref<100000x64xf32, #tpu.memory_space<hbm>>
    tpu.enqueue_indirect_dma source(%dma_start3A_13 : memref<100000x64xf32, #tpu.memory_space<hbm>>) target(%arg6 : memref<128x64xf32, #tpu.memory_space<vmem>>) offsets(%arg5 : memref<128xi32, #tpu.memory_space<vmem>>) semaphore(%arg7 : memref<!tpu.dma_semaphore, #tpu.memory_space<semaphore_mem>>)
    %dma_wait3A_14 = arith.constant 0 : i32
    %dma_wait3A_15 = arith.constant 0 : i32
    %dma_wait3A_16 = tpu.memref_slice %arg2[%dma_wait3A_14, %dma_wait3A_15] : memref<100000x64xf32, #tpu.memory_space<hbm>> -> memref<100000x64xf32, #tpu.memory_space<hbm>>
    tpu.wait_indirect_dma semaphore(%arg7 : memref<!tpu.dma_semaphore, #tpu.memory_space<semaphore_mem>>) src(%dma_wait3A_16 : memref<100000x64xf32, #tpu.memory_space<hbm>>) dst(%arg6 : memref<128x64xf32, #tpu.memory_space<vmem>>)
    "tpu.region"() ({
      %run_scoped3A = tpu.sem_alloc : memref<!tpu.dma_semaphore, #tpu.memory_space<semaphore_mem>>
      %dma_start3A_161 = arith.constant 0 : i32
      %dma_start3A_162 = tpu.memref_slice %arg4[%add3A_10, %dma_start3A_161] : memref<81920x64xf32, #tpu.memory_space<hbm>> -> memref<128x64xf32, #tpu.memory_space<hbm>>
      %dma_start3A_163 = arith.constant 0 : i32
      %dma_start3A_164 = tpu.memref_slice %arg4[%add3A_10, %dma_start3A_163] : memref<81920x64xf32, #tpu.memory_space<hbm>> -> memref<128x64xf32, #tpu.memory_space<hbm>>
      tpu.enqueue_dma source(%arg6 : memref<128x64xf32, #tpu.memory_space<vmem>>) target(%dma_start3A_164 : memref<128x64xf32, #tpu.memory_space<hbm>>) target_semaphore(%run_scoped3A : memref<!tpu.dma_semaphore, #tpu.memory_space<semaphore_mem>>)
      %dma_wait3A_165 = arith.constant 0 : i32
      %dma_wait3A_166 = tpu.memref_slice %arg4[%add3A_10, %dma_wait3A_165] : memref<81920x64xf32, #tpu.memory_space<hbm>> -> memref<128x64xf32, #tpu.memory_space<hbm>>
      %dma_wait3A_167 = arith.constant 0 : i32
      %dma_wait3A_168 = tpu.memref_slice %arg4[%add3A_10, %dma_wait3A_167] : memref<81920x64xf32, #tpu.memory_space<hbm>> -> memref<128x64xf32, #tpu.memory_space<hbm>>
      tpu.wait_dma2 semaphore(%run_scoped3A : memref<!tpu.dma_semaphore, #tpu.memory_space<semaphore_mem>>) src(%arg6 : memref<128x64xf32, #tpu.memory_space<vmem>>) dst(%dma_wait3A_168 : memref<128x64xf32, #tpu.memory_space<hbm>>)
      tpu.yield
    }) : () -> ()
    %add3A_17 = arith.constant 256 : i32
    %add3A_18 = arith.addi %mul3A_2, %add3A_17 : i32
    "tpu.region"() ({
      %run_scoped3A = tpu.sem_alloc : memref<!tpu.dma_semaphore, #tpu.memory_space<semaphore_mem>>
      %dma_start3A_161 = tpu.memref_slice %arg3[%add3A_18] : memref<81920xi32, #tpu.memory_space<hbm>> -> memref<128xi32, #tpu.memory_space<hbm>>
      %dma_start3A_162 = tpu.memref_slice %arg3[%add3A_18] : memref<81920xi32, #tpu.memory_space<hbm>> -> memref<128xi32, #tpu.memory_space<hbm>>
      tpu.enqueue_dma source(%dma_start3A_162 : memref<128xi32, #tpu.memory_space<hbm>>) target(%arg5 : memref<128xi32, #tpu.memory_space<vmem>>) target_semaphore(%run_scoped3A : memref<!tpu.dma_semaphore, #tpu.memory_space<semaphore_mem>>)
      %dma_wait3A_163 = tpu.memref_slice %arg3[%add3A_18] : memref<81920xi32, #tpu.memory_space<hbm>> -> memref<128xi32, #tpu.memory_space<hbm>>
      %dma_wait3A_164 = tpu.memref_slice %arg3[%add3A_18] : memref<81920xi32, #tpu.memory_space<hbm>> -> memref<128xi32, #tpu.memory_space<hbm>>
      tpu.wait_dma2 semaphore(%run_scoped3A : memref<!tpu.dma_semaphore, #tpu.memory_space<semaphore_mem>>) src(%dma_wait3A_164 : memref<128xi32, #tpu.memory_space<hbm>>) dst(%arg5 : memref<128xi32, #tpu.memory_space<vmem>>)
      tpu.yield
    }) : () -> ()
    %dma_start3A_19 = arith.constant 0 : i32
    %dma_start3A_20 = arith.constant 0 : i32
    %dma_start3A_21 = tpu.memref_slice %arg2[%dma_start3A_19, %dma_start3A_20] : memref<100000x64xf32, #tpu.memory_space<hbm>> -> memref<100000x64xf32, #tpu.memory_space<hbm>>
    tpu.enqueue_indirect_dma source(%dma_start3A_21 : memref<100000x64xf32, #tpu.memory_space<hbm>>) target(%arg6 : memref<128x64xf32, #tpu.memory_space<vmem>>) offsets(%arg5 : memref<128xi32, #tpu.memory_space<vmem>>) semaphore(%arg7 : memref<!tpu.dma_semaphore, #tpu.memory_space<semaphore_mem>>)
    %dma_wait3A_22 = arith.constant 0 : i32
    %dma_wait3A_23 = arith.constant 0 : i32
    %dma_wait3A_24 = tpu.memref_slice %arg2[%dma_wait3A_22, %dma_wait3A_23] : memref<100000x64xf32, #tpu.memory_space<hbm>> -> memref<100000x64xf32, #tpu.memory_space<hbm>>
    tpu.wait_indirect_dma semaphore(%arg7 : memref<!tpu.dma_semaphore, #tpu.memory_space<semaphore_mem>>) src(%dma_wait3A_24 : memref<100000x64xf32, #tpu.memory_space<hbm>>) dst(%arg6 : memref<128x64xf32, #tpu.memory_space<vmem>>)
    "tpu.region"() ({
      %run_scoped3A = tpu.sem_alloc : memref<!tpu.dma_semaphore, #tpu.memory_space<semaphore_mem>>
      %dma_start3A_161 = arith.constant 0 : i32
      %dma_start3A_162 = tpu.memref_slice %arg4[%add3A_18, %dma_start3A_161] : memref<81920x64xf32, #tpu.memory_space<hbm>> -> memref<128x64xf32, #tpu.memory_space<hbm>>
      %dma_start3A_163 = arith.constant 0 : i32
      %dma_start3A_164 = tpu.memref_slice %arg4[%add3A_18, %dma_start3A_163] : memref<81920x64xf32, #tpu.memory_space<hbm>> -> memref<128x64xf32, #tpu.memory_space<hbm>>
      tpu.enqueue_dma source(%arg6 : memref<128x64xf32, #tpu.memory_space<vmem>>) target(%dma_start3A_164 : memref<128x64xf32, #tpu.memory_space<hbm>>) target_semaphore(%run_scoped3A : memref<!tpu.dma_semaphore, #tpu.memory_space<semaphore_mem>>)
      %dma_wait3A_165 = arith.constant 0 : i32
      %dma_wait3A_166 = tpu.memref_slice %arg4[%add3A_18, %dma_wait3A_165] : memref<81920x64xf32, #tpu.memory_space<hbm>> -> memref<128x64xf32, #tpu.memory_space<hbm>>
      %dma_wait3A_167 = arith.constant 0 : i32
      %dma_wait3A_168 = tpu.memref_slice %arg4[%add3A_18, %dma_wait3A_167] : memref<81920x64xf32, #tpu.memory_space<hbm>> -> memref<128x64xf32, #tpu.memory_space<hbm>>
      tpu.wait_dma2 semaphore(%run_scoped3A : memref<!tpu.dma_semaphore, #tpu.memory_space<semaphore_mem>>) src(%arg6 : memref<128x64xf32, #tpu.memory_space<vmem>>) dst(%dma_wait3A_168 : memref<128x64xf32, #tpu.memory_space<hbm>>)
      tpu.yield
    }) : () -> ()
    %add3A_25 = arith.constant 384 : i32
    %add3A_26 = arith.addi %mul3A_2, %add3A_25 : i32
    "tpu.region"() ({
      %run_scoped3A = tpu.sem_alloc : memref<!tpu.dma_semaphore, #tpu.memory_space<semaphore_mem>>
      %dma_start3A_161 = tpu.memref_slice %arg3[%add3A_26] : memref<81920xi32, #tpu.memory_space<hbm>> -> memref<128xi32, #tpu.memory_space<hbm>>
      %dma_start3A_162 = tpu.memref_slice %arg3[%add3A_26] : memref<81920xi32, #tpu.memory_space<hbm>> -> memref<128xi32, #tpu.memory_space<hbm>>
      tpu.enqueue_dma source(%dma_start3A_162 : memref<128xi32, #tpu.memory_space<hbm>>) target(%arg5 : memref<128xi32, #tpu.memory_space<vmem>>) target_semaphore(%run_scoped3A : memref<!tpu.dma_semaphore, #tpu.memory_space<semaphore_mem>>)
      %dma_wait3A_163 = tpu.memref_slice %arg3[%add3A_26] : memref<81920xi32, #tpu.memory_space<hbm>> -> memref<128xi32, #tpu.memory_space<hbm>>
      %dma_wait3A_164 = tpu.memref_slice %arg3[%add3A_26] : memref<81920xi32, #tpu.memory_space<hbm>> -> memref<128xi32, #tpu.memory_space<hbm>>
      tpu.wait_dma2 semaphore(%run_scoped3A : memref<!tpu.dma_semaphore, #tpu.memory_space<semaphore_mem>>) src(%dma_wait3A_164 : memref<128xi32, #tpu.memory_space<hbm>>) dst(%arg5 : memref<128xi32, #tpu.memory_space<vmem>>)
      tpu.yield
    }) : () -> ()
    %dma_start3A_27 = arith.constant 0 : i32
    %dma_start3A_28 = arith.constant 0 : i32
    %dma_start3A_29 = tpu.memref_slice %arg2[%dma_start3A_27, %dma_start3A_28] : memref<100000x64xf32, #tpu.memory_space<hbm>> -> memref<100000x64xf32, #tpu.memory_space<hbm>>
    tpu.enqueue_indirect_dma source(%dma_start3A_29 : memref<100000x64xf32, #tpu.memory_space<hbm>>) target(%arg6 : memref<128x64xf32, #tpu.memory_space<vmem>>) offsets(%arg5 : memref<128xi32, #tpu.memory_space<vmem>>) semaphore(%arg7 : memref<!tpu.dma_semaphore, #tpu.memory_space<semaphore_mem>>)
    %dma_wait3A_30 = arith.constant 0 : i32
    %dma_wait3A_31 = arith.constant 0 : i32
    %dma_wait3A_32 = tpu.memref_slice %arg2[%dma_wait3A_30, %dma_wait3A_31] : memref<100000x64xf32, #tpu.memory_space<hbm>> -> memref<100000x64xf32, #tpu.memory_space<hbm>>
    tpu.wait_indirect_dma semaphore(%arg7 : memref<!tpu.dma_semaphore, #tpu.memory_space<semaphore_mem>>) src(%dma_wait3A_32 : memref<100000x64xf32, #tpu.memory_space<hbm>>) dst(%arg6 : memref<128x64xf32, #tpu.memory_space<vmem>>)
    "tpu.region"() ({
      %run_scoped3A = tpu.sem_alloc : memref<!tpu.dma_semaphore, #tpu.memory_space<semaphore_mem>>
      %dma_start3A_161 = arith.constant 0 : i32
      %dma_start3A_162 = tpu.memref_slice %arg4[%add3A_26, %dma_start3A_161] : memref<81920x64xf32, #tpu.memory_space<hbm>> -> memref<128x64xf32, #tpu.memory_space<hbm>>
      %dma_start3A_163 = arith.constant 0 : i32
      %dma_start3A_164 = tpu.memref_slice %arg4[%add3A_26, %dma_start3A_163] : memref<81920x64xf32, #tpu.memory_space<hbm>> -> memref<128x64xf32, #tpu.memory_space<hbm>>
      tpu.enqueue_dma source(%arg6 : memref<128x64xf32, #tpu.memory_space<vmem>>) target(%dma_start3A_164 : memref<128x64xf32, #tpu.memory_space<hbm>>) target_semaphore(%run_scoped3A : memref<!tpu.dma_semaphore, #tpu.memory_space<semaphore_mem>>)
      %dma_wait3A_165 = arith.constant 0 : i32
      %dma_wait3A_166 = tpu.memref_slice %arg4[%add3A_26, %dma_wait3A_165] : memref<81920x64xf32, #tpu.memory_space<hbm>> -> memref<128x64xf32, #tpu.memory_space<hbm>>
      %dma_wait3A_167 = arith.constant 0 : i32
      %dma_wait3A_168 = tpu.memref_slice %arg4[%add3A_26, %dma_wait3A_167] : memref<81920x64xf32, #tpu.memory_space<hbm>> -> memref<128x64xf32, #tpu.memory_space<hbm>>
      tpu.wait_dma2 semaphore(%run_scoped3A : memref<!tpu.dma_semaphore, #tpu.memory_space<semaphore_mem>>) src(%arg6 : memref<128x64xf32, #tpu.memory_space<vmem>>) dst(%dma_wait3A_168 : memref<128x64xf32, #tpu.memory_space<hbm>>)
      tpu.yield
    }) : () -> ()
    %add3A_33 = arith.constant 512 : i32
    %add3A_34 = arith.addi %mul3A_2, %add3A_33 : i32
    "tpu.region"() ({
      %run_scoped3A = tpu.sem_alloc : memref<!tpu.dma_semaphore, #tpu.memory_space<semaphore_mem>>
      %dma_start3A_161 = tpu.memref_slice %arg3[%add3A_34] : memref<81920xi32, #tpu.memory_space<hbm>> -> memref<128xi32, #tpu.memory_space<hbm>>
      %dma_start3A_162 = tpu.memref_slice %arg3[%add3A_34] : memref<81920xi32, #tpu.memory_space<hbm>> -> memref<128xi32, #tpu.memory_space<hbm>>
      tpu.enqueue_dma source(%dma_start3A_162 : memref<128xi32, #tpu.memory_space<hbm>>) target(%arg5 : memref<128xi32, #tpu.memory_space<vmem>>) target_semaphore(%run_scoped3A : memref<!tpu.dma_semaphore, #tpu.memory_space<semaphore_mem>>)
      %dma_wait3A_163 = tpu.memref_slice %arg3[%add3A_34] : memref<81920xi32, #tpu.memory_space<hbm>> -> memref<128xi32, #tpu.memory_space<hbm>>
      %dma_wait3A_164 = tpu.memref_slice %arg3[%add3A_34] : memref<81920xi32, #tpu.memory_space<hbm>> -> memref<128xi32, #tpu.memory_space<hbm>>
      tpu.wait_dma2 semaphore(%run_scoped3A : memref<!tpu.dma_semaphore, #tpu.memory_space<semaphore_mem>>) src(%dma_wait3A_164 : memref<128xi32, #tpu.memory_space<hbm>>) dst(%arg5 : memref<128xi32, #tpu.memory_space<vmem>>)
      tpu.yield
    }) : () -> ()
    %dma_start3A_35 = arith.constant 0 : i32
    %dma_start3A_36 = arith.constant 0 : i32
    %dma_start3A_37 = tpu.memref_slice %arg2[%dma_start3A_35, %dma_start3A_36] : memref<100000x64xf32, #tpu.memory_space<hbm>> -> memref<100000x64xf32, #tpu.memory_space<hbm>>
    tpu.enqueue_indirect_dma source(%dma_start3A_37 : memref<100000x64xf32, #tpu.memory_space<hbm>>) target(%arg6 : memref<128x64xf32, #tpu.memory_space<vmem>>) offsets(%arg5 : memref<128xi32, #tpu.memory_space<vmem>>) semaphore(%arg7 : memref<!tpu.dma_semaphore, #tpu.memory_space<semaphore_mem>>)
    %dma_wait3A_38 = arith.constant 0 : i32
    %dma_wait3A_39 = arith.constant 0 : i32
    %dma_wait3A_40 = tpu.memref_slice %arg2[%dma_wait3A_38, %dma_wait3A_39] : memref<100000x64xf32, #tpu.memory_space<hbm>> -> memref<100000x64xf32, #tpu.memory_space<hbm>>
    tpu.wait_indirect_dma semaphore(%arg7 : memref<!tpu.dma_semaphore, #tpu.memory_space<semaphore_mem>>) src(%dma_wait3A_40 : memref<100000x64xf32, #tpu.memory_space<hbm>>) dst(%arg6 : memref<128x64xf32, #tpu.memory_space<vmem>>)
    "tpu.region"() ({
      %run_scoped3A = tpu.sem_alloc : memref<!tpu.dma_semaphore, #tpu.memory_space<semaphore_mem>>
      %dma_start3A_161 = arith.constant 0 : i32
      %dma_start3A_162 = tpu.memref_slice %arg4[%add3A_34, %dma_start3A_161] : memref<81920x64xf32, #tpu.memory_space<hbm>> -> memref<128x64xf32, #tpu.memory_space<hbm>>
      %dma_start3A_163 = arith.constant 0 : i32
      %dma_start3A_164 = tpu.memref_slice %arg4[%add3A_34, %dma_start3A_163] : memref<81920x64xf32, #tpu.memory_space<hbm>> -> memref<128x64xf32, #tpu.memory_space<hbm>>
      tpu.enqueue_dma source(%arg6 : memref<128x64xf32, #tpu.memory_space<vmem>>) target(%dma_start3A_164 : memref<128x64xf32, #tpu.memory_space<hbm>>) target_semaphore(%run_scoped3A : memref<!tpu.dma_semaphore, #tpu.memory_space<semaphore_mem>>)
      %dma_wait3A_165 = arith.constant 0 : i32
      %dma_wait3A_166 = tpu.memref_slice %arg4[%add3A_34, %dma_wait3A_165] : memref<81920x64xf32, #tpu.memory_space<hbm>> -> memref<128x64xf32, #tpu.memory_space<hbm>>
      %dma_wait3A_167 = arith.constant 0 : i32
      %dma_wait3A_168 = tpu.memref_slice %arg4[%add3A_34, %dma_wait3A_167] : memref<81920x64xf32, #tpu.memory_space<hbm>> -> memref<128x64xf32, #tpu.memory_space<hbm>>
      tpu.wait_dma2 semaphore(%run_scoped3A : memref<!tpu.dma_semaphore, #tpu.memory_space<semaphore_mem>>) src(%arg6 : memref<128x64xf32, #tpu.memory_space<vmem>>) dst(%dma_wait3A_168 : memref<128x64xf32, #tpu.memory_space<hbm>>)
      tpu.yield
    }) : () -> ()
    %add3A_41 = arith.constant 640 : i32
    %add3A_42 = arith.addi %mul3A_2, %add3A_41 : i32
    "tpu.region"() ({
      %run_scoped3A = tpu.sem_alloc : memref<!tpu.dma_semaphore, #tpu.memory_space<semaphore_mem>>
      %dma_start3A_161 = tpu.memref_slice %arg3[%add3A_42] : memref<81920xi32, #tpu.memory_space<hbm>> -> memref<128xi32, #tpu.memory_space<hbm>>
      %dma_start3A_162 = tpu.memref_slice %arg3[%add3A_42] : memref<81920xi32, #tpu.memory_space<hbm>> -> memref<128xi32, #tpu.memory_space<hbm>>
      tpu.enqueue_dma source(%dma_start3A_162 : memref<128xi32, #tpu.memory_space<hbm>>) target(%arg5 : memref<128xi32, #tpu.memory_space<vmem>>) target_semaphore(%run_scoped3A : memref<!tpu.dma_semaphore, #tpu.memory_space<semaphore_mem>>)
      %dma_wait3A_163 = tpu.memref_slice %arg3[%add3A_42] : memref<81920xi32, #tpu.memory_space<hbm>> -> memref<128xi32, #tpu.memory_space<hbm>>
      %dma_wait3A_164 = tpu.memref_slice %arg3[%add3A_42] : memref<81920xi32, #tpu.memory_space<hbm>> -> memref<128xi32, #tpu.memory_space<hbm>>
      tpu.wait_dma2 semaphore(%run_scoped3A : memref<!tpu.dma_semaphore, #tpu.memory_space<semaphore_mem>>) src(%dma_wait3A_164 : memref<128xi32, #tpu.memory_space<hbm>>) dst(%arg5 : memref<128xi32, #tpu.memory_space<vmem>>)
      tpu.yield
    }) : () -> ()
    %dma_start3A_43 = arith.constant 0 : i32
    %dma_start3A_44 = arith.constant 0 : i32
    %dma_start3A_45 = tpu.memref_slice %arg2[%dma_start3A_43, %dma_start3A_44] : memref<100000x64xf32, #tpu.memory_space<hbm>> -> memref<100000x64xf32, #tpu.memory_space<hbm>>
    tpu.enqueue_indirect_dma source(%dma_start3A_45 : memref<100000x64xf32, #tpu.memory_space<hbm>>) target(%arg6 : memref<128x64xf32, #tpu.memory_space<vmem>>) offsets(%arg5 : memref<128xi32, #tpu.memory_space<vmem>>) semaphore(%arg7 : memref<!tpu.dma_semaphore, #tpu.memory_space<semaphore_mem>>)
    %dma_wait3A_46 = arith.constant 0 : i32
    %dma_wait3A_47 = arith.constant 0 : i32
    %dma_wait3A_48 = tpu.memref_slice %arg2[%dma_wait3A_46, %dma_wait3A_47] : memref<100000x64xf32, #tpu.memory_space<hbm>> -> memref<100000x64xf32, #tpu.memory_space<hbm>>
    tpu.wait_indirect_dma semaphore(%arg7 : memref<!tpu.dma_semaphore, #tpu.memory_space<semaphore_mem>>) src(%dma_wait3A_48 : memref<100000x64xf32, #tpu.memory_space<hbm>>) dst(%arg6 : memref<128x64xf32, #tpu.memory_space<vmem>>)
    "tpu.region"() ({
      %run_scoped3A = tpu.sem_alloc : memref<!tpu.dma_semaphore, #tpu.memory_space<semaphore_mem>>
      %dma_start3A_161 = arith.constant 0 : i32
      %dma_start3A_162 = tpu.memref_slice %arg4[%add3A_42, %dma_start3A_161] : memref<81920x64xf32, #tpu.memory_space<hbm>> -> memref<128x64xf32, #tpu.memory_space<hbm>>
      %dma_start3A_163 = arith.constant 0 : i32
      %dma_start3A_164 = tpu.memref_slice %arg4[%add3A_42, %dma_start3A_163] : memref<81920x64xf32, #tpu.memory_space<hbm>> -> memref<128x64xf32, #tpu.memory_space<hbm>>
      tpu.enqueue_dma source(%arg6 : memref<128x64xf32, #tpu.memory_space<vmem>>) target(%dma_start3A_164 : memref<128x64xf32, #tpu.memory_space<hbm>>) target_semaphore(%run_scoped3A : memref<!tpu.dma_semaphore, #tpu.memory_space<semaphore_mem>>)
      %dma_wait3A_165 = arith.constant 0 : i32
      %dma_wait3A_166 = tpu.memref_slice %arg4[%add3A_42, %dma_wait3A_165] : memref<81920x64xf32, #tpu.memory_space<hbm>> -> memref<128x64xf32, #tpu.memory_space<hbm>>
      %dma_wait3A_167 = arith.constant 0 : i32
      %dma_wait3A_168 = tpu.memref_slice %arg4[%add3A_42, %dma_wait3A_167] : memref<81920x64xf32, #tpu.memory_space<hbm>> -> memref<128x64xf32, #tpu.memory_space<hbm>>
      tpu.wait_dma2 semaphore(%run_scoped3A : memref<!tpu.dma_semaphore, #tpu.memory_space<semaphore_mem>>) src(%arg6 : memref<128x64xf32, #tpu.memory_space<vmem>>) dst(%dma_wait3A_168 : memref<128x64xf32, #tpu.memory_space<hbm>>)
      tpu.yield
    }) : () -> ()
    %add3A_49 = arith.constant 768 : i32
    %add3A_50 = arith.addi %mul3A_2, %add3A_49 : i32
    "tpu.region"() ({
      %run_scoped3A = tpu.sem_alloc : memref<!tpu.dma_semaphore, #tpu.memory_space<semaphore_mem>>
      %dma_start3A_161 = tpu.memref_slice %arg3[%add3A_50] : memref<81920xi32, #tpu.memory_space<hbm>> -> memref<128xi32, #tpu.memory_space<hbm>>
      %dma_start3A_162 = tpu.memref_slice %arg3[%add3A_50] : memref<81920xi32, #tpu.memory_space<hbm>> -> memref<128xi32, #tpu.memory_space<hbm>>
      tpu.enqueue_dma source(%dma_start3A_162 : memref<128xi32, #tpu.memory_space<hbm>>) target(%arg5 : memref<128xi32, #tpu.memory_space<vmem>>) target_semaphore(%run_scoped3A : memref<!tpu.dma_semaphore, #tpu.memory_space<semaphore_mem>>)
      %dma_wait3A_163 = tpu.memref_slice %arg3[%add3A_50] : memref<81920xi32, #tpu.memory_space<hbm>> -> memref<128xi32, #tpu.memory_space<hbm>>
      %dma_wait3A_164 = tpu.memref_slice %arg3[%add3A_50] : memref<81920xi32, #tpu.memory_space<hbm>> -> memref<128xi32, #tpu.memory_space<hbm>>
      tpu.wait_dma2 semaphore(%run_scoped3A : memref<!tpu.dma_semaphore, #tpu.memory_space<semaphore_mem>>) src(%dma_wait3A_164 : memref<128xi32, #tpu.memory_space<hbm>>) dst(%arg5 : memref<128xi32, #tpu.memory_space<vmem>>)
      tpu.yield
    }) : () -> ()
    %dma_start3A_51 = arith.constant 0 : i32
    %dma_start3A_52 = arith.constant 0 : i32
    %dma_start3A_53 = tpu.memref_slice %arg2[%dma_start3A_51, %dma_start3A_52] : memref<100000x64xf32, #tpu.memory_space<hbm>> -> memref<100000x64xf32, #tpu.memory_space<hbm>>
    tpu.enqueue_indirect_dma source(%dma_start3A_53 : memref<100000x64xf32, #tpu.memory_space<hbm>>) target(%arg6 : memref<128x64xf32, #tpu.memory_space<vmem>>) offsets(%arg5 : memref<128xi32, #tpu.memory_space<vmem>>) semaphore(%arg7 : memref<!tpu.dma_semaphore, #tpu.memory_space<semaphore_mem>>)
    %dma_wait3A_54 = arith.constant 0 : i32
    %dma_wait3A_55 = arith.constant 0 : i32
    %dma_wait3A_56 = tpu.memref_slice %arg2[%dma_wait3A_54, %dma_wait3A_55] : memref<100000x64xf32, #tpu.memory_space<hbm>> -> memref<100000x64xf32, #tpu.memory_space<hbm>>
    tpu.wait_indirect_dma semaphore(%arg7 : memref<!tpu.dma_semaphore, #tpu.memory_space<semaphore_mem>>) src(%dma_wait3A_56 : memref<100000x64xf32, #tpu.memory_space<hbm>>) dst(%arg6 : memref<128x64xf32, #tpu.memory_space<vmem>>)
    "tpu.region"() ({
      %run_scoped3A = tpu.sem_alloc : memref<!tpu.dma_semaphore, #tpu.memory_space<semaphore_mem>>
      %dma_start3A_161 = arith.constant 0 : i32
      %dma_start3A_162 = tpu.memref_slice %arg4[%add3A_50, %dma_start3A_161] : memref<81920x64xf32, #tpu.memory_space<hbm>> -> memref<128x64xf32, #tpu.memory_space<hbm>>
      %dma_start3A_163 = arith.constant 0 : i32
      %dma_start3A_164 = tpu.memref_slice %arg4[%add3A_50, %dma_start3A_163] : memref<81920x64xf32, #tpu.memory_space<hbm>> -> memref<128x64xf32, #tpu.memory_space<hbm>>
      tpu.enqueue_dma source(%arg6 : memref<128x64xf32, #tpu.memory_space<vmem>>) target(%dma_start3A_164 : memref<128x64xf32, #tpu.memory_space<hbm>>) target_semaphore(%run_scoped3A : memref<!tpu.dma_semaphore, #tpu.memory_space<semaphore_mem>>)
      %dma_wait3A_165 = arith.constant 0 : i32
      %dma_wait3A_166 = tpu.memref_slice %arg4[%add3A_50, %dma_wait3A_165] : memref<81920x64xf32, #tpu.memory_space<hbm>> -> memref<128x64xf32, #tpu.memory_space<hbm>>
      %dma_wait3A_167 = arith.constant 0 : i32
      %dma_wait3A_168 = tpu.memref_slice %arg4[%add3A_50, %dma_wait3A_167] : memref<81920x64xf32, #tpu.memory_space<hbm>> -> memref<128x64xf32, #tpu.memory_space<hbm>>
      tpu.wait_dma2 semaphore(%run_scoped3A : memref<!tpu.dma_semaphore, #tpu.memory_space<semaphore_mem>>) src(%arg6 : memref<128x64xf32, #tpu.memory_space<vmem>>) dst(%dma_wait3A_168 : memref<128x64xf32, #tpu.memory_space<hbm>>)
      tpu.yield
    }) : () -> ()
    %add3A_57 = arith.constant 896 : i32
    %add3A_58 = arith.addi %mul3A_2, %add3A_57 : i32
    "tpu.region"() ({
      %run_scoped3A = tpu.sem_alloc : memref<!tpu.dma_semaphore, #tpu.memory_space<semaphore_mem>>
      %dma_start3A_161 = tpu.memref_slice %arg3[%add3A_58] : memref<81920xi32, #tpu.memory_space<hbm>> -> memref<128xi32, #tpu.memory_space<hbm>>
      %dma_start3A_162 = tpu.memref_slice %arg3[%add3A_58] : memref<81920xi32, #tpu.memory_space<hbm>> -> memref<128xi32, #tpu.memory_space<hbm>>
      tpu.enqueue_dma source(%dma_start3A_162 : memref<128xi32, #tpu.memory_space<hbm>>) target(%arg5 : memref<128xi32, #tpu.memory_space<vmem>>) target_semaphore(%run_scoped3A : memref<!tpu.dma_semaphore, #tpu.memory_space<semaphore_mem>>)
      %dma_wait3A_163 = tpu.memref_slice %arg3[%add3A_58] : memref<81920xi32, #tpu.memory_space<hbm>> -> memref<128xi32, #tpu.memory_space<hbm>>
      %dma_wait3A_164 = tpu.memref_slice %arg3[%add3A_58] : memref<81920xi32, #tpu.memory_space<hbm>> -> memref<128xi32, #tpu.memory_space<hbm>>
      tpu.wait_dma2 semaphore(%run_scoped3A : memref<!tpu.dma_semaphore, #tpu.memory_space<semaphore_mem>>) src(%dma_wait3A_164 : memref<128xi32, #tpu.memory_space<hbm>>) dst(%arg5 : memref<128xi32, #tpu.memory_space<vmem>>)
      tpu.yield
    }) : () -> ()
    %dma_start3A_59 = arith.constant 0 : i32
    %dma_start3A_60 = arith.constant 0 : i32
    %dma_start3A_61 = tpu.memref_slice %arg2[%dma_start3A_59, %dma_start3A_60] : memref<100000x64xf32, #tpu.memory_space<hbm>> -> memref<100000x64xf32, #tpu.memory_space<hbm>>
    tpu.enqueue_indirect_dma source(%dma_start3A_61 : memref<100000x64xf32, #tpu.memory_space<hbm>>) target(%arg6 : memref<128x64xf32, #tpu.memory_space<vmem>>) offsets(%arg5 : memref<128xi32, #tpu.memory_space<vmem>>) semaphore(%arg7 : memref<!tpu.dma_semaphore, #tpu.memory_space<semaphore_mem>>)
    %dma_wait3A_62 = arith.constant 0 : i32
    %dma_wait3A_63 = arith.constant 0 : i32
    %dma_wait3A_64 = tpu.memref_slice %arg2[%dma_wait3A_62, %dma_wait3A_63] : memref<100000x64xf32, #tpu.memory_space<hbm>> -> memref<100000x64xf32, #tpu.memory_space<hbm>>
    tpu.wait_indirect_dma semaphore(%arg7 : memref<!tpu.dma_semaphore, #tpu.memory_space<semaphore_mem>>) src(%dma_wait3A_64 : memref<100000x64xf32, #tpu.memory_space<hbm>>) dst(%arg6 : memref<128x64xf32, #tpu.memory_space<vmem>>)
    "tpu.region"() ({
      %run_scoped3A = tpu.sem_alloc : memref<!tpu.dma_semaphore, #tpu.memory_space<semaphore_mem>>
      %dma_start3A_161 = arith.constant 0 : i32
      %dma_start3A_162 = tpu.memref_slice %arg4[%add3A_58, %dma_start3A_161] : memref<81920x64xf32, #tpu.memory_space<hbm>> -> memref<128x64xf32, #tpu.memory_space<hbm>>
      %dma_start3A_163 = arith.constant 0 : i32
      %dma_start3A_164 = tpu.memref_slice %arg4[%add3A_58, %dma_start3A_163] : memref<81920x64xf32, #tpu.memory_space<hbm>> -> memref<128x64xf32, #tpu.memory_space<hbm>>
      tpu.enqueue_dma source(%arg6 : memref<128x64xf32, #tpu.memory_space<vmem>>) target(%dma_start3A_164 : memref<128x64xf32, #tpu.memory_space<hbm>>) target_semaphore(%run_scoped3A : memref<!tpu.dma_semaphore, #tpu.memory_space<semaphore_mem>>)
      %dma_wait3A_165 = arith.constant 0 : i32
      %dma_wait3A_166 = tpu.memref_slice %arg4[%add3A_58, %dma_wait3A_165] : memref<81920x64xf32, #tpu.memory_space<hbm>> -> memref<128x64xf32, #tpu.memory_space<hbm>>
      %dma_wait3A_167 = arith.constant 0 : i32
      %dma_wait3A_168 = tpu.memref_slice %arg4[%add3A_58, %dma_wait3A_167] : memref<81920x64xf32, #tpu.memory_space<hbm>> -> memref<128x64xf32, #tpu.memory_space<hbm>>
      tpu.wait_dma2 semaphore(%run_scoped3A : memref<!tpu.dma_semaphore, #tpu.memory_space<semaphore_mem>>) src(%arg6 : memref<128x64xf32, #tpu.memory_space<vmem>>) dst(%dma_wait3A_168 : memref<128x64xf32, #tpu.memory_space<hbm>>)
      tpu.yield
    }) : () -> ()
    %add3A_65 = arith.constant 1024 : i32
    %add3A_66 = arith.addi %mul3A_2, %add3A_65 : i32
    "tpu.region"() ({
      %run_scoped3A = tpu.sem_alloc : memref<!tpu.dma_semaphore, #tpu.memory_space<semaphore_mem>>
      %dma_start3A_161 = tpu.memref_slice %arg3[%add3A_66] : memref<81920xi32, #tpu.memory_space<hbm>> -> memref<128xi32, #tpu.memory_space<hbm>>
      %dma_start3A_162 = tpu.memref_slice %arg3[%add3A_66] : memref<81920xi32, #tpu.memory_space<hbm>> -> memref<128xi32, #tpu.memory_space<hbm>>
      tpu.enqueue_dma source(%dma_start3A_162 : memref<128xi32, #tpu.memory_space<hbm>>) target(%arg5 : memref<128xi32, #tpu.memory_space<vmem>>) target_semaphore(%run_scoped3A : memref<!tpu.dma_semaphore, #tpu.memory_space<semaphore_mem>>)
      %dma_wait3A_163 = tpu.memref_slice %arg3[%add3A_66] : memref<81920xi32, #tpu.memory_space<hbm>> -> memref<128xi32, #tpu.memory_space<hbm>>
      %dma_wait3A_164 = tpu.memref_slice %arg3[%add3A_66] : memref<81920xi32, #tpu.memory_space<hbm>> -> memref<128xi32, #tpu.memory_space<hbm>>
      tpu.wait_dma2 semaphore(%run_scoped3A : memref<!tpu.dma_semaphore, #tpu.memory_space<semaphore_mem>>) src(%dma_wait3A_164 : memref<128xi32, #tpu.memory_space<hbm>>) dst(%arg5 : memref<128xi32, #tpu.memory_space<vmem>>)
      tpu.yield
    }) : () -> ()
    %dma_start3A_67 = arith.constant 0 : i32
    %dma_start3A_68 = arith.constant 0 : i32
    %dma_start3A_69 = tpu.memref_slice %arg2[%dma_start3A_67, %dma_start3A_68] : memref<100000x64xf32, #tpu.memory_space<hbm>> -> memref<100000x64xf32, #tpu.memory_space<hbm>>
    tpu.enqueue_indirect_dma source(%dma_start3A_69 : memref<100000x64xf32, #tpu.memory_space<hbm>>) target(%arg6 : memref<128x64xf32, #tpu.memory_space<vmem>>) offsets(%arg5 : memref<128xi32, #tpu.memory_space<vmem>>) semaphore(%arg7 : memref<!tpu.dma_semaphore, #tpu.memory_space<semaphore_mem>>)
    %dma_wait3A_70 = arith.constant 0 : i32
    %dma_wait3A_71 = arith.constant 0 : i32
    %dma_wait3A_72 = tpu.memref_slice %arg2[%dma_wait3A_70, %dma_wait3A_71] : memref<100000x64xf32, #tpu.memory_space<hbm>> -> memref<100000x64xf32, #tpu.memory_space<hbm>>
    tpu.wait_indirect_dma semaphore(%arg7 : memref<!tpu.dma_semaphore, #tpu.memory_space<semaphore_mem>>) src(%dma_wait3A_72 : memref<100000x64xf32, #tpu.memory_space<hbm>>) dst(%arg6 : memref<128x64xf32, #tpu.memory_space<vmem>>)
    "tpu.region"() ({
      %run_scoped3A = tpu.sem_alloc : memref<!tpu.dma_semaphore, #tpu.memory_space<semaphore_mem>>
      %dma_start3A_161 = arith.constant 0 : i32
      %dma_start3A_162 = tpu.memref_slice %arg4[%add3A_66, %dma_start3A_161] : memref<81920x64xf32, #tpu.memory_space<hbm>> -> memref<128x64xf32, #tpu.memory_space<hbm>>
      %dma_start3A_163 = arith.constant 0 : i32
      %dma_start3A_164 = tpu.memref_slice %arg4[%add3A_66, %dma_start3A_163] : memref<81920x64xf32, #tpu.memory_space<hbm>> -> memref<128x64xf32, #tpu.memory_space<hbm>>
      tpu.enqueue_dma source(%arg6 : memref<128x64xf32, #tpu.memory_space<vmem>>) target(%dma_start3A_164 : memref<128x64xf32, #tpu.memory_space<hbm>>) target_semaphore(%run_scoped3A : memref<!tpu.dma_semaphore, #tpu.memory_space<semaphore_mem>>)
      %dma_wait3A_165 = arith.constant 0 : i32
      %dma_wait3A_166 = tpu.memref_slice %arg4[%add3A_66, %dma_wait3A_165] : memref<81920x64xf32, #tpu.memory_space<hbm>> -> memref<128x64xf32, #tpu.memory_space<hbm>>
      %dma_wait3A_167 = arith.constant 0 : i32
      %dma_wait3A_168 = tpu.memref_slice %arg4[%add3A_66, %dma_wait3A_167] : memref<81920x64xf32, #tpu.memory_space<hbm>> -> memref<128x64xf32, #tpu.memory_space<hbm>>
      tpu.wait_dma2 semaphore(%run_scoped3A : memref<!tpu.dma_semaphore, #tpu.memory_space<semaphore_mem>>) src(%arg6 : memref<128x64xf32, #tpu.memory_space<vmem>>) dst(%dma_wait3A_168 : memref<128x64xf32, #tpu.memory_space<hbm>>)
      tpu.yield
    }) : () -> ()
    %add3A_73 = arith.constant 1152 : i32
    %add3A_74 = arith.addi %mul3A_2, %add3A_73 : i32
    "tpu.region"() ({
      %run_scoped3A = tpu.sem_alloc : memref<!tpu.dma_semaphore, #tpu.memory_space<semaphore_mem>>
      %dma_start3A_161 = tpu.memref_slice %arg3[%add3A_74] : memref<81920xi32, #tpu.memory_space<hbm>> -> memref<128xi32, #tpu.memory_space<hbm>>
      %dma_start3A_162 = tpu.memref_slice %arg3[%add3A_74] : memref<81920xi32, #tpu.memory_space<hbm>> -> memref<128xi32, #tpu.memory_space<hbm>>
      tpu.enqueue_dma source(%dma_start3A_162 : memref<128xi32, #tpu.memory_space<hbm>>) target(%arg5 : memref<128xi32, #tpu.memory_space<vmem>>) target_semaphore(%run_scoped3A : memref<!tpu.dma_semaphore, #tpu.memory_space<semaphore_mem>>)
      %dma_wait3A_163 = tpu.memref_slice %arg3[%add3A_74] : memref<81920xi32, #tpu.memory_space<hbm>> -> memref<128xi32, #tpu.memory_space<hbm>>
      %dma_wait3A_164 = tpu.memref_slice %arg3[%add3A_74] : memref<81920xi32, #tpu.memory_space<hbm>> -> memref<128xi32, #tpu.memory_space<hbm>>
      tpu.wait_dma2 semaphore(%run_scoped3A : memref<!tpu.dma_semaphore, #tpu.memory_space<semaphore_mem>>) src(%dma_wait3A_164 : memref<128xi32, #tpu.memory_space<hbm>>) dst(%arg5 : memref<128xi32, #tpu.memory_space<vmem>>)
      tpu.yield
    }) : () -> ()
    %dma_start3A_75 = arith.constant 0 : i32
    %dma_start3A_76 = arith.constant 0 : i32
    %dma_start3A_77 = tpu.memref_slice %arg2[%dma_start3A_75, %dma_start3A_76] : memref<100000x64xf32, #tpu.memory_space<hbm>> -> memref<100000x64xf32, #tpu.memory_space<hbm>>
    tpu.enqueue_indirect_dma source(%dma_start3A_77 : memref<100000x64xf32, #tpu.memory_space<hbm>>) target(%arg6 : memref<128x64xf32, #tpu.memory_space<vmem>>) offsets(%arg5 : memref<128xi32, #tpu.memory_space<vmem>>) semaphore(%arg7 : memref<!tpu.dma_semaphore, #tpu.memory_space<semaphore_mem>>)
    %dma_wait3A_78 = arith.constant 0 : i32
    %dma_wait3A_79 = arith.constant 0 : i32
    %dma_wait3A_80 = tpu.memref_slice %arg2[%dma_wait3A_78, %dma_wait3A_79] : memref<100000x64xf32, #tpu.memory_space<hbm>> -> memref<100000x64xf32, #tpu.memory_space<hbm>>
    tpu.wait_indirect_dma semaphore(%arg7 : memref<!tpu.dma_semaphore, #tpu.memory_space<semaphore_mem>>) src(%dma_wait3A_80 : memref<100000x64xf32, #tpu.memory_space<hbm>>) dst(%arg6 : memref<128x64xf32, #tpu.memory_space<vmem>>)
    "tpu.region"() ({
      %run_scoped3A = tpu.sem_alloc : memref<!tpu.dma_semaphore, #tpu.memory_space<semaphore_mem>>
      %dma_start3A_161 = arith.constant 0 : i32
      %dma_start3A_162 = tpu.memref_slice %arg4[%add3A_74, %dma_start3A_161] : memref<81920x64xf32, #tpu.memory_space<hbm>> -> memref<128x64xf32, #tpu.memory_space<hbm>>
      %dma_start3A_163 = arith.constant 0 : i32
      %dma_start3A_164 = tpu.memref_slice %arg4[%add3A_74, %dma_start3A_163] : memref<81920x64xf32, #tpu.memory_space<hbm>> -> memref<128x64xf32, #tpu.memory_space<hbm>>
      tpu.enqueue_dma source(%arg6 : memref<128x64xf32, #tpu.memory_space<vmem>>) target(%dma_start3A_164 : memref<128x64xf32, #tpu.memory_space<hbm>>) target_semaphore(%run_scoped3A : memref<!tpu.dma_semaphore, #tpu.memory_space<semaphore_mem>>)
      %dma_wait3A_165 = arith.constant 0 : i32
      %dma_wait3A_166 = tpu.memref_slice %arg4[%add3A_74, %dma_wait3A_165] : memref<81920x64xf32, #tpu.memory_space<hbm>> -> memref<128x64xf32, #tpu.memory_space<hbm>>
      %dma_wait3A_167 = arith.constant 0 : i32
      %dma_wait3A_168 = tpu.memref_slice %arg4[%add3A_74, %dma_wait3A_167] : memref<81920x64xf32, #tpu.memory_space<hbm>> -> memref<128x64xf32, #tpu.memory_space<hbm>>
      tpu.wait_dma2 semaphore(%run_scoped3A : memref<!tpu.dma_semaphore, #tpu.memory_space<semaphore_mem>>) src(%arg6 : memref<128x64xf32, #tpu.memory_space<vmem>>) dst(%dma_wait3A_168 : memref<128x64xf32, #tpu.memory_space<hbm>>)
      tpu.yield
    }) : () -> ()
    %add3A_81 = arith.constant 1280 : i32
    %add3A_82 = arith.addi %mul3A_2, %add3A_81 : i32
    "tpu.region"() ({
      %run_scoped3A = tpu.sem_alloc : memref<!tpu.dma_semaphore, #tpu.memory_space<semaphore_mem>>
      %dma_start3A_161 = tpu.memref_slice %arg3[%add3A_82] : memref<81920xi32, #tpu.memory_space<hbm>> -> memref<128xi32, #tpu.memory_space<hbm>>
      %dma_start3A_162 = tpu.memref_slice %arg3[%add3A_82] : memref<81920xi32, #tpu.memory_space<hbm>> -> memref<128xi32, #tpu.memory_space<hbm>>
      tpu.enqueue_dma source(%dma_start3A_162 : memref<128xi32, #tpu.memory_space<hbm>>) target(%arg5 : memref<128xi32, #tpu.memory_space<vmem>>) target_semaphore(%run_scoped3A : memref<!tpu.dma_semaphore, #tpu.memory_space<semaphore_mem>>)
      %dma_wait3A_163 = tpu.memref_slice %arg3[%add3A_82] : memref<81920xi32, #tpu.memory_space<hbm>> -> memref<128xi32, #tpu.memory_space<hbm>>
      %dma_wait3A_164 = tpu.memref_slice %arg3[%add3A_82] : memref<81920xi32, #tpu.memory_space<hbm>> -> memref<128xi32, #tpu.memory_space<hbm>>
      tpu.wait_dma2 semaphore(%run_scoped3A : memref<!tpu.dma_semaphore, #tpu.memory_space<semaphore_mem>>) src(%dma_wait3A_164 : memref<128xi32, #tpu.memory_space<hbm>>) dst(%arg5 : memref<128xi32, #tpu.memory_space<vmem>>)
      tpu.yield
    }) : () -> ()
    %dma_start3A_83 = arith.constant 0 : i32
    %dma_start3A_84 = arith.constant 0 : i32
    %dma_start3A_85 = tpu.memref_slice %arg2[%dma_start3A_83, %dma_start3A_84] : memref<100000x64xf32, #tpu.memory_space<hbm>> -> memref<100000x64xf32, #tpu.memory_space<hbm>>
    tpu.enqueue_indirect_dma source(%dma_start3A_85 : memref<100000x64xf32, #tpu.memory_space<hbm>>) target(%arg6 : memref<128x64xf32, #tpu.memory_space<vmem>>) offsets(%arg5 : memref<128xi32, #tpu.memory_space<vmem>>) semaphore(%arg7 : memref<!tpu.dma_semaphore, #tpu.memory_space<semaphore_mem>>)
    %dma_wait3A_86 = arith.constant 0 : i32
    %dma_wait3A_87 = arith.constant 0 : i32
    %dma_wait3A_88 = tpu.memref_slice %arg2[%dma_wait3A_86, %dma_wait3A_87] : memref<100000x64xf32, #tpu.memory_space<hbm>> -> memref<100000x64xf32, #tpu.memory_space<hbm>>
    tpu.wait_indirect_dma semaphore(%arg7 : memref<!tpu.dma_semaphore, #tpu.memory_space<semaphore_mem>>) src(%dma_wait3A_88 : memref<100000x64xf32, #tpu.memory_space<hbm>>) dst(%arg6 : memref<128x64xf32, #tpu.memory_space<vmem>>)
    "tpu.region"() ({
      %run_scoped3A = tpu.sem_alloc : memref<!tpu.dma_semaphore, #tpu.memory_space<semaphore_mem>>
      %dma_start3A_161 = arith.constant 0 : i32
      %dma_start3A_162 = tpu.memref_slice %arg4[%add3A_82, %dma_start3A_161] : memref<81920x64xf32, #tpu.memory_space<hbm>> -> memref<128x64xf32, #tpu.memory_space<hbm>>
      %dma_start3A_163 = arith.constant 0 : i32
      %dma_start3A_164 = tpu.memref_slice %arg4[%add3A_82, %dma_start3A_163] : memref<81920x64xf32, #tpu.memory_space<hbm>> -> memref<128x64xf32, #tpu.memory_space<hbm>>
      tpu.enqueue_dma source(%arg6 : memref<128x64xf32, #tpu.memory_space<vmem>>) target(%dma_start3A_164 : memref<128x64xf32, #tpu.memory_space<hbm>>) target_semaphore(%run_scoped3A : memref<!tpu.dma_semaphore, #tpu.memory_space<semaphore_mem>>)
      %dma_wait3A_165 = arith.constant 0 : i32
      %dma_wait3A_166 = tpu.memref_slice %arg4[%add3A_82, %dma_wait3A_165] : memref<81920x64xf32, #tpu.memory_space<hbm>> -> memref<128x64xf32, #tpu.memory_space<hbm>>
      %dma_wait3A_167 = arith.constant 0 : i32
      %dma_wait3A_168 = tpu.memref_slice %arg4[%add3A_82, %dma_wait3A_167] : memref<81920x64xf32, #tpu.memory_space<hbm>> -> memref<128x64xf32, #tpu.memory_space<hbm>>
      tpu.wait_dma2 semaphore(%run_scoped3A : memref<!tpu.dma_semaphore, #tpu.memory_space<semaphore_mem>>) src(%arg6 : memref<128x64xf32, #tpu.memory_space<vmem>>) dst(%dma_wait3A_168 : memref<128x64xf32, #tpu.memory_space<hbm>>)
      tpu.yield
    }) : () -> ()
    %add3A_89 = arith.constant 1408 : i32
    %add3A_90 = arith.addi %mul3A_2, %add3A_89 : i32
    "tpu.region"() ({
      %run_scoped3A = tpu.sem_alloc : memref<!tpu.dma_semaphore, #tpu.memory_space<semaphore_mem>>
      %dma_start3A_161 = tpu.memref_slice %arg3[%add3A_90] : memref<81920xi32, #tpu.memory_space<hbm>> -> memref<128xi32, #tpu.memory_space<hbm>>
      %dma_start3A_162 = tpu.memref_slice %arg3[%add3A_90] : memref<81920xi32, #tpu.memory_space<hbm>> -> memref<128xi32, #tpu.memory_space<hbm>>
      tpu.enqueue_dma source(%dma_start3A_162 : memref<128xi32, #tpu.memory_space<hbm>>) target(%arg5 : memref<128xi32, #tpu.memory_space<vmem>>) target_semaphore(%run_scoped3A : memref<!tpu.dma_semaphore, #tpu.memory_space<semaphore_mem>>)
      %dma_wait3A_163 = tpu.memref_slice %arg3[%add3A_90] : memref<81920xi32, #tpu.memory_space<hbm>> -> memref<128xi32, #tpu.memory_space<hbm>>
      %dma_wait3A_164 = tpu.memref_slice %arg3[%add3A_90] : memref<81920xi32, #tpu.memory_space<hbm>> -> memref<128xi32, #tpu.memory_space<hbm>>
      tpu.wait_dma2 semaphore(%run_scoped3A : memref<!tpu.dma_semaphore, #tpu.memory_space<semaphore_mem>>) src(%dma_wait3A_164 : memref<128xi32, #tpu.memory_space<hbm>>) dst(%arg5 : memref<128xi32, #tpu.memory_space<vmem>>)
      tpu.yield
    }) : () -> ()
    %dma_start3A_91 = arith.constant 0 : i32
    %dma_start3A_92 = arith.constant 0 : i32
    %dma_start3A_93 = tpu.memref_slice %arg2[%dma_start3A_91, %dma_start3A_92] : memref<100000x64xf32, #tpu.memory_space<hbm>> -> memref<100000x64xf32, #tpu.memory_space<hbm>>
    tpu.enqueue_indirect_dma source(%dma_start3A_93 : memref<100000x64xf32, #tpu.memory_space<hbm>>) target(%arg6 : memref<128x64xf32, #tpu.memory_space<vmem>>) offsets(%arg5 : memref<128xi32, #tpu.memory_space<vmem>>) semaphore(%arg7 : memref<!tpu.dma_semaphore, #tpu.memory_space<semaphore_mem>>)
    %dma_wait3A_94 = arith.constant 0 : i32
    %dma_wait3A_95 = arith.constant 0 : i32
    %dma_wait3A_96 = tpu.memref_slice %arg2[%dma_wait3A_94, %dma_wait3A_95] : memref<100000x64xf32, #tpu.memory_space<hbm>> -> memref<100000x64xf32, #tpu.memory_space<hbm>>
    tpu.wait_indirect_dma semaphore(%arg7 : memref<!tpu.dma_semaphore, #tpu.memory_space<semaphore_mem>>) src(%dma_wait3A_96 : memref<100000x64xf32, #tpu.memory_space<hbm>>) dst(%arg6 : memref<128x64xf32, #tpu.memory_space<vmem>>)
    "tpu.region"() ({
      %run_scoped3A = tpu.sem_alloc : memref<!tpu.dma_semaphore, #tpu.memory_space<semaphore_mem>>
      %dma_start3A_161 = arith.constant 0 : i32
      %dma_start3A_162 = tpu.memref_slice %arg4[%add3A_90, %dma_start3A_161] : memref<81920x64xf32, #tpu.memory_space<hbm>> -> memref<128x64xf32, #tpu.memory_space<hbm>>
      %dma_start3A_163 = arith.constant 0 : i32
      %dma_start3A_164 = tpu.memref_slice %arg4[%add3A_90, %dma_start3A_163] : memref<81920x64xf32, #tpu.memory_space<hbm>> -> memref<128x64xf32, #tpu.memory_space<hbm>>
      tpu.enqueue_dma source(%arg6 : memref<128x64xf32, #tpu.memory_space<vmem>>) target(%dma_start3A_164 : memref<128x64xf32, #tpu.memory_space<hbm>>) target_semaphore(%run_scoped3A : memref<!tpu.dma_semaphore, #tpu.memory_space<semaphore_mem>>)
      %dma_wait3A_165 = arith.constant 0 : i32
      %dma_wait3A_166 = tpu.memref_slice %arg4[%add3A_90, %dma_wait3A_165] : memref<81920x64xf32, #tpu.memory_space<hbm>> -> memref<128x64xf32, #tpu.memory_space<hbm>>
      %dma_wait3A_167 = arith.constant 0 : i32
      %dma_wait3A_168 = tpu.memref_slice %arg4[%add3A_90, %dma_wait3A_167] : memref<81920x64xf32, #tpu.memory_space<hbm>> -> memref<128x64xf32, #tpu.memory_space<hbm>>
      tpu.wait_dma2 semaphore(%run_scoped3A : memref<!tpu.dma_semaphore, #tpu.memory_space<semaphore_mem>>) src(%arg6 : memref<128x64xf32, #tpu.memory_space<vmem>>) dst(%dma_wait3A_168 : memref<128x64xf32, #tpu.memory_space<hbm>>)
      tpu.yield
    }) : () -> ()
    %add3A_97 = arith.constant 1536 : i32
    %add3A_98 = arith.addi %mul3A_2, %add3A_97 : i32
    "tpu.region"() ({
      %run_scoped3A = tpu.sem_alloc : memref<!tpu.dma_semaphore, #tpu.memory_space<semaphore_mem>>
      %dma_start3A_161 = tpu.memref_slice %arg3[%add3A_98] : memref<81920xi32, #tpu.memory_space<hbm>> -> memref<128xi32, #tpu.memory_space<hbm>>
      %dma_start3A_162 = tpu.memref_slice %arg3[%add3A_98] : memref<81920xi32, #tpu.memory_space<hbm>> -> memref<128xi32, #tpu.memory_space<hbm>>
      tpu.enqueue_dma source(%dma_start3A_162 : memref<128xi32, #tpu.memory_space<hbm>>) target(%arg5 : memref<128xi32, #tpu.memory_space<vmem>>) target_semaphore(%run_scoped3A : memref<!tpu.dma_semaphore, #tpu.memory_space<semaphore_mem>>)
      %dma_wait3A_163 = tpu.memref_slice %arg3[%add3A_98] : memref<81920xi32, #tpu.memory_space<hbm>> -> memref<128xi32, #tpu.memory_space<hbm>>
      %dma_wait3A_164 = tpu.memref_slice %arg3[%add3A_98] : memref<81920xi32, #tpu.memory_space<hbm>> -> memref<128xi32, #tpu.memory_space<hbm>>
      tpu.wait_dma2 semaphore(%run_scoped3A : memref<!tpu.dma_semaphore, #tpu.memory_space<semaphore_mem>>) src(%dma_wait3A_164 : memref<128xi32, #tpu.memory_space<hbm>>) dst(%arg5 : memref<128xi32, #tpu.memory_space<vmem>>)
      tpu.yield
    }) : () -> ()
    %dma_start3A_99 = arith.constant 0 : i32
    %dma_start3A_100 = arith.constant 0 : i32
    %dma_start3A_101 = tpu.memref_slice %arg2[%dma_start3A_99, %dma_start3A_100] : memref<100000x64xf32, #tpu.memory_space<hbm>> -> memref<100000x64xf32, #tpu.memory_space<hbm>>
    tpu.enqueue_indirect_dma source(%dma_start3A_101 : memref<100000x64xf32, #tpu.memory_space<hbm>>) target(%arg6 : memref<128x64xf32, #tpu.memory_space<vmem>>) offsets(%arg5 : memref<128xi32, #tpu.memory_space<vmem>>) semaphore(%arg7 : memref<!tpu.dma_semaphore, #tpu.memory_space<semaphore_mem>>)
    %dma_wait3A_102 = arith.constant 0 : i32
    %dma_wait3A_103 = arith.constant 0 : i32
    %dma_wait3A_104 = tpu.memref_slice %arg2[%dma_wait3A_102, %dma_wait3A_103] : memref<100000x64xf32, #tpu.memory_space<hbm>> -> memref<100000x64xf32, #tpu.memory_space<hbm>>
    tpu.wait_indirect_dma semaphore(%arg7 : memref<!tpu.dma_semaphore, #tpu.memory_space<semaphore_mem>>) src(%dma_wait3A_104 : memref<100000x64xf32, #tpu.memory_space<hbm>>) dst(%arg6 : memref<128x64xf32, #tpu.memory_space<vmem>>)
    "tpu.region"() ({
      %run_scoped3A = tpu.sem_alloc : memref<!tpu.dma_semaphore, #tpu.memory_space<semaphore_mem>>
      %dma_start3A_161 = arith.constant 0 : i32
      %dma_start3A_162 = tpu.memref_slice %arg4[%add3A_98, %dma_start3A_161] : memref<81920x64xf32, #tpu.memory_space<hbm>> -> memref<128x64xf32, #tpu.memory_space<hbm>>
      %dma_start3A_163 = arith.constant 0 : i32
      %dma_start3A_164 = tpu.memref_slice %arg4[%add3A_98, %dma_start3A_163] : memref<81920x64xf32, #tpu.memory_space<hbm>> -> memref<128x64xf32, #tpu.memory_space<hbm>>
      tpu.enqueue_dma source(%arg6 : memref<128x64xf32, #tpu.memory_space<vmem>>) target(%dma_start3A_164 : memref<128x64xf32, #tpu.memory_space<hbm>>) target_semaphore(%run_scoped3A : memref<!tpu.dma_semaphore, #tpu.memory_space<semaphore_mem>>)
      %dma_wait3A_165 = arith.constant 0 : i32
      %dma_wait3A_166 = tpu.memref_slice %arg4[%add3A_98, %dma_wait3A_165] : memref<81920x64xf32, #tpu.memory_space<hbm>> -> memref<128x64xf32, #tpu.memory_space<hbm>>
      %dma_wait3A_167 = arith.constant 0 : i32
      %dma_wait3A_168 = tpu.memref_slice %arg4[%add3A_98, %dma_wait3A_167] : memref<81920x64xf32, #tpu.memory_space<hbm>> -> memref<128x64xf32, #tpu.memory_space<hbm>>
      tpu.wait_dma2 semaphore(%run_scoped3A : memref<!tpu.dma_semaphore, #tpu.memory_space<semaphore_mem>>) src(%arg6 : memref<128x64xf32, #tpu.memory_space<vmem>>) dst(%dma_wait3A_168 : memref<128x64xf32, #tpu.memory_space<hbm>>)
      tpu.yield
    }) : () -> ()
    %add3A_105 = arith.constant 1664 : i32
    %add3A_106 = arith.addi %mul3A_2, %add3A_105 : i32
    "tpu.region"() ({
      %run_scoped3A = tpu.sem_alloc : memref<!tpu.dma_semaphore, #tpu.memory_space<semaphore_mem>>
      %dma_start3A_161 = tpu.memref_slice %arg3[%add3A_106] : memref<81920xi32, #tpu.memory_space<hbm>> -> memref<128xi32, #tpu.memory_space<hbm>>
      %dma_start3A_162 = tpu.memref_slice %arg3[%add3A_106] : memref<81920xi32, #tpu.memory_space<hbm>> -> memref<128xi32, #tpu.memory_space<hbm>>
      tpu.enqueue_dma source(%dma_start3A_162 : memref<128xi32, #tpu.memory_space<hbm>>) target(%arg5 : memref<128xi32, #tpu.memory_space<vmem>>) target_semaphore(%run_scoped3A : memref<!tpu.dma_semaphore, #tpu.memory_space<semaphore_mem>>)
      %dma_wait3A_163 = tpu.memref_slice %arg3[%add3A_106] : memref<81920xi32, #tpu.memory_space<hbm>> -> memref<128xi32, #tpu.memory_space<hbm>>
      %dma_wait3A_164 = tpu.memref_slice %arg3[%add3A_106] : memref<81920xi32, #tpu.memory_space<hbm>> -> memref<128xi32, #tpu.memory_space<hbm>>
      tpu.wait_dma2 semaphore(%run_scoped3A : memref<!tpu.dma_semaphore, #tpu.memory_space<semaphore_mem>>) src(%dma_wait3A_164 : memref<128xi32, #tpu.memory_space<hbm>>) dst(%arg5 : memref<128xi32, #tpu.memory_space<vmem>>)
      tpu.yield
    }) : () -> ()
    %dma_start3A_107 = arith.constant 0 : i32
    %dma_start3A_108 = arith.constant 0 : i32
    %dma_start3A_109 = tpu.memref_slice %arg2[%dma_start3A_107, %dma_start3A_108] : memref<100000x64xf32, #tpu.memory_space<hbm>> -> memref<100000x64xf32, #tpu.memory_space<hbm>>
    tpu.enqueue_indirect_dma source(%dma_start3A_109 : memref<100000x64xf32, #tpu.memory_space<hbm>>) target(%arg6 : memref<128x64xf32, #tpu.memory_space<vmem>>) offsets(%arg5 : memref<128xi32, #tpu.memory_space<vmem>>) semaphore(%arg7 : memref<!tpu.dma_semaphore, #tpu.memory_space<semaphore_mem>>)
    %dma_wait3A_110 = arith.constant 0 : i32
    %dma_wait3A_111 = arith.constant 0 : i32
    %dma_wait3A_112 = tpu.memref_slice %arg2[%dma_wait3A_110, %dma_wait3A_111] : memref<100000x64xf32, #tpu.memory_space<hbm>> -> memref<100000x64xf32, #tpu.memory_space<hbm>>
    tpu.wait_indirect_dma semaphore(%arg7 : memref<!tpu.dma_semaphore, #tpu.memory_space<semaphore_mem>>) src(%dma_wait3A_112 : memref<100000x64xf32, #tpu.memory_space<hbm>>) dst(%arg6 : memref<128x64xf32, #tpu.memory_space<vmem>>)
    "tpu.region"() ({
      %run_scoped3A = tpu.sem_alloc : memref<!tpu.dma_semaphore, #tpu.memory_space<semaphore_mem>>
      %dma_start3A_161 = arith.constant 0 : i32
      %dma_start3A_162 = tpu.memref_slice %arg4[%add3A_106, %dma_start3A_161] : memref<81920x64xf32, #tpu.memory_space<hbm>> -> memref<128x64xf32, #tpu.memory_space<hbm>>
      %dma_start3A_163 = arith.constant 0 : i32
      %dma_start3A_164 = tpu.memref_slice %arg4[%add3A_106, %dma_start3A_163] : memref<81920x64xf32, #tpu.memory_space<hbm>> -> memref<128x64xf32, #tpu.memory_space<hbm>>
      tpu.enqueue_dma source(%arg6 : memref<128x64xf32, #tpu.memory_space<vmem>>) target(%dma_start3A_164 : memref<128x64xf32, #tpu.memory_space<hbm>>) target_semaphore(%run_scoped3A : memref<!tpu.dma_semaphore, #tpu.memory_space<semaphore_mem>>)
      %dma_wait3A_165 = arith.constant 0 : i32
      %dma_wait3A_166 = tpu.memref_slice %arg4[%add3A_106, %dma_wait3A_165] : memref<81920x64xf32, #tpu.memory_space<hbm>> -> memref<128x64xf32, #tpu.memory_space<hbm>>
      %dma_wait3A_167 = arith.constant 0 : i32
      %dma_wait3A_168 = tpu.memref_slice %arg4[%add3A_106, %dma_wait3A_167] : memref<81920x64xf32, #tpu.memory_space<hbm>> -> memref<128x64xf32, #tpu.memory_space<hbm>>
      tpu.wait_dma2 semaphore(%run_scoped3A : memref<!tpu.dma_semaphore, #tpu.memory_space<semaphore_mem>>) src(%arg6 : memref<128x64xf32, #tpu.memory_space<vmem>>) dst(%dma_wait3A_168 : memref<128x64xf32, #tpu.memory_space<hbm>>)
      tpu.yield
    }) : () -> ()
    %add3A_113 = arith.constant 1792 : i32
    %add3A_114 = arith.addi %mul3A_2, %add3A_113 : i32
    "tpu.region"() ({
      %run_scoped3A = tpu.sem_alloc : memref<!tpu.dma_semaphore, #tpu.memory_space<semaphore_mem>>
      %dma_start3A_161 = tpu.memref_slice %arg3[%add3A_114] : memref<81920xi32, #tpu.memory_space<hbm>> -> memref<128xi32, #tpu.memory_space<hbm>>
      %dma_start3A_162 = tpu.memref_slice %arg3[%add3A_114] : memref<81920xi32, #tpu.memory_space<hbm>> -> memref<128xi32, #tpu.memory_space<hbm>>
      tpu.enqueue_dma source(%dma_start3A_162 : memref<128xi32, #tpu.memory_space<hbm>>) target(%arg5 : memref<128xi32, #tpu.memory_space<vmem>>) target_semaphore(%run_scoped3A : memref<!tpu.dma_semaphore, #tpu.memory_space<semaphore_mem>>)
      %dma_wait3A_163 = tpu.memref_slice %arg3[%add3A_114] : memref<81920xi32, #tpu.memory_space<hbm>> -> memref<128xi32, #tpu.memory_space<hbm>>
      %dma_wait3A_164 = tpu.memref_slice %arg3[%add3A_114] : memref<81920xi32, #tpu.memory_space<hbm>> -> memref<128xi32, #tpu.memory_space<hbm>>
      tpu.wait_dma2 semaphore(%run_scoped3A : memref<!tpu.dma_semaphore, #tpu.memory_space<semaphore_mem>>) src(%dma_wait3A_164 : memref<128xi32, #tpu.memory_space<hbm>>) dst(%arg5 : memref<128xi32, #tpu.memory_space<vmem>>)
      tpu.yield
    }) : () -> ()
    %dma_start3A_115 = arith.constant 0 : i32
    %dma_start3A_116 = arith.constant 0 : i32
    %dma_start3A_117 = tpu.memref_slice %arg2[%dma_start3A_115, %dma_start3A_116] : memref<100000x64xf32, #tpu.memory_space<hbm>> -> memref<100000x64xf32, #tpu.memory_space<hbm>>
    tpu.enqueue_indirect_dma source(%dma_start3A_117 : memref<100000x64xf32, #tpu.memory_space<hbm>>) target(%arg6 : memref<128x64xf32, #tpu.memory_space<vmem>>) offsets(%arg5 : memref<128xi32, #tpu.memory_space<vmem>>) semaphore(%arg7 : memref<!tpu.dma_semaphore, #tpu.memory_space<semaphore_mem>>)
    %dma_wait3A_118 = arith.constant 0 : i32
    %dma_wait3A_119 = arith.constant 0 : i32
    %dma_wait3A_120 = tpu.memref_slice %arg2[%dma_wait3A_118, %dma_wait3A_119] : memref<100000x64xf32, #tpu.memory_space<hbm>> -> memref<100000x64xf32, #tpu.memory_space<hbm>>
    tpu.wait_indirect_dma semaphore(%arg7 : memref<!tpu.dma_semaphore, #tpu.memory_space<semaphore_mem>>) src(%dma_wait3A_120 : memref<100000x64xf32, #tpu.memory_space<hbm>>) dst(%arg6 : memref<128x64xf32, #tpu.memory_space<vmem>>)
    "tpu.region"() ({
      %run_scoped3A = tpu.sem_alloc : memref<!tpu.dma_semaphore, #tpu.memory_space<semaphore_mem>>
      %dma_start3A_161 = arith.constant 0 : i32
      %dma_start3A_162 = tpu.memref_slice %arg4[%add3A_114, %dma_start3A_161] : memref<81920x64xf32, #tpu.memory_space<hbm>> -> memref<128x64xf32, #tpu.memory_space<hbm>>
      %dma_start3A_163 = arith.constant 0 : i32
      %dma_start3A_164 = tpu.memref_slice %arg4[%add3A_114, %dma_start3A_163] : memref<81920x64xf32, #tpu.memory_space<hbm>> -> memref<128x64xf32, #tpu.memory_space<hbm>>
      tpu.enqueue_dma source(%arg6 : memref<128x64xf32, #tpu.memory_space<vmem>>) target(%dma_start3A_164 : memref<128x64xf32, #tpu.memory_space<hbm>>) target_semaphore(%run_scoped3A : memref<!tpu.dma_semaphore, #tpu.memory_space<semaphore_mem>>)
      %dma_wait3A_165 = arith.constant 0 : i32
      %dma_wait3A_166 = tpu.memref_slice %arg4[%add3A_114, %dma_wait3A_165] : memref<81920x64xf32, #tpu.memory_space<hbm>> -> memref<128x64xf32, #tpu.memory_space<hbm>>
      %dma_wait3A_167 = arith.constant 0 : i32
      %dma_wait3A_168 = tpu.memref_slice %arg4[%add3A_114, %dma_wait3A_167] : memref<81920x64xf32, #tpu.memory_space<hbm>> -> memref<128x64xf32, #tpu.memory_space<hbm>>
      tpu.wait_dma2 semaphore(%run_scoped3A : memref<!tpu.dma_semaphore, #tpu.memory_space<semaphore_mem>>) src(%arg6 : memref<128x64xf32, #tpu.memory_space<vmem>>) dst(%dma_wait3A_168 : memref<128x64xf32, #tpu.memory_space<hbm>>)
      tpu.yield
    }) : () -> ()
    %add3A_121 = arith.constant 1920 : i32
    %add3A_122 = arith.addi %mul3A_2, %add3A_121 : i32
    "tpu.region"() ({
      %run_scoped3A = tpu.sem_alloc : memref<!tpu.dma_semaphore, #tpu.memory_space<semaphore_mem>>
      %dma_start3A_161 = tpu.memref_slice %arg3[%add3A_122] : memref<81920xi32, #tpu.memory_space<hbm>> -> memref<128xi32, #tpu.memory_space<hbm>>
      %dma_start3A_162 = tpu.memref_slice %arg3[%add3A_122] : memref<81920xi32, #tpu.memory_space<hbm>> -> memref<128xi32, #tpu.memory_space<hbm>>
      tpu.enqueue_dma source(%dma_start3A_162 : memref<128xi32, #tpu.memory_space<hbm>>) target(%arg5 : memref<128xi32, #tpu.memory_space<vmem>>) target_semaphore(%run_scoped3A : memref<!tpu.dma_semaphore, #tpu.memory_space<semaphore_mem>>)
      %dma_wait3A_163 = tpu.memref_slice %arg3[%add3A_122] : memref<81920xi32, #tpu.memory_space<hbm>> -> memref<128xi32, #tpu.memory_space<hbm>>
      %dma_wait3A_164 = tpu.memref_slice %arg3[%add3A_122] : memref<81920xi32, #tpu.memory_space<hbm>> -> memref<128xi32, #tpu.memory_space<hbm>>
      tpu.wait_dma2 semaphore(%run_scoped3A : memref<!tpu.dma_semaphore, #tpu.memory_space<semaphore_mem>>) src(%dma_wait3A_164 : memref<128xi32, #tpu.memory_space<hbm>>) dst(%arg5 : memref<128xi32, #tpu.memory_space<vmem>>)
      tpu.yield
    }) : () -> ()
    %dma_start3A_123 = arith.constant 0 : i32
    %dma_start3A_124 = arith.constant 0 : i32
    %dma_start3A_125 = tpu.memref_slice %arg2[%dma_start3A_123, %dma_start3A_124] : memref<100000x64xf32, #tpu.memory_space<hbm>> -> memref<100000x64xf32, #tpu.memory_space<hbm>>
    tpu.enqueue_indirect_dma source(%dma_start3A_125 : memref<100000x64xf32, #tpu.memory_space<hbm>>) target(%arg6 : memref<128x64xf32, #tpu.memory_space<vmem>>) offsets(%arg5 : memref<128xi32, #tpu.memory_space<vmem>>) semaphore(%arg7 : memref<!tpu.dma_semaphore, #tpu.memory_space<semaphore_mem>>)
    %dma_wait3A_126 = arith.constant 0 : i32
    %dma_wait3A_127 = arith.constant 0 : i32
    %dma_wait3A_128 = tpu.memref_slice %arg2[%dma_wait3A_126, %dma_wait3A_127] : memref<100000x64xf32, #tpu.memory_space<hbm>> -> memref<100000x64xf32, #tpu.memory_space<hbm>>
    tpu.wait_indirect_dma semaphore(%arg7 : memref<!tpu.dma_semaphore, #tpu.memory_space<semaphore_mem>>) src(%dma_wait3A_128 : memref<100000x64xf32, #tpu.memory_space<hbm>>) dst(%arg6 : memref<128x64xf32, #tpu.memory_space<vmem>>)
    "tpu.region"() ({
      %run_scoped3A = tpu.sem_alloc : memref<!tpu.dma_semaphore, #tpu.memory_space<semaphore_mem>>
      %dma_start3A_161 = arith.constant 0 : i32
      %dma_start3A_162 = tpu.memref_slice %arg4[%add3A_122, %dma_start3A_161] : memref<81920x64xf32, #tpu.memory_space<hbm>> -> memref<128x64xf32, #tpu.memory_space<hbm>>
      %dma_start3A_163 = arith.constant 0 : i32
      %dma_start3A_164 = tpu.memref_slice %arg4[%add3A_122, %dma_start3A_163] : memref<81920x64xf32, #tpu.memory_space<hbm>> -> memref<128x64xf32, #tpu.memory_space<hbm>>
      tpu.enqueue_dma source(%arg6 : memref<128x64xf32, #tpu.memory_space<vmem>>) target(%dma_start3A_164 : memref<128x64xf32, #tpu.memory_space<hbm>>) target_semaphore(%run_scoped3A : memref<!tpu.dma_semaphore, #tpu.memory_space<semaphore_mem>>)
      %dma_wait3A_165 = arith.constant 0 : i32
      %dma_wait3A_166 = tpu.memref_slice %arg4[%add3A_122, %dma_wait3A_165] : memref<81920x64xf32, #tpu.memory_space<hbm>> -> memref<128x64xf32, #tpu.memory_space<hbm>>
      %dma_wait3A_167 = arith.constant 0 : i32
      %dma_wait3A_168 = tpu.memref_slice %arg4[%add3A_122, %dma_wait3A_167] : memref<81920x64xf32, #tpu.memory_space<hbm>> -> memref<128x64xf32, #tpu.memory_space<hbm>>
      tpu.wait_dma2 semaphore(%run_scoped3A : memref<!tpu.dma_semaphore, #tpu.memory_space<semaphore_mem>>) src(%arg6 : memref<128x64xf32, #tpu.memory_space<vmem>>) dst(%dma_wait3A_168 : memref<128x64xf32, #tpu.memory_space<hbm>>)
      tpu.yield
    }) : () -> ()
    %add3A_129 = arith.constant 2048 : i32
    %add3A_130 = arith.addi %mul3A_2, %add3A_129 : i32
    "tpu.region"() ({
      %run_scoped3A = tpu.sem_alloc : memref<!tpu.dma_semaphore, #tpu.memory_space<semaphore_mem>>
      %dma_start3A_161 = tpu.memref_slice %arg3[%add3A_130] : memref<81920xi32, #tpu.memory_space<hbm>> -> memref<128xi32, #tpu.memory_space<hbm>>
      %dma_start3A_162 = tpu.memref_slice %arg3[%add3A_130] : memref<81920xi32, #tpu.memory_space<hbm>> -> memref<128xi32, #tpu.memory_space<hbm>>
      tpu.enqueue_dma source(%dma_start3A_162 : memref<128xi32, #tpu.memory_space<hbm>>) target(%arg5 : memref<128xi32, #tpu.memory_space<vmem>>) target_semaphore(%run_scoped3A : memref<!tpu.dma_semaphore, #tpu.memory_space<semaphore_mem>>)
      %dma_wait3A_163 = tpu.memref_slice %arg3[%add3A_130] : memref<81920xi32, #tpu.memory_space<hbm>> -> memref<128xi32, #tpu.memory_space<hbm>>
      %dma_wait3A_164 = tpu.memref_slice %arg3[%add3A_130] : memref<81920xi32, #tpu.memory_space<hbm>> -> memref<128xi32, #tpu.memory_space<hbm>>
      tpu.wait_dma2 semaphore(%run_scoped3A : memref<!tpu.dma_semaphore, #tpu.memory_space<semaphore_mem>>) src(%dma_wait3A_164 : memref<128xi32, #tpu.memory_space<hbm>>) dst(%arg5 : memref<128xi32, #tpu.memory_space<vmem>>)
      tpu.yield
    }) : () -> ()
    %dma_start3A_131 = arith.constant 0 : i32
    %dma_start3A_132 = arith.constant 0 : i32
    %dma_start3A_133 = tpu.memref_slice %arg2[%dma_start3A_131, %dma_start3A_132] : memref<100000x64xf32, #tpu.memory_space<hbm>> -> memref<100000x64xf32, #tpu.memory_space<hbm>>
    tpu.enqueue_indirect_dma source(%dma_start3A_133 : memref<100000x64xf32, #tpu.memory_space<hbm>>) target(%arg6 : memref<128x64xf32, #tpu.memory_space<vmem>>) offsets(%arg5 : memref<128xi32, #tpu.memory_space<vmem>>) semaphore(%arg7 : memref<!tpu.dma_semaphore, #tpu.memory_space<semaphore_mem>>)
    %dma_wait3A_134 = arith.constant 0 : i32
    %dma_wait3A_135 = arith.constant 0 : i32
    %dma_wait3A_136 = tpu.memref_slice %arg2[%dma_wait3A_134, %dma_wait3A_135] : memref<100000x64xf32, #tpu.memory_space<hbm>> -> memref<100000x64xf32, #tpu.memory_space<hbm>>
    tpu.wait_indirect_dma semaphore(%arg7 : memref<!tpu.dma_semaphore, #tpu.memory_space<semaphore_mem>>) src(%dma_wait3A_136 : memref<100000x64xf32, #tpu.memory_space<hbm>>) dst(%arg6 : memref<128x64xf32, #tpu.memory_space<vmem>>)
    "tpu.region"() ({
      %run_scoped3A = tpu.sem_alloc : memref<!tpu.dma_semaphore, #tpu.memory_space<semaphore_mem>>
      %dma_start3A_161 = arith.constant 0 : i32
      %dma_start3A_162 = tpu.memref_slice %arg4[%add3A_130, %dma_start3A_161] : memref<81920x64xf32, #tpu.memory_space<hbm>> -> memref<128x64xf32, #tpu.memory_space<hbm>>
      %dma_start3A_163 = arith.constant 0 : i32
      %dma_start3A_164 = tpu.memref_slice %arg4[%add3A_130, %dma_start3A_163] : memref<81920x64xf32, #tpu.memory_space<hbm>> -> memref<128x64xf32, #tpu.memory_space<hbm>>
      tpu.enqueue_dma source(%arg6 : memref<128x64xf32, #tpu.memory_space<vmem>>) target(%dma_start3A_164 : memref<128x64xf32, #tpu.memory_space<hbm>>) target_semaphore(%run_scoped3A : memref<!tpu.dma_semaphore, #tpu.memory_space<semaphore_mem>>)
      %dma_wait3A_165 = arith.constant 0 : i32
      %dma_wait3A_166 = tpu.memref_slice %arg4[%add3A_130, %dma_wait3A_165] : memref<81920x64xf32, #tpu.memory_space<hbm>> -> memref<128x64xf32, #tpu.memory_space<hbm>>
      %dma_wait3A_167 = arith.constant 0 : i32
      %dma_wait3A_168 = tpu.memref_slice %arg4[%add3A_130, %dma_wait3A_167] : memref<81920x64xf32, #tpu.memory_space<hbm>> -> memref<128x64xf32, #tpu.memory_space<hbm>>
      tpu.wait_dma2 semaphore(%run_scoped3A : memref<!tpu.dma_semaphore, #tpu.memory_space<semaphore_mem>>) src(%arg6 : memref<128x64xf32, #tpu.memory_space<vmem>>) dst(%dma_wait3A_168 : memref<128x64xf32, #tpu.memory_space<hbm>>)
      tpu.yield
    }) : () -> ()
    %add3A_137 = arith.constant 2176 : i32
    %add3A_138 = arith.addi %mul3A_2, %add3A_137 : i32
    "tpu.region"() ({
      %run_scoped3A = tpu.sem_alloc : memref<!tpu.dma_semaphore, #tpu.memory_space<semaphore_mem>>
      %dma_start3A_161 = tpu.memref_slice %arg3[%add3A_138] : memref<81920xi32, #tpu.memory_space<hbm>> -> memref<128xi32, #tpu.memory_space<hbm>>
      %dma_start3A_162 = tpu.memref_slice %arg3[%add3A_138] : memref<81920xi32, #tpu.memory_space<hbm>> -> memref<128xi32, #tpu.memory_space<hbm>>
      tpu.enqueue_dma source(%dma_start3A_162 : memref<128xi32, #tpu.memory_space<hbm>>) target(%arg5 : memref<128xi32, #tpu.memory_space<vmem>>) target_semaphore(%run_scoped3A : memref<!tpu.dma_semaphore, #tpu.memory_space<semaphore_mem>>)
      %dma_wait3A_163 = tpu.memref_slice %arg3[%add3A_138] : memref<81920xi32, #tpu.memory_space<hbm>> -> memref<128xi32, #tpu.memory_space<hbm>>
      %dma_wait3A_164 = tpu.memref_slice %arg3[%add3A_138] : memref<81920xi32, #tpu.memory_space<hbm>> -> memref<128xi32, #tpu.memory_space<hbm>>
      tpu.wait_dma2 semaphore(%run_scoped3A : memref<!tpu.dma_semaphore, #tpu.memory_space<semaphore_mem>>) src(%dma_wait3A_164 : memref<128xi32, #tpu.memory_space<hbm>>) dst(%arg5 : memref<128xi32, #tpu.memory_space<vmem>>)
      tpu.yield
    }) : () -> ()
    %dma_start3A_139 = arith.constant 0 : i32
    %dma_start3A_140 = arith.constant 0 : i32
    %dma_start3A_141 = tpu.memref_slice %arg2[%dma_start3A_139, %dma_start3A_140] : memref<100000x64xf32, #tpu.memory_space<hbm>> -> memref<100000x64xf32, #tpu.memory_space<hbm>>
    tpu.enqueue_indirect_dma source(%dma_start3A_141 : memref<100000x64xf32, #tpu.memory_space<hbm>>) target(%arg6 : memref<128x64xf32, #tpu.memory_space<vmem>>) offsets(%arg5 : memref<128xi32, #tpu.memory_space<vmem>>) semaphore(%arg7 : memref<!tpu.dma_semaphore, #tpu.memory_space<semaphore_mem>>)
    %dma_wait3A_142 = arith.constant 0 : i32
    %dma_wait3A_143 = arith.constant 0 : i32
    %dma_wait3A_144 = tpu.memref_slice %arg2[%dma_wait3A_142, %dma_wait3A_143] : memref<100000x64xf32, #tpu.memory_space<hbm>> -> memref<100000x64xf32, #tpu.memory_space<hbm>>
    tpu.wait_indirect_dma semaphore(%arg7 : memref<!tpu.dma_semaphore, #tpu.memory_space<semaphore_mem>>) src(%dma_wait3A_144 : memref<100000x64xf32, #tpu.memory_space<hbm>>) dst(%arg6 : memref<128x64xf32, #tpu.memory_space<vmem>>)
    "tpu.region"() ({
      %run_scoped3A = tpu.sem_alloc : memref<!tpu.dma_semaphore, #tpu.memory_space<semaphore_mem>>
      %dma_start3A_161 = arith.constant 0 : i32
      %dma_start3A_162 = tpu.memref_slice %arg4[%add3A_138, %dma_start3A_161] : memref<81920x64xf32, #tpu.memory_space<hbm>> -> memref<128x64xf32, #tpu.memory_space<hbm>>
      %dma_start3A_163 = arith.constant 0 : i32
      %dma_start3A_164 = tpu.memref_slice %arg4[%add3A_138, %dma_start3A_163] : memref<81920x64xf32, #tpu.memory_space<hbm>> -> memref<128x64xf32, #tpu.memory_space<hbm>>
      tpu.enqueue_dma source(%arg6 : memref<128x64xf32, #tpu.memory_space<vmem>>) target(%dma_start3A_164 : memref<128x64xf32, #tpu.memory_space<hbm>>) target_semaphore(%run_scoped3A : memref<!tpu.dma_semaphore, #tpu.memory_space<semaphore_mem>>)
      %dma_wait3A_165 = arith.constant 0 : i32
      %dma_wait3A_166 = tpu.memref_slice %arg4[%add3A_138, %dma_wait3A_165] : memref<81920x64xf32, #tpu.memory_space<hbm>> -> memref<128x64xf32, #tpu.memory_space<hbm>>
      %dma_wait3A_167 = arith.constant 0 : i32
      %dma_wait3A_168 = tpu.memref_slice %arg4[%add3A_138, %dma_wait3A_167] : memref<81920x64xf32, #tpu.memory_space<hbm>> -> memref<128x64xf32, #tpu.memory_space<hbm>>
      tpu.wait_dma2 semaphore(%run_scoped3A : memref<!tpu.dma_semaphore, #tpu.memory_space<semaphore_mem>>) src(%arg6 : memref<128x64xf32, #tpu.memory_space<vmem>>) dst(%dma_wait3A_168 : memref<128x64xf32, #tpu.memory_space<hbm>>)
      tpu.yield
    }) : () -> ()
    %add3A_145 = arith.constant 2304 : i32
    %add3A_146 = arith.addi %mul3A_2, %add3A_145 : i32
    "tpu.region"() ({
      %run_scoped3A = tpu.sem_alloc : memref<!tpu.dma_semaphore, #tpu.memory_space<semaphore_mem>>
      %dma_start3A_161 = tpu.memref_slice %arg3[%add3A_146] : memref<81920xi32, #tpu.memory_space<hbm>> -> memref<128xi32, #tpu.memory_space<hbm>>
      %dma_start3A_162 = tpu.memref_slice %arg3[%add3A_146] : memref<81920xi32, #tpu.memory_space<hbm>> -> memref<128xi32, #tpu.memory_space<hbm>>
      tpu.enqueue_dma source(%dma_start3A_162 : memref<128xi32, #tpu.memory_space<hbm>>) target(%arg5 : memref<128xi32, #tpu.memory_space<vmem>>) target_semaphore(%run_scoped3A : memref<!tpu.dma_semaphore, #tpu.memory_space<semaphore_mem>>)
      %dma_wait3A_163 = tpu.memref_slice %arg3[%add3A_146] : memref<81920xi32, #tpu.memory_space<hbm>> -> memref<128xi32, #tpu.memory_space<hbm>>
      %dma_wait3A_164 = tpu.memref_slice %arg3[%add3A_146] : memref<81920xi32, #tpu.memory_space<hbm>> -> memref<128xi32, #tpu.memory_space<hbm>>
      tpu.wait_dma2 semaphore(%run_scoped3A : memref<!tpu.dma_semaphore, #tpu.memory_space<semaphore_mem>>) src(%dma_wait3A_164 : memref<128xi32, #tpu.memory_space<hbm>>) dst(%arg5 : memref<128xi32, #tpu.memory_space<vmem>>)
      tpu.yield
    }) : () -> ()
    %dma_start3A_147 = arith.constant 0 : i32
    %dma_start3A_148 = arith.constant 0 : i32
    %dma_start3A_149 = tpu.memref_slice %arg2[%dma_start3A_147, %dma_start3A_148] : memref<100000x64xf32, #tpu.memory_space<hbm>> -> memref<100000x64xf32, #tpu.memory_space<hbm>>
    tpu.enqueue_indirect_dma source(%dma_start3A_149 : memref<100000x64xf32, #tpu.memory_space<hbm>>) target(%arg6 : memref<128x64xf32, #tpu.memory_space<vmem>>) offsets(%arg5 : memref<128xi32, #tpu.memory_space<vmem>>) semaphore(%arg7 : memref<!tpu.dma_semaphore, #tpu.memory_space<semaphore_mem>>)
    %dma_wait3A_150 = arith.constant 0 : i32
    %dma_wait3A_151 = arith.constant 0 : i32
    %dma_wait3A_152 = tpu.memref_slice %arg2[%dma_wait3A_150, %dma_wait3A_151] : memref<100000x64xf32, #tpu.memory_space<hbm>> -> memref<100000x64xf32, #tpu.memory_space<hbm>>
    tpu.wait_indirect_dma semaphore(%arg7 : memref<!tpu.dma_semaphore, #tpu.memory_space<semaphore_mem>>) src(%dma_wait3A_152 : memref<100000x64xf32, #tpu.memory_space<hbm>>) dst(%arg6 : memref<128x64xf32, #tpu.memory_space<vmem>>)
    "tpu.region"() ({
      %run_scoped3A = tpu.sem_alloc : memref<!tpu.dma_semaphore, #tpu.memory_space<semaphore_mem>>
      %dma_start3A_161 = arith.constant 0 : i32
      %dma_start3A_162 = tpu.memref_slice %arg4[%add3A_146, %dma_start3A_161] : memref<81920x64xf32, #tpu.memory_space<hbm>> -> memref<128x64xf32, #tpu.memory_space<hbm>>
      %dma_start3A_163 = arith.constant 0 : i32
      %dma_start3A_164 = tpu.memref_slice %arg4[%add3A_146, %dma_start3A_163] : memref<81920x64xf32, #tpu.memory_space<hbm>> -> memref<128x64xf32, #tpu.memory_space<hbm>>
      tpu.enqueue_dma source(%arg6 : memref<128x64xf32, #tpu.memory_space<vmem>>) target(%dma_start3A_164 : memref<128x64xf32, #tpu.memory_space<hbm>>) target_semaphore(%run_scoped3A : memref<!tpu.dma_semaphore, #tpu.memory_space<semaphore_mem>>)
      %dma_wait3A_165 = arith.constant 0 : i32
      %dma_wait3A_166 = tpu.memref_slice %arg4[%add3A_146, %dma_wait3A_165] : memref<81920x64xf32, #tpu.memory_space<hbm>> -> memref<128x64xf32, #tpu.memory_space<hbm>>
      %dma_wait3A_167 = arith.constant 0 : i32
      %dma_wait3A_168 = tpu.memref_slice %arg4[%add3A_146, %dma_wait3A_167] : memref<81920x64xf32, #tpu.memory_space<hbm>> -> memref<128x64xf32, #tpu.memory_space<hbm>>
      tpu.wait_dma2 semaphore(%run_scoped3A : memref<!tpu.dma_semaphore, #tpu.memory_space<semaphore_mem>>) src(%arg6 : memref<128x64xf32, #tpu.memory_space<vmem>>) dst(%dma_wait3A_168 : memref<128x64xf32, #tpu.memory_space<hbm>>)
      tpu.yield
    }) : () -> ()
    %add3A_153 = arith.constant 2432 : i32
    %add3A_154 = arith.addi %mul3A_2, %add3A_153 : i32
    "tpu.region"() ({
      %run_scoped3A = tpu.sem_alloc : memref<!tpu.dma_semaphore, #tpu.memory_space<semaphore_mem>>
      %dma_start3A_161 = tpu.memref_slice %arg3[%add3A_154] : memref<81920xi32, #tpu.memory_space<hbm>> -> memref<128xi32, #tpu.memory_space<hbm>>
      %dma_start3A_162 = tpu.memref_slice %arg3[%add3A_154] : memref<81920xi32, #tpu.memory_space<hbm>> -> memref<128xi32, #tpu.memory_space<hbm>>
      tpu.enqueue_dma source(%dma_start3A_162 : memref<128xi32, #tpu.memory_space<hbm>>) target(%arg5 : memref<128xi32, #tpu.memory_space<vmem>>) target_semaphore(%run_scoped3A : memref<!tpu.dma_semaphore, #tpu.memory_space<semaphore_mem>>)
      %dma_wait3A_163 = tpu.memref_slice %arg3[%add3A_154] : memref<81920xi32, #tpu.memory_space<hbm>> -> memref<128xi32, #tpu.memory_space<hbm>>
      %dma_wait3A_164 = tpu.memref_slice %arg3[%add3A_154] : memref<81920xi32, #tpu.memory_space<hbm>> -> memref<128xi32, #tpu.memory_space<hbm>>
      tpu.wait_dma2 semaphore(%run_scoped3A : memref<!tpu.dma_semaphore, #tpu.memory_space<semaphore_mem>>) src(%dma_wait3A_164 : memref<128xi32, #tpu.memory_space<hbm>>) dst(%arg5 : memref<128xi32, #tpu.memory_space<vmem>>)
      tpu.yield
    }) : () -> ()
    %dma_start3A_155 = arith.constant 0 : i32
    %dma_start3A_156 = arith.constant 0 : i32
    %dma_start3A_157 = tpu.memref_slice %arg2[%dma_start3A_155, %dma_start3A_156] : memref<100000x64xf32, #tpu.memory_space<hbm>> -> memref<100000x64xf32, #tpu.memory_space<hbm>>
    tpu.enqueue_indirect_dma source(%dma_start3A_157 : memref<100000x64xf32, #tpu.memory_space<hbm>>) target(%arg6 : memref<128x64xf32, #tpu.memory_space<vmem>>) offsets(%arg5 : memref<128xi32, #tpu.memory_space<vmem>>) semaphore(%arg7 : memref<!tpu.dma_semaphore, #tpu.memory_space<semaphore_mem>>)
    %dma_wait3A_158 = arith.constant 0 : i32
    %dma_wait3A_159 = arith.constant 0 : i32
    %dma_wait3A_160 = tpu.memref_slice %arg2[%dma_wait3A_158, %dma_wait3A_159] : memref<100000x64xf32, #tpu.memory_space<hbm>> -> memref<100000x64xf32, #tpu.memory_space<hbm>>
    tpu.wait_indirect_dma semaphore(%arg7 : memref<!tpu.dma_semaphore, #tpu.memory_space<semaphore_mem>>) src(%dma_wait3A_160 : memref<100000x64xf32, #tpu.memory_space<hbm>>) dst(%arg6 : memref<128x64xf32, #tpu.memory_space<vmem>>)
    "tpu.region"() ({
      %run_scoped3A = tpu.sem_alloc : memref<!tpu.dma_semaphore, #tpu.memory_space<semaphore_mem>>
      %dma_start3A_161 = arith.constant 0 : i32
      %dma_start3A_162 = tpu.memref_slice %arg4[%add3A_154, %dma_start3A_161] : memref<81920x64xf32, #tpu.memory_space<hbm>> -> memref<128x64xf32, #tpu.memory_space<hbm>>
      %dma_start3A_163 = arith.constant 0 : i32
      %dma_start3A_164 = tpu.memref_slice %arg4[%add3A_154, %dma_start3A_163] : memref<81920x64xf32, #tpu.memory_space<hbm>> -> memref<128x64xf32, #tpu.memory_space<hbm>>
      tpu.enqueue_dma source(%arg6 : memref<128x64xf32, #tpu.memory_space<vmem>>) target(%dma_start3A_164 : memref<128x64xf32, #tpu.memory_space<hbm>>) target_semaphore(%run_scoped3A : memref<!tpu.dma_semaphore, #tpu.memory_space<semaphore_mem>>)
      %dma_wait3A_165 = arith.constant 0 : i32
      %dma_wait3A_166 = tpu.memref_slice %arg4[%add3A_154, %dma_wait3A_165] : memref<81920x64xf32, #tpu.memory_space<hbm>> -> memref<128x64xf32, #tpu.memory_space<hbm>>
      %dma_wait3A_167 = arith.constant 0 : i32
      %dma_wait3A_168 = tpu.memref_slice %arg4[%add3A_154, %dma_wait3A_167] : memref<81920x64xf32, #tpu.memory_space<hbm>> -> memref<128x64xf32, #tpu.memory_space<hbm>>
      tpu.wait_dma2 semaphore(%run_scoped3A : memref<!tpu.dma_semaphore, #tpu.memory_space<semaphore_mem>>) src(%arg6 : memref<128x64xf32, #tpu.memory_space<vmem>>) dst(%dma_wait3A_168 : memref<128x64xf32, #tpu.memory_space<hbm>>)
      tpu.yield
    }) : () -> ()
    return
  }
}

module attributes {stable_mosaic.version = 14 : i64} {
  func.func @_tc_body(%arg0: i32, %arg1: i32, %arg2: memref<20x256x128xf32, #tpu.memory_space<vmem>>, %arg3: memref<1x256x1xi32, #tpu.memory_space<vmem>>, %arg4: memref<1x256x1xi32, #tpu.memory_space<vmem>>, %arg5: memref<1x256x1xi32, #tpu.memory_space<vmem>>, %arg6: memref<128x128xf32, #tpu.memory_space<vmem>>, %arg7: memref<128x128xf32, #tpu.memory_space<vmem>>, %arg8: memref<128x128xf32, #tpu.memory_space<vmem>>, %arg9: memref<128x128xf32, #tpu.memory_space<vmem>>, %arg10: memref<128x128xf32, #tpu.memory_space<vmem>>, %arg11: memref<128x128xf32, #tpu.memory_space<vmem>>, %arg12: memref<128x128xf32, #tpu.memory_space<vmem>>, %arg13: memref<1x128xf32, #tpu.memory_space<vmem>>, %arg14: memref<256x39x128xf32, #tpu.memory_space<vmem>>, %arg15: memref<39x256x128xf32, #tpu.memory_space<vmem>>) attributes {dimension_semantics = [#tpu.dimension_semantics<parallel>, #tpu.dimension_semantics<arbitrary>], iteration_bounds = array<i64: 16, 19>, scalar_prefetch = 0 : i64, scratch_operands = 1 : i64, tpu.core_type = #tpu.core_type<tc>, window_params = [{transform_indices = @transform_0, window_bounds = array<i64: 20, 256, 128>}, {transform_indices = @transform_1, window_bounds = array<i64: 1, 256, 1>}, {transform_indices = @transform_2, window_bounds = array<i64: 1, 256, 1>}, {transform_indices = @transform_3, window_bounds = array<i64: 1, 256, 1>}, {pipeline_mode = #tpu.pipeline_mode<synchronous>, transform_indices = @transform_4, window_bounds = array<i64: 128, 128>}, {pipeline_mode = #tpu.pipeline_mode<synchronous>, transform_indices = @transform_5, window_bounds = array<i64: 128, 128>}, {pipeline_mode = #tpu.pipeline_mode<synchronous>, transform_indices = @transform_6, window_bounds = array<i64: 128, 128>}, {pipeline_mode = #tpu.pipeline_mode<synchronous>, transform_indices = @transform_7, window_bounds = array<i64: 128, 128>}, {pipeline_mode = #tpu.pipeline_mode<synchronous>, transform_indices = @transform_8, window_bounds = array<i64: 128, 128>}, {pipeline_mode = #tpu.pipeline_mode<synchronous>, transform_indices = @transform_9, window_bounds = array<i64: 128, 128>}, {pipeline_mode = #tpu.pipeline_mode<synchronous>, transform_indices = @transform_10, window_bounds = array<i64: 128, 128>}, {pipeline_mode = #tpu.pipeline_mode<synchronous>, transform_indices = @transform_11, window_bounds = array<i64: 1, 128>}, {transform_indices = @transform_12, window_bounds = array<i64: 256, 39, 128>}]} {
    %eq3A = arith.constant 0 : i32
    %eq3A_0 = arith.cmpi eq, %arg1, %eq3A : i32
    %convert_element_type3A = arith.extui %eq3A_0 : i1 to i32
    %cond3A = arith.constant 0 : i32
    %cond3A_1 = arith.cmpi ne, %convert_element_type3A, %cond3A : i32
    scf.if %cond3A_1 {
      %get3A_1196 = arith.constant 0 : index
      %get3A_1197 = arith.constant 0 : index
      %get3A_1198 = arith.constant 0 : index
      %get3A_1199 = vector.load %arg2[%get3A_1196, %get3A_1197, %get3A_1198] : memref<20x256x128xf32, #tpu.memory_space<vmem>>, vector<20x256x128xf32>
      %mul3A_1200 = arith.mulf %get3A_1199, %get3A_1199 : vector<20x256x128xf32>
      %get3A_1201 = arith.constant 0 : index
      %get3A_1202 = arith.constant 0 : index
      %get3A_1203 = vector.load %arg11[%get3A_1201, %get3A_1202] : memref<128x128xf32, #tpu.memory_space<vmem>>, vector<128x128xf32>
      %dot_general3A_1204 = arith.constant dense<0.000000e+00> : vector<20x256x128xf32>
      %dot_general3A_1205 = tpu.matmul %mul3A_1200, %get3A_1203, %dot_general3A_1204 {dimension_numbers = #tpu.dot_dimension_numbers<[2], [0], [0, 1], [1], [0, 0, 0, 1, 1, 1], [], []>, precision = #tpu.contract_precision<fp32>, transpose_lhs_hint = false} : vector<20x256x128xf32>, vector<128x128xf32>, vector<20x256x128xf32> -> vector<20x256x128xf32>
      %sqrt3A_1206 = math.sqrt %dot_general3A_1205 : vector<20x256x128xf32>
      %add3A_1207 = arith.constant 9.99999997E-7 : f32
      %add3A_1208 = vector.broadcast %add3A_1207 : f32 to vector<20x256x128xf32>
      %add3A_1209 = arith.addf %sqrt3A_1206, %add3A_1208 : vector<20x256x128xf32>
      %div3A_1210 = arith.divf %get3A_1199, %add3A_1209 : vector<20x256x128xf32>
      %swap3A_1211 = arith.constant 0 : index
      %swap3A_1212 = arith.constant 0 : index
      %swap3A_1213 = arith.constant 0 : index
      %swap3A_1214 = vector.load %arg15[%swap3A_1211, %swap3A_1212, %swap3A_1213] : memref<39x256x128xf32, #tpu.memory_space<vmem>>, vector<20x256x128xf32>
      tpu.vector_store %arg15[%swap3A_1211, %swap3A_1212, %swap3A_1213], %div3A_1210 {strides = array<i32>} : memref<39x256x128xf32, #tpu.memory_space<vmem>>, vector<20x256x128xf32>,
      %broadcast_in_dim3A_1215 = arith.constant 0.000000e+00 : f32
      %broadcast_in_dim3A_1216 = vector.broadcast %broadcast_in_dim3A_1215 : f32 to vector<19x256x128xf32>
      %swap3A_1217 = arith.constant 20 : index
      %swap3A_1218 = arith.constant 0 : index
      %swap3A_1219 = arith.constant 0 : index
      %swap3A_1220 = vector.load %arg15[%swap3A_1217, %swap3A_1218, %swap3A_1219] : memref<39x256x128xf32, #tpu.memory_space<vmem>>, vector<19x256x128xf32>
      tpu.vector_store %arg15[%swap3A_1217, %swap3A_1218, %swap3A_1219], %broadcast_in_dim3A_1216 {strides = array<i32>} : memref<39x256x128xf32, #tpu.memory_space<vmem>>, vector<19x256x128xf32>,
    } else {
    }
    %get3A = arith.constant 0 : index
    %get3A_2 = arith.constant 0 : index
    %get3A_3 = arith.constant 0 : index
    %get3A_4 = vector.load %arg3[%get3A, %get3A_2, %get3A_3] : memref<1x256x1xi32, #tpu.memory_space<vmem>>, vector<1x256x1xi32>
    %get3A_5 = vector.shape_cast %get3A_4 : vector<1x256x1xi32> to vector<256x1xi32>
    %get3A_6 = arith.constant 0 : index
    %get3A_7 = arith.constant 0 : index
    %get3A_8 = arith.constant 0 : index
    %get3A_9 = vector.load %arg4[%get3A_6, %get3A_7, %get3A_8] : memref<1x256x1xi32, #tpu.memory_space<vmem>>, vector<1x256x1xi32>
    %get3A_10 = vector.shape_cast %get3A_9 : vector<1x256x1xi32> to vector<256x1xi32>
    %get3A_11 = arith.constant 0 : index
    %get3A_12 = arith.constant 0 : index
    %get3A_13 = arith.constant 0 : index
    %get3A_14 = vector.load %arg5[%get3A_11, %get3A_12, %get3A_13] : memref<1x256x1xi32, #tpu.memory_space<vmem>>, vector<1x256x1xi32>
    %get3A_15 = vector.shape_cast %get3A_14 : vector<1x256x1xi32> to vector<256x1xi32>
    %iota3A = tpu.iota {dimensions = array<i32: 1>} : vector<256x128xi32>
    %lt3A = arith.constant 64 : i32
    %lt3A_16 = vector.broadcast %lt3A : i32 to vector<256x128xi32>
    %lt3A_17 = arith.cmpi slt, %iota3A, %lt3A_16 : vector<256x128xi32>
    %eq3A_18 = vector.broadcast %get3A_5 : vector<256x1xi32> to vector<256x128xi32>
    %eq3A_19 = arith.cmpi eq, %iota3A, %eq3A_18 : vector<256x128xi32>
    %convert_element_type3A_20 = arith.extui %eq3A_19 : vector<256x128xi1> to vector<256x128xi32>
    %convert_element_type3A_21 = arith.sitofp %convert_element_type3A_20 : vector<256x128xi32> to vector<256x128xf32>
    %eq3A_22 = vector.broadcast %get3A_10 : vector<256x1xi32> to vector<256x128xi32>
    %eq3A_23 = arith.cmpi eq, %iota3A, %eq3A_22 : vector<256x128xi32>
    %convert_element_type3A_24 = arith.extui %eq3A_23 : vector<256x128xi1> to vector<256x128xi32>
    %convert_element_type3A_25 = arith.sitofp %convert_element_type3A_24 : vector<256x128xi32> to vector<256x128xf32>
    %get3A_26 = arith.constant 0 : index
    %get3A_27 = arith.constant 0 : index
    %get3A_28 = arith.constant 0 : index
    %get3A_29 = vector.load %arg15[%get3A_26, %get3A_27, %get3A_28] : memref<39x256x128xf32, #tpu.memory_space<vmem>>, vector<1x256x128xf32>
    %get3A_30 = vector.shape_cast %get3A_29 : vector<1x256x128xf32> to vector<256x128xf32>
    %get3A_31 = arith.constant 1 : index
    %get3A_32 = arith.constant 0 : index
    %get3A_33 = arith.constant 0 : index
    %get3A_34 = vector.load %arg15[%get3A_31, %get3A_32, %get3A_33] : memref<39x256x128xf32, #tpu.memory_space<vmem>>, vector<1x256x128xf32>
    %get3A_35 = vector.shape_cast %get3A_34 : vector<1x256x128xf32> to vector<256x128xf32>
    %get3A_36 = arith.constant 2 : index
    %get3A_37 = arith.constant 0 : index
    %get3A_38 = arith.constant 0 : index
    %get3A_39 = vector.load %arg15[%get3A_36, %get3A_37, %get3A_38] : memref<39x256x128xf32, #tpu.memory_space<vmem>>, vector<1x256x128xf32>
    %get3A_40 = vector.shape_cast %get3A_39 : vector<1x256x128xf32> to vector<256x128xf32>
    %get3A_41 = arith.constant 3 : index
    %get3A_42 = arith.constant 0 : index
    %get3A_43 = arith.constant 0 : index
    %get3A_44 = vector.load %arg15[%get3A_41, %get3A_42, %get3A_43] : memref<39x256x128xf32, #tpu.memory_space<vmem>>, vector<1x256x128xf32>
    %get3A_45 = vector.shape_cast %get3A_44 : vector<1x256x128xf32> to vector<256x128xf32>
    %get3A_46 = arith.constant 4 : index
    %get3A_47 = arith.constant 0 : index
    %get3A_48 = arith.constant 0 : index
    %get3A_49 = vector.load %arg15[%get3A_46, %get3A_47, %get3A_48] : memref<39x256x128xf32, #tpu.memory_space<vmem>>, vector<1x256x128xf32>
    %get3A_50 = vector.shape_cast %get3A_49 : vector<1x256x128xf32> to vector<256x128xf32>
    %get3A_51 = arith.constant 5 : index
    %get3A_52 = arith.constant 0 : index
    %get3A_53 = arith.constant 0 : index
    %get3A_54 = vector.load %arg15[%get3A_51, %get3A_52, %get3A_53] : memref<39x256x128xf32, #tpu.memory_space<vmem>>, vector<1x256x128xf32>
    %get3A_55 = vector.shape_cast %get3A_54 : vector<1x256x128xf32> to vector<256x128xf32>
    %get3A_56 = arith.constant 6 : index
    %get3A_57 = arith.constant 0 : index
    %get3A_58 = arith.constant 0 : index
    %get3A_59 = vector.load %arg15[%get3A_56, %get3A_57, %get3A_58] : memref<39x256x128xf32, #tpu.memory_space<vmem>>, vector<1x256x128xf32>
    %get3A_60 = vector.shape_cast %get3A_59 : vector<1x256x128xf32> to vector<256x128xf32>
    %get3A_61 = arith.constant 7 : index
    %get3A_62 = arith.constant 0 : index
    %get3A_63 = arith.constant 0 : index
    %get3A_64 = vector.load %arg15[%get3A_61, %get3A_62, %get3A_63] : memref<39x256x128xf32, #tpu.memory_space<vmem>>, vector<1x256x128xf32>
    %get3A_65 = vector.shape_cast %get3A_64 : vector<1x256x128xf32> to vector<256x128xf32>
    %get3A_66 = arith.constant 8 : index
    %get3A_67 = arith.constant 0 : index
    %get3A_68 = arith.constant 0 : index
    %get3A_69 = vector.load %arg15[%get3A_66, %get3A_67, %get3A_68] : memref<39x256x128xf32, #tpu.memory_space<vmem>>, vector<1x256x128xf32>
    %get3A_70 = vector.shape_cast %get3A_69 : vector<1x256x128xf32> to vector<256x128xf32>
    %get3A_71 = arith.constant 9 : index
    %get3A_72 = arith.constant 0 : index
    %get3A_73 = arith.constant 0 : index
    %get3A_74 = vector.load %arg15[%get3A_71, %get3A_72, %get3A_73] : memref<39x256x128xf32, #tpu.memory_space<vmem>>, vector<1x256x128xf32>
    %get3A_75 = vector.shape_cast %get3A_74 : vector<1x256x128xf32> to vector<256x128xf32>
    %get3A_76 = arith.constant 10 : index
    %get3A_77 = arith.constant 0 : index
    %get3A_78 = arith.constant 0 : index
    %get3A_79 = vector.load %arg15[%get3A_76, %get3A_77, %get3A_78] : memref<39x256x128xf32, #tpu.memory_space<vmem>>, vector<1x256x128xf32>
    %get3A_80 = vector.shape_cast %get3A_79 : vector<1x256x128xf32> to vector<256x128xf32>
    %get3A_81 = arith.constant 11 : index
    %get3A_82 = arith.constant 0 : index
    %get3A_83 = arith.constant 0 : index
    %get3A_84 = vector.load %arg15[%get3A_81, %get3A_82, %get3A_83] : memref<39x256x128xf32, #tpu.memory_space<vmem>>, vector<1x256x128xf32>
    %get3A_85 = vector.shape_cast %get3A_84 : vector<1x256x128xf32> to vector<256x128xf32>
    %get3A_86 = arith.constant 12 : index
    %get3A_87 = arith.constant 0 : index
    %get3A_88 = arith.constant 0 : index
    %get3A_89 = vector.load %arg15[%get3A_86, %get3A_87, %get3A_88] : memref<39x256x128xf32, #tpu.memory_space<vmem>>, vector<1x256x128xf32>
    %get3A_90 = vector.shape_cast %get3A_89 : vector<1x256x128xf32> to vector<256x128xf32>
    %get3A_91 = arith.constant 13 : index
    %get3A_92 = arith.constant 0 : index
    %get3A_93 = arith.constant 0 : index
    %get3A_94 = vector.load %arg15[%get3A_91, %get3A_92, %get3A_93] : memref<39x256x128xf32, #tpu.memory_space<vmem>>, vector<1x256x128xf32>
    %get3A_95 = vector.shape_cast %get3A_94 : vector<1x256x128xf32> to vector<256x128xf32>
    %get3A_96 = arith.constant 14 : index
    %get3A_97 = arith.constant 0 : index
    %get3A_98 = arith.constant 0 : index
    %get3A_99 = vector.load %arg15[%get3A_96, %get3A_97, %get3A_98] : memref<39x256x128xf32, #tpu.memory_space<vmem>>, vector<1x256x128xf32>
    %get3A_100 = vector.shape_cast %get3A_99 : vector<1x256x128xf32> to vector<256x128xf32>
    %get3A_101 = arith.constant 15 : index
    %get3A_102 = arith.constant 0 : index
    %get3A_103 = arith.constant 0 : index
    %get3A_104 = vector.load %arg15[%get3A_101, %get3A_102, %get3A_103] : memref<39x256x128xf32, #tpu.memory_space<vmem>>, vector<1x256x128xf32>
    %get3A_105 = vector.shape_cast %get3A_104 : vector<1x256x128xf32> to vector<256x128xf32>
    %get3A_106 = arith.constant 16 : index
    %get3A_107 = arith.constant 0 : index
    %get3A_108 = arith.constant 0 : index
    %get3A_109 = vector.load %arg15[%get3A_106, %get3A_107, %get3A_108] : memref<39x256x128xf32, #tpu.memory_space<vmem>>, vector<1x256x128xf32>
    %get3A_110 = vector.shape_cast %get3A_109 : vector<1x256x128xf32> to vector<256x128xf32>
    %get3A_111 = arith.constant 17 : index
    %get3A_112 = arith.constant 0 : index
    %get3A_113 = arith.constant 0 : index
    %get3A_114 = vector.load %arg15[%get3A_111, %get3A_112, %get3A_113] : memref<39x256x128xf32, #tpu.memory_space<vmem>>, vector<1x256x128xf32>
    %get3A_115 = vector.shape_cast %get3A_114 : vector<1x256x128xf32> to vector<256x128xf32>
    %get3A_116 = arith.constant 18 : index
    %get3A_117 = arith.constant 0 : index
    %get3A_118 = arith.constant 0 : index
    %get3A_119 = vector.load %arg15[%get3A_116, %get3A_117, %get3A_118] : memref<39x256x128xf32, #tpu.memory_space<vmem>>, vector<1x256x128xf32>
    %get3A_120 = vector.shape_cast %get3A_119 : vector<1x256x128xf32> to vector<256x128xf32>
    %get3A_121 = arith.constant 19 : index
    %get3A_122 = arith.constant 0 : index
    %get3A_123 = arith.constant 0 : index
    %get3A_124 = vector.load %arg15[%get3A_121, %get3A_122, %get3A_123] : memref<39x256x128xf32, #tpu.memory_space<vmem>>, vector<1x256x128xf32>
    %get3A_125 = vector.shape_cast %get3A_124 : vector<1x256x128xf32> to vector<256x128xf32>
    %get3A_126 = arith.constant 20 : index
    %get3A_127 = arith.constant 0 : index
    %get3A_128 = arith.constant 0 : index
    %get3A_129 = vector.load %arg15[%get3A_126, %get3A_127, %get3A_128] : memref<39x256x128xf32, #tpu.memory_space<vmem>>, vector<1x256x128xf32>
    %get3A_130 = vector.shape_cast %get3A_129 : vector<1x256x128xf32> to vector<256x128xf32>
    %get3A_131 = arith.constant 21 : index
    %get3A_132 = arith.constant 0 : index
    %get3A_133 = arith.constant 0 : index
    %get3A_134 = vector.load %arg15[%get3A_131, %get3A_132, %get3A_133] : memref<39x256x128xf32, #tpu.memory_space<vmem>>, vector<1x256x128xf32>
    %get3A_135 = vector.shape_cast %get3A_134 : vector<1x256x128xf32> to vector<256x128xf32>
    %get3A_136 = arith.constant 22 : index
    %get3A_137 = arith.constant 0 : index
    %get3A_138 = arith.constant 0 : index
    %get3A_139 = vector.load %arg15[%get3A_136, %get3A_137, %get3A_138] : memref<39x256x128xf32, #tpu.memory_space<vmem>>, vector<1x256x128xf32>
    %get3A_140 = vector.shape_cast %get3A_139 : vector<1x256x128xf32> to vector<256x128xf32>
    %get3A_141 = arith.constant 23 : index
    %get3A_142 = arith.constant 0 : index
    %get3A_143 = arith.constant 0 : index
    %get3A_144 = vector.load %arg15[%get3A_141, %get3A_142, %get3A_143] : memref<39x256x128xf32, #tpu.memory_space<vmem>>, vector<1x256x128xf32>
    %get3A_145 = vector.shape_cast %get3A_144 : vector<1x256x128xf32> to vector<256x128xf32>
    %get3A_146 = arith.constant 24 : index
    %get3A_147 = arith.constant 0 : index
    %get3A_148 = arith.constant 0 : index
    %get3A_149 = vector.load %arg15[%get3A_146, %get3A_147, %get3A_148] : memref<39x256x128xf32, #tpu.memory_space<vmem>>, vector<1x256x128xf32>
    %get3A_150 = vector.shape_cast %get3A_149 : vector<1x256x128xf32> to vector<256x128xf32>
    %get3A_151 = arith.constant 25 : index
    %get3A_152 = arith.constant 0 : index
    %get3A_153 = arith.constant 0 : index
    %get3A_154 = vector.load %arg15[%get3A_151, %get3A_152, %get3A_153] : memref<39x256x128xf32, #tpu.memory_space<vmem>>, vector<1x256x128xf32>
    %get3A_155 = vector.shape_cast %get3A_154 : vector<1x256x128xf32> to vector<256x128xf32>
    %get3A_156 = arith.constant 26 : index
    %get3A_157 = arith.constant 0 : index
    %get3A_158 = arith.constant 0 : index
    %get3A_159 = vector.load %arg15[%get3A_156, %get3A_157, %get3A_158] : memref<39x256x128xf32, #tpu.memory_space<vmem>>, vector<1x256x128xf32>
    %get3A_160 = vector.shape_cast %get3A_159 : vector<1x256x128xf32> to vector<256x128xf32>
    %get3A_161 = arith.constant 27 : index
    %get3A_162 = arith.constant 0 : index
    %get3A_163 = arith.constant 0 : index
    %get3A_164 = vector.load %arg15[%get3A_161, %get3A_162, %get3A_163] : memref<39x256x128xf32, #tpu.memory_space<vmem>>, vector<1x256x128xf32>
    %get3A_165 = vector.shape_cast %get3A_164 : vector<1x256x128xf32> to vector<256x128xf32>
    %get3A_166 = arith.constant 28 : index
    %get3A_167 = arith.constant 0 : index
    %get3A_168 = arith.constant 0 : index
    %get3A_169 = vector.load %arg15[%get3A_166, %get3A_167, %get3A_168] : memref<39x256x128xf32, #tpu.memory_space<vmem>>, vector<1x256x128xf32>
    %get3A_170 = vector.shape_cast %get3A_169 : vector<1x256x128xf32> to vector<256x128xf32>
    %get3A_171 = arith.constant 29 : index
    %get3A_172 = arith.constant 0 : index
    %get3A_173 = arith.constant 0 : index
    %get3A_174 = vector.load %arg15[%get3A_171, %get3A_172, %get3A_173] : memref<39x256x128xf32, #tpu.memory_space<vmem>>, vector<1x256x128xf32>
    %get3A_175 = vector.shape_cast %get3A_174 : vector<1x256x128xf32> to vector<256x128xf32>
    %get3A_176 = arith.constant 30 : index
    %get3A_177 = arith.constant 0 : index
    %get3A_178 = arith.constant 0 : index
    %get3A_179 = vector.load %arg15[%get3A_176, %get3A_177, %get3A_178] : memref<39x256x128xf32, #tpu.memory_space<vmem>>, vector<1x256x128xf32>
    %get3A_180 = vector.shape_cast %get3A_179 : vector<1x256x128xf32> to vector<256x128xf32>
    %get3A_181 = arith.constant 31 : index
    %get3A_182 = arith.constant 0 : index
    %get3A_183 = arith.constant 0 : index
    %get3A_184 = vector.load %arg15[%get3A_181, %get3A_182, %get3A_183] : memref<39x256x128xf32, #tpu.memory_space<vmem>>, vector<1x256x128xf32>
    %get3A_185 = vector.shape_cast %get3A_184 : vector<1x256x128xf32> to vector<256x128xf32>
    %get3A_186 = arith.constant 32 : index
    %get3A_187 = arith.constant 0 : index
    %get3A_188 = arith.constant 0 : index
    %get3A_189 = vector.load %arg15[%get3A_186, %get3A_187, %get3A_188] : memref<39x256x128xf32, #tpu.memory_space<vmem>>, vector<1x256x128xf32>
    %get3A_190 = vector.shape_cast %get3A_189 : vector<1x256x128xf32> to vector<256x128xf32>
    %get3A_191 = arith.constant 33 : index
    %get3A_192 = arith.constant 0 : index
    %get3A_193 = arith.constant 0 : index
    %get3A_194 = vector.load %arg15[%get3A_191, %get3A_192, %get3A_193] : memref<39x256x128xf32, #tpu.memory_space<vmem>>, vector<1x256x128xf32>
    %get3A_195 = vector.shape_cast %get3A_194 : vector<1x256x128xf32> to vector<256x128xf32>
    %get3A_196 = arith.constant 34 : index
    %get3A_197 = arith.constant 0 : index
    %get3A_198 = arith.constant 0 : index
    %get3A_199 = vector.load %arg15[%get3A_196, %get3A_197, %get3A_198] : memref<39x256x128xf32, #tpu.memory_space<vmem>>, vector<1x256x128xf32>
    %get3A_200 = vector.shape_cast %get3A_199 : vector<1x256x128xf32> to vector<256x128xf32>
    %get3A_201 = arith.constant 35 : index
    %get3A_202 = arith.constant 0 : index
    %get3A_203 = arith.constant 0 : index
    %get3A_204 = vector.load %arg15[%get3A_201, %get3A_202, %get3A_203] : memref<39x256x128xf32, #tpu.memory_space<vmem>>, vector<1x256x128xf32>
    %get3A_205 = vector.shape_cast %get3A_204 : vector<1x256x128xf32> to vector<256x128xf32>
    %get3A_206 = arith.constant 36 : index
    %get3A_207 = arith.constant 0 : index
    %get3A_208 = arith.constant 0 : index
    %get3A_209 = vector.load %arg15[%get3A_206, %get3A_207, %get3A_208] : memref<39x256x128xf32, #tpu.memory_space<vmem>>, vector<1x256x128xf32>
    %get3A_210 = vector.shape_cast %get3A_209 : vector<1x256x128xf32> to vector<256x128xf32>
    %get3A_211 = arith.constant 37 : index
    %get3A_212 = arith.constant 0 : index
    %get3A_213 = arith.constant 0 : index
    %get3A_214 = vector.load %arg15[%get3A_211, %get3A_212, %get3A_213] : memref<39x256x128xf32, #tpu.memory_space<vmem>>, vector<1x256x128xf32>
    %get3A_215 = vector.shape_cast %get3A_214 : vector<1x256x128xf32> to vector<256x128xf32>
    %get3A_216 = arith.constant 38 : index
    %get3A_217 = arith.constant 0 : index
    %get3A_218 = arith.constant 0 : index
    %get3A_219 = vector.load %arg15[%get3A_216, %get3A_217, %get3A_218] : memref<39x256x128xf32, #tpu.memory_space<vmem>>, vector<1x256x128xf32>
    %get3A_220 = vector.shape_cast %get3A_219 : vector<1x256x128xf32> to vector<256x128xf32>
    %broadcast_in_dim3A = arith.constant 0.000000e+00 : f32
    %broadcast_in_dim3A_221 = vector.broadcast %broadcast_in_dim3A : f32 to vector<256x128xf32>
    %slice3A = vector.extract_strided_slice %convert_element_type3A_21 {offsets = [0, 0], sizes = [256, 1], strides = [1, 1]} : vector<256x128xf32> to vector<256x1xf32>
    %slice3A_222 = vector.extract_strided_slice %convert_element_type3A_25 {offsets = [0, 0], sizes = [256, 1], strides = [1, 1]} : vector<256x128xf32> to vector<256x1xf32>
    %broadcast_in_dim3A_223 = vector.shape_cast %slice3A : vector<256x1xf32> to vector<256x1xf32>
    %broadcast_in_dim3A_224 = vector.broadcast %broadcast_in_dim3A_223 : vector<256x1xf32> to vector<256x128xf32>
    %broadcast_in_dim3A_225 = vector.shape_cast %slice3A_222 : vector<256x1xf32> to vector<256x1xf32>
    %broadcast_in_dim3A_226 = vector.broadcast %broadcast_in_dim3A_225 : vector<256x1xf32> to vector<256x128xf32>
    %select_n3A = arith.select %lt3A_17, %broadcast_in_dim3A_224, %broadcast_in_dim3A_226 : vector<256x128xi1>, vector<256x128xf32>
    %mul3A = arith.mulf %get3A_30, %select_n3A : vector<256x128xf32>
    %add3A = arith.addf %broadcast_in_dim3A_221, %mul3A : vector<256x128xf32>
    %slice3A_227 = vector.extract_strided_slice %convert_element_type3A_21 {offsets = [0, 1], sizes = [256, 1], strides = [1, 1]} : vector<256x128xf32> to vector<256x1xf32>
    %slice3A_228 = vector.extract_strided_slice %convert_element_type3A_25 {offsets = [0, 1], sizes = [256, 1], strides = [1, 1]} : vector<256x128xf32> to vector<256x1xf32>
    %broadcast_in_dim3A_229 = vector.shape_cast %slice3A_227 : vector<256x1xf32> to vector<256x1xf32>
    %broadcast_in_dim3A_230 = vector.broadcast %broadcast_in_dim3A_229 : vector<256x1xf32> to vector<256x128xf32>
    %broadcast_in_dim3A_231 = vector.shape_cast %slice3A_228 : vector<256x1xf32> to vector<256x1xf32>
    %broadcast_in_dim3A_232 = vector.broadcast %broadcast_in_dim3A_231 : vector<256x1xf32> to vector<256x128xf32>
    %select_n3A_233 = arith.select %lt3A_17, %broadcast_in_dim3A_230, %broadcast_in_dim3A_232 : vector<256x128xi1>, vector<256x128xf32>
    %mul3A_234 = arith.mulf %get3A_35, %select_n3A_233 : vector<256x128xf32>
    %add3A_235 = arith.addf %add3A, %mul3A_234 : vector<256x128xf32>
    %slice3A_236 = vector.extract_strided_slice %convert_element_type3A_21 {offsets = [0, 2], sizes = [256, 1], strides = [1, 1]} : vector<256x128xf32> to vector<256x1xf32>
    %slice3A_237 = vector.extract_strided_slice %convert_element_type3A_25 {offsets = [0, 2], sizes = [256, 1], strides = [1, 1]} : vector<256x128xf32> to vector<256x1xf32>
    %broadcast_in_dim3A_238 = vector.shape_cast %slice3A_236 : vector<256x1xf32> to vector<256x1xf32>
    %broadcast_in_dim3A_239 = vector.broadcast %broadcast_in_dim3A_238 : vector<256x1xf32> to vector<256x128xf32>
    %broadcast_in_dim3A_240 = vector.shape_cast %slice3A_237 : vector<256x1xf32> to vector<256x1xf32>
    %broadcast_in_dim3A_241 = vector.broadcast %broadcast_in_dim3A_240 : vector<256x1xf32> to vector<256x128xf32>
    %select_n3A_242 = arith.select %lt3A_17, %broadcast_in_dim3A_239, %broadcast_in_dim3A_241 : vector<256x128xi1>, vector<256x128xf32>
    %mul3A_243 = arith.mulf %get3A_40, %select_n3A_242 : vector<256x128xf32>
    %add3A_244 = arith.addf %add3A_235, %mul3A_243 : vector<256x128xf32>
    %slice3A_245 = vector.extract_strided_slice %convert_element_type3A_21 {offsets = [0, 3], sizes = [256, 1], strides = [1, 1]} : vector<256x128xf32> to vector<256x1xf32>
    %slice3A_246 = vector.extract_strided_slice %convert_element_type3A_25 {offsets = [0, 3], sizes = [256, 1], strides = [1, 1]} : vector<256x128xf32> to vector<256x1xf32>
    %broadcast_in_dim3A_247 = vector.shape_cast %slice3A_245 : vector<256x1xf32> to vector<256x1xf32>
    %broadcast_in_dim3A_248 = vector.broadcast %broadcast_in_dim3A_247 : vector<256x1xf32> to vector<256x128xf32>
    %broadcast_in_dim3A_249 = vector.shape_cast %slice3A_246 : vector<256x1xf32> to vector<256x1xf32>
    %broadcast_in_dim3A_250 = vector.broadcast %broadcast_in_dim3A_249 : vector<256x1xf32> to vector<256x128xf32>
    %select_n3A_251 = arith.select %lt3A_17, %broadcast_in_dim3A_248, %broadcast_in_dim3A_250 : vector<256x128xi1>, vector<256x128xf32>
    %mul3A_252 = arith.mulf %get3A_45, %select_n3A_251 : vector<256x128xf32>
    %add3A_253 = arith.addf %add3A_244, %mul3A_252 : vector<256x128xf32>
    %slice3A_254 = vector.extract_strided_slice %convert_element_type3A_21 {offsets = [0, 4], sizes = [256, 1], strides = [1, 1]} : vector<256x128xf32> to vector<256x1xf32>
    %slice3A_255 = vector.extract_strided_slice %convert_element_type3A_25 {offsets = [0, 4], sizes = [256, 1], strides = [1, 1]} : vector<256x128xf32> to vector<256x1xf32>
    %broadcast_in_dim3A_256 = vector.shape_cast %slice3A_254 : vector<256x1xf32> to vector<256x1xf32>
    %broadcast_in_dim3A_257 = vector.broadcast %broadcast_in_dim3A_256 : vector<256x1xf32> to vector<256x128xf32>
    %broadcast_in_dim3A_258 = vector.shape_cast %slice3A_255 : vector<256x1xf32> to vector<256x1xf32>
    %broadcast_in_dim3A_259 = vector.broadcast %broadcast_in_dim3A_258 : vector<256x1xf32> to vector<256x128xf32>
    %select_n3A_260 = arith.select %lt3A_17, %broadcast_in_dim3A_257, %broadcast_in_dim3A_259 : vector<256x128xi1>, vector<256x128xf32>
    %mul3A_261 = arith.mulf %get3A_50, %select_n3A_260 : vector<256x128xf32>
    %add3A_262 = arith.addf %add3A_253, %mul3A_261 : vector<256x128xf32>
    %slice3A_263 = vector.extract_strided_slice %convert_element_type3A_21 {offsets = [0, 5], sizes = [256, 1], strides = [1, 1]} : vector<256x128xf32> to vector<256x1xf32>
    %slice3A_264 = vector.extract_strided_slice %convert_element_type3A_25 {offsets = [0, 5], sizes = [256, 1], strides = [1, 1]} : vector<256x128xf32> to vector<256x1xf32>
    %broadcast_in_dim3A_265 = vector.shape_cast %slice3A_263 : vector<256x1xf32> to vector<256x1xf32>
    %broadcast_in_dim3A_266 = vector.broadcast %broadcast_in_dim3A_265 : vector<256x1xf32> to vector<256x128xf32>
    %broadcast_in_dim3A_267 = vector.shape_cast %slice3A_264 : vector<256x1xf32> to vector<256x1xf32>
    %broadcast_in_dim3A_268 = vector.broadcast %broadcast_in_dim3A_267 : vector<256x1xf32> to vector<256x128xf32>
    %select_n3A_269 = arith.select %lt3A_17, %broadcast_in_dim3A_266, %broadcast_in_dim3A_268 : vector<256x128xi1>, vector<256x128xf32>
    %mul3A_270 = arith.mulf %get3A_55, %select_n3A_269 : vector<256x128xf32>
    %add3A_271 = arith.addf %add3A_262, %mul3A_270 : vector<256x128xf32>
    %slice3A_272 = vector.extract_strided_slice %convert_element_type3A_21 {offsets = [0, 6], sizes = [256, 1], strides = [1, 1]} : vector<256x128xf32> to vector<256x1xf32>
    %slice3A_273 = vector.extract_strided_slice %convert_element_type3A_25 {offsets = [0, 6], sizes = [256, 1], strides = [1, 1]} : vector<256x128xf32> to vector<256x1xf32>
    %broadcast_in_dim3A_274 = vector.shape_cast %slice3A_272 : vector<256x1xf32> to vector<256x1xf32>
    %broadcast_in_dim3A_275 = vector.broadcast %broadcast_in_dim3A_274 : vector<256x1xf32> to vector<256x128xf32>
    %broadcast_in_dim3A_276 = vector.shape_cast %slice3A_273 : vector<256x1xf32> to vector<256x1xf32>
    %broadcast_in_dim3A_277 = vector.broadcast %broadcast_in_dim3A_276 : vector<256x1xf32> to vector<256x128xf32>
    %select_n3A_278 = arith.select %lt3A_17, %broadcast_in_dim3A_275, %broadcast_in_dim3A_277 : vector<256x128xi1>, vector<256x128xf32>
    %mul3A_279 = arith.mulf %get3A_60, %select_n3A_278 : vector<256x128xf32>
    %add3A_280 = arith.addf %add3A_271, %mul3A_279 : vector<256x128xf32>
    %slice3A_281 = vector.extract_strided_slice %convert_element_type3A_21 {offsets = [0, 7], sizes = [256, 1], strides = [1, 1]} : vector<256x128xf32> to vector<256x1xf32>
    %slice3A_282 = vector.extract_strided_slice %convert_element_type3A_25 {offsets = [0, 7], sizes = [256, 1], strides = [1, 1]} : vector<256x128xf32> to vector<256x1xf32>
    %broadcast_in_dim3A_283 = vector.shape_cast %slice3A_281 : vector<256x1xf32> to vector<256x1xf32>
    %broadcast_in_dim3A_284 = vector.broadcast %broadcast_in_dim3A_283 : vector<256x1xf32> to vector<256x128xf32>
    %broadcast_in_dim3A_285 = vector.shape_cast %slice3A_282 : vector<256x1xf32> to vector<256x1xf32>
    %broadcast_in_dim3A_286 = vector.broadcast %broadcast_in_dim3A_285 : vector<256x1xf32> to vector<256x128xf32>
    %select_n3A_287 = arith.select %lt3A_17, %broadcast_in_dim3A_284, %broadcast_in_dim3A_286 : vector<256x128xi1>, vector<256x128xf32>
    %mul3A_288 = arith.mulf %get3A_65, %select_n3A_287 : vector<256x128xf32>
    %add3A_289 = arith.addf %add3A_280, %mul3A_288 : vector<256x128xf32>
    %slice3A_290 = vector.extract_strided_slice %convert_element_type3A_21 {offsets = [0, 8], sizes = [256, 1], strides = [1, 1]} : vector<256x128xf32> to vector<256x1xf32>
    %slice3A_291 = vector.extract_strided_slice %convert_element_type3A_25 {offsets = [0, 8], sizes = [256, 1], strides = [1, 1]} : vector<256x128xf32> to vector<256x1xf32>
    %broadcast_in_dim3A_292 = vector.shape_cast %slice3A_290 : vector<256x1xf32> to vector<256x1xf32>
    %broadcast_in_dim3A_293 = vector.broadcast %broadcast_in_dim3A_292 : vector<256x1xf32> to vector<256x128xf32>
    %broadcast_in_dim3A_294 = vector.shape_cast %slice3A_291 : vector<256x1xf32> to vector<256x1xf32>
    %broadcast_in_dim3A_295 = vector.broadcast %broadcast_in_dim3A_294 : vector<256x1xf32> to vector<256x128xf32>
    %select_n3A_296 = arith.select %lt3A_17, %broadcast_in_dim3A_293, %broadcast_in_dim3A_295 : vector<256x128xi1>, vector<256x128xf32>
    %mul3A_297 = arith.mulf %get3A_70, %select_n3A_296 : vector<256x128xf32>
    %add3A_298 = arith.addf %add3A_289, %mul3A_297 : vector<256x128xf32>
    %slice3A_299 = vector.extract_strided_slice %convert_element_type3A_21 {offsets = [0, 9], sizes = [256, 1], strides = [1, 1]} : vector<256x128xf32> to vector<256x1xf32>
    %slice3A_300 = vector.extract_strided_slice %convert_element_type3A_25 {offsets = [0, 9], sizes = [256, 1], strides = [1, 1]} : vector<256x128xf32> to vector<256x1xf32>
    %broadcast_in_dim3A_301 = vector.shape_cast %slice3A_299 : vector<256x1xf32> to vector<256x1xf32>
    %broadcast_in_dim3A_302 = vector.broadcast %broadcast_in_dim3A_301 : vector<256x1xf32> to vector<256x128xf32>
    %broadcast_in_dim3A_303 = vector.shape_cast %slice3A_300 : vector<256x1xf32> to vector<256x1xf32>
    %broadcast_in_dim3A_304 = vector.broadcast %broadcast_in_dim3A_303 : vector<256x1xf32> to vector<256x128xf32>
    %select_n3A_305 = arith.select %lt3A_17, %broadcast_in_dim3A_302, %broadcast_in_dim3A_304 : vector<256x128xi1>, vector<256x128xf32>
    %mul3A_306 = arith.mulf %get3A_75, %select_n3A_305 : vector<256x128xf32>
    %add3A_307 = arith.addf %add3A_298, %mul3A_306 : vector<256x128xf32>
    %slice3A_308 = vector.extract_strided_slice %convert_element_type3A_21 {offsets = [0, 10], sizes = [256, 1], strides = [1, 1]} : vector<256x128xf32> to vector<256x1xf32>
    %slice3A_309 = vector.extract_strided_slice %convert_element_type3A_25 {offsets = [0, 10], sizes = [256, 1], strides = [1, 1]} : vector<256x128xf32> to vector<256x1xf32>
    %broadcast_in_dim3A_310 = vector.shape_cast %slice3A_308 : vector<256x1xf32> to vector<256x1xf32>
    %broadcast_in_dim3A_311 = vector.broadcast %broadcast_in_dim3A_310 : vector<256x1xf32> to vector<256x128xf32>
    %broadcast_in_dim3A_312 = vector.shape_cast %slice3A_309 : vector<256x1xf32> to vector<256x1xf32>
    %broadcast_in_dim3A_313 = vector.broadcast %broadcast_in_dim3A_312 : vector<256x1xf32> to vector<256x128xf32>
    %select_n3A_314 = arith.select %lt3A_17, %broadcast_in_dim3A_311, %broadcast_in_dim3A_313 : vector<256x128xi1>, vector<256x128xf32>
    %mul3A_315 = arith.mulf %get3A_80, %select_n3A_314 : vector<256x128xf32>
    %add3A_316 = arith.addf %add3A_307, %mul3A_315 : vector<256x128xf32>
    %slice3A_317 = vector.extract_strided_slice %convert_element_type3A_21 {offsets = [0, 11], sizes = [256, 1], strides = [1, 1]} : vector<256x128xf32> to vector<256x1xf32>
    %slice3A_318 = vector.extract_strided_slice %convert_element_type3A_25 {offsets = [0, 11], sizes = [256, 1], strides = [1, 1]} : vector<256x128xf32> to vector<256x1xf32>
    %broadcast_in_dim3A_319 = vector.shape_cast %slice3A_317 : vector<256x1xf32> to vector<256x1xf32>
    %broadcast_in_dim3A_320 = vector.broadcast %broadcast_in_dim3A_319 : vector<256x1xf32> to vector<256x128xf32>
    %broadcast_in_dim3A_321 = vector.shape_cast %slice3A_318 : vector<256x1xf32> to vector<256x1xf32>
    %broadcast_in_dim3A_322 = vector.broadcast %broadcast_in_dim3A_321 : vector<256x1xf32> to vector<256x128xf32>
    %select_n3A_323 = arith.select %lt3A_17, %broadcast_in_dim3A_320, %broadcast_in_dim3A_322 : vector<256x128xi1>, vector<256x128xf32>
    %mul3A_324 = arith.mulf %get3A_85, %select_n3A_323 : vector<256x128xf32>
    %add3A_325 = arith.addf %add3A_316, %mul3A_324 : vector<256x128xf32>
    %slice3A_326 = vector.extract_strided_slice %convert_element_type3A_21 {offsets = [0, 12], sizes = [256, 1], strides = [1, 1]} : vector<256x128xf32> to vector<256x1xf32>
    %slice3A_327 = vector.extract_strided_slice %convert_element_type3A_25 {offsets = [0, 12], sizes = [256, 1], strides = [1, 1]} : vector<256x128xf32> to vector<256x1xf32>
    %broadcast_in_dim3A_328 = vector.shape_cast %slice3A_326 : vector<256x1xf32> to vector<256x1xf32>
    %broadcast_in_dim3A_329 = vector.broadcast %broadcast_in_dim3A_328 : vector<256x1xf32> to vector<256x128xf32>
    %broadcast_in_dim3A_330 = vector.shape_cast %slice3A_327 : vector<256x1xf32> to vector<256x1xf32>
    %broadcast_in_dim3A_331 = vector.broadcast %broadcast_in_dim3A_330 : vector<256x1xf32> to vector<256x128xf32>
    %select_n3A_332 = arith.select %lt3A_17, %broadcast_in_dim3A_329, %broadcast_in_dim3A_331 : vector<256x128xi1>, vector<256x128xf32>
    %mul3A_333 = arith.mulf %get3A_90, %select_n3A_332 : vector<256x128xf32>
    %add3A_334 = arith.addf %add3A_325, %mul3A_333 : vector<256x128xf32>
    %slice3A_335 = vector.extract_strided_slice %convert_element_type3A_21 {offsets = [0, 13], sizes = [256, 1], strides = [1, 1]} : vector<256x128xf32> to vector<256x1xf32>
    %slice3A_336 = vector.extract_strided_slice %convert_element_type3A_25 {offsets = [0, 13], sizes = [256, 1], strides = [1, 1]} : vector<256x128xf32> to vector<256x1xf32>
    %broadcast_in_dim3A_337 = vector.shape_cast %slice3A_335 : vector<256x1xf32> to vector<256x1xf32>
    %broadcast_in_dim3A_338 = vector.broadcast %broadcast_in_dim3A_337 : vector<256x1xf32> to vector<256x128xf32>
    %broadcast_in_dim3A_339 = vector.shape_cast %slice3A_336 : vector<256x1xf32> to vector<256x1xf32>
    %broadcast_in_dim3A_340 = vector.broadcast %broadcast_in_dim3A_339 : vector<256x1xf32> to vector<256x128xf32>
    %select_n3A_341 = arith.select %lt3A_17, %broadcast_in_dim3A_338, %broadcast_in_dim3A_340 : vector<256x128xi1>, vector<256x128xf32>
    %mul3A_342 = arith.mulf %get3A_95, %select_n3A_341 : vector<256x128xf32>
    %add3A_343 = arith.addf %add3A_334, %mul3A_342 : vector<256x128xf32>
    %slice3A_344 = vector.extract_strided_slice %convert_element_type3A_21 {offsets = [0, 14], sizes = [256, 1], strides = [1, 1]} : vector<256x128xf32> to vector<256x1xf32>
    %slice3A_345 = vector.extract_strided_slice %convert_element_type3A_25 {offsets = [0, 14], sizes = [256, 1], strides = [1, 1]} : vector<256x128xf32> to vector<256x1xf32>
    %broadcast_in_dim3A_346 = vector.shape_cast %slice3A_344 : vector<256x1xf32> to vector<256x1xf32>
    %broadcast_in_dim3A_347 = vector.broadcast %broadcast_in_dim3A_346 : vector<256x1xf32> to vector<256x128xf32>
    %broadcast_in_dim3A_348 = vector.shape_cast %slice3A_345 : vector<256x1xf32> to vector<256x1xf32>
    %broadcast_in_dim3A_349 = vector.broadcast %broadcast_in_dim3A_348 : vector<256x1xf32> to vector<256x128xf32>
    %select_n3A_350 = arith.select %lt3A_17, %broadcast_in_dim3A_347, %broadcast_in_dim3A_349 : vector<256x128xi1>, vector<256x128xf32>
    %mul3A_351 = arith.mulf %get3A_100, %select_n3A_350 : vector<256x128xf32>
    %add3A_352 = arith.addf %add3A_343, %mul3A_351 : vector<256x128xf32>
    %slice3A_353 = vector.extract_strided_slice %convert_element_type3A_21 {offsets = [0, 15], sizes = [256, 1], strides = [1, 1]} : vector<256x128xf32> to vector<256x1xf32>
    %slice3A_354 = vector.extract_strided_slice %convert_element_type3A_25 {offsets = [0, 15], sizes = [256, 1], strides = [1, 1]} : vector<256x128xf32> to vector<256x1xf32>
    %broadcast_in_dim3A_355 = vector.shape_cast %slice3A_353 : vector<256x1xf32> to vector<256x1xf32>
    %broadcast_in_dim3A_356 = vector.broadcast %broadcast_in_dim3A_355 : vector<256x1xf32> to vector<256x128xf32>
    %broadcast_in_dim3A_357 = vector.shape_cast %slice3A_354 : vector<256x1xf32> to vector<256x1xf32>
    %broadcast_in_dim3A_358 = vector.broadcast %broadcast_in_dim3A_357 : vector<256x1xf32> to vector<256x128xf32>
    %select_n3A_359 = arith.select %lt3A_17, %broadcast_in_dim3A_356, %broadcast_in_dim3A_358 : vector<256x128xi1>, vector<256x128xf32>
    %mul3A_360 = arith.mulf %get3A_105, %select_n3A_359 : vector<256x128xf32>
    %add3A_361 = arith.addf %add3A_352, %mul3A_360 : vector<256x128xf32>
    %slice3A_362 = vector.extract_strided_slice %convert_element_type3A_21 {offsets = [0, 16], sizes = [256, 1], strides = [1, 1]} : vector<256x128xf32> to vector<256x1xf32>
    %slice3A_363 = vector.extract_strided_slice %convert_element_type3A_25 {offsets = [0, 16], sizes = [256, 1], strides = [1, 1]} : vector<256x128xf32> to vector<256x1xf32>
    %broadcast_in_dim3A_364 = vector.shape_cast %slice3A_362 : vector<256x1xf32> to vector<256x1xf32>
    %broadcast_in_dim3A_365 = vector.broadcast %broadcast_in_dim3A_364 : vector<256x1xf32> to vector<256x128xf32>
    %broadcast_in_dim3A_366 = vector.shape_cast %slice3A_363 : vector<256x1xf32> to vector<256x1xf32>
    %broadcast_in_dim3A_367 = vector.broadcast %broadcast_in_dim3A_366 : vector<256x1xf32> to vector<256x128xf32>
    %select_n3A_368 = arith.select %lt3A_17, %broadcast_in_dim3A_365, %broadcast_in_dim3A_367 : vector<256x128xi1>, vector<256x128xf32>
    %mul3A_369 = arith.mulf %get3A_110, %select_n3A_368 : vector<256x128xf32>
    %add3A_370 = arith.addf %add3A_361, %mul3A_369 : vector<256x128xf32>
    %slice3A_371 = vector.extract_strided_slice %convert_element_type3A_21 {offsets = [0, 17], sizes = [256, 1], strides = [1, 1]} : vector<256x128xf32> to vector<256x1xf32>
    %slice3A_372 = vector.extract_strided_slice %convert_element_type3A_25 {offsets = [0, 17], sizes = [256, 1], strides = [1, 1]} : vector<256x128xf32> to vector<256x1xf32>
    %broadcast_in_dim3A_373 = vector.shape_cast %slice3A_371 : vector<256x1xf32> to vector<256x1xf32>
    %broadcast_in_dim3A_374 = vector.broadcast %broadcast_in_dim3A_373 : vector<256x1xf32> to vector<256x128xf32>
    %broadcast_in_dim3A_375 = vector.shape_cast %slice3A_372 : vector<256x1xf32> to vector<256x1xf32>
    %broadcast_in_dim3A_376 = vector.broadcast %broadcast_in_dim3A_375 : vector<256x1xf32> to vector<256x128xf32>
    %select_n3A_377 = arith.select %lt3A_17, %broadcast_in_dim3A_374, %broadcast_in_dim3A_376 : vector<256x128xi1>, vector<256x128xf32>
    %mul3A_378 = arith.mulf %get3A_115, %select_n3A_377 : vector<256x128xf32>
    %add3A_379 = arith.addf %add3A_370, %mul3A_378 : vector<256x128xf32>
    %slice3A_380 = vector.extract_strided_slice %convert_element_type3A_21 {offsets = [0, 18], sizes = [256, 1], strides = [1, 1]} : vector<256x128xf32> to vector<256x1xf32>
    %slice3A_381 = vector.extract_strided_slice %convert_element_type3A_25 {offsets = [0, 18], sizes = [256, 1], strides = [1, 1]} : vector<256x128xf32> to vector<256x1xf32>
    %broadcast_in_dim3A_382 = vector.shape_cast %slice3A_380 : vector<256x1xf32> to vector<256x1xf32>
    %broadcast_in_dim3A_383 = vector.broadcast %broadcast_in_dim3A_382 : vector<256x1xf32> to vector<256x128xf32>
    %broadcast_in_dim3A_384 = vector.shape_cast %slice3A_381 : vector<256x1xf32> to vector<256x1xf32>
    %broadcast_in_dim3A_385 = vector.broadcast %broadcast_in_dim3A_384 : vector<256x1xf32> to vector<256x128xf32>
    %select_n3A_386 = arith.select %lt3A_17, %broadcast_in_dim3A_383, %broadcast_in_dim3A_385 : vector<256x128xi1>, vector<256x128xf32>
    %mul3A_387 = arith.mulf %get3A_120, %select_n3A_386 : vector<256x128xf32>
    %add3A_388 = arith.addf %add3A_379, %mul3A_387 : vector<256x128xf32>
    %slice3A_389 = vector.extract_strided_slice %convert_element_type3A_21 {offsets = [0, 19], sizes = [256, 1], strides = [1, 1]} : vector<256x128xf32> to vector<256x1xf32>
    %slice3A_390 = vector.extract_strided_slice %convert_element_type3A_25 {offsets = [0, 19], sizes = [256, 1], strides = [1, 1]} : vector<256x128xf32> to vector<256x1xf32>
    %broadcast_in_dim3A_391 = vector.shape_cast %slice3A_389 : vector<256x1xf32> to vector<256x1xf32>
    %broadcast_in_dim3A_392 = vector.broadcast %broadcast_in_dim3A_391 : vector<256x1xf32> to vector<256x128xf32>
    %broadcast_in_dim3A_393 = vector.shape_cast %slice3A_390 : vector<256x1xf32> to vector<256x1xf32>
    %broadcast_in_dim3A_394 = vector.broadcast %broadcast_in_dim3A_393 : vector<256x1xf32> to vector<256x128xf32>
    %select_n3A_395 = arith.select %lt3A_17, %broadcast_in_dim3A_392, %broadcast_in_dim3A_394 : vector<256x128xi1>, vector<256x128xf32>
    %mul3A_396 = arith.mulf %get3A_125, %select_n3A_395 : vector<256x128xf32>
    %add3A_397 = arith.addf %add3A_388, %mul3A_396 : vector<256x128xf32>
    %slice3A_398 = vector.extract_strided_slice %convert_element_type3A_21 {offsets = [0, 20], sizes = [256, 1], strides = [1, 1]} : vector<256x128xf32> to vector<256x1xf32>
    %slice3A_399 = vector.extract_strided_slice %convert_element_type3A_25 {offsets = [0, 20], sizes = [256, 1], strides = [1, 1]} : vector<256x128xf32> to vector<256x1xf32>
    %broadcast_in_dim3A_400 = vector.shape_cast %slice3A_398 : vector<256x1xf32> to vector<256x1xf32>
    %broadcast_in_dim3A_401 = vector.broadcast %broadcast_in_dim3A_400 : vector<256x1xf32> to vector<256x128xf32>
    %broadcast_in_dim3A_402 = vector.shape_cast %slice3A_399 : vector<256x1xf32> to vector<256x1xf32>
    %broadcast_in_dim3A_403 = vector.broadcast %broadcast_in_dim3A_402 : vector<256x1xf32> to vector<256x128xf32>
    %select_n3A_404 = arith.select %lt3A_17, %broadcast_in_dim3A_401, %broadcast_in_dim3A_403 : vector<256x128xi1>, vector<256x128xf32>
    %mul3A_405 = arith.mulf %get3A_130, %select_n3A_404 : vector<256x128xf32>
    %add3A_406 = arith.addf %add3A_397, %mul3A_405 : vector<256x128xf32>
    %slice3A_407 = vector.extract_strided_slice %convert_element_type3A_21 {offsets = [0, 21], sizes = [256, 1], strides = [1, 1]} : vector<256x128xf32> to vector<256x1xf32>
    %slice3A_408 = vector.extract_strided_slice %convert_element_type3A_25 {offsets = [0, 21], sizes = [256, 1], strides = [1, 1]} : vector<256x128xf32> to vector<256x1xf32>
    %broadcast_in_dim3A_409 = vector.shape_cast %slice3A_407 : vector<256x1xf32> to vector<256x1xf32>
    %broadcast_in_dim3A_410 = vector.broadcast %broadcast_in_dim3A_409 : vector<256x1xf32> to vector<256x128xf32>
    %broadcast_in_dim3A_411 = vector.shape_cast %slice3A_408 : vector<256x1xf32> to vector<256x1xf32>
    %broadcast_in_dim3A_412 = vector.broadcast %broadcast_in_dim3A_411 : vector<256x1xf32> to vector<256x128xf32>
    %select_n3A_413 = arith.select %lt3A_17, %broadcast_in_dim3A_410, %broadcast_in_dim3A_412 : vector<256x128xi1>, vector<256x128xf32>
    %mul3A_414 = arith.mulf %get3A_135, %select_n3A_413 : vector<256x128xf32>
    %add3A_415 = arith.addf %add3A_406, %mul3A_414 : vector<256x128xf32>
    %slice3A_416 = vector.extract_strided_slice %convert_element_type3A_21 {offsets = [0, 22], sizes = [256, 1], strides = [1, 1]} : vector<256x128xf32> to vector<256x1xf32>
    %slice3A_417 = vector.extract_strided_slice %convert_element_type3A_25 {offsets = [0, 22], sizes = [256, 1], strides = [1, 1]} : vector<256x128xf32> to vector<256x1xf32>
    %broadcast_in_dim3A_418 = vector.shape_cast %slice3A_416 : vector<256x1xf32> to vector<256x1xf32>
    %broadcast_in_dim3A_419 = vector.broadcast %broadcast_in_dim3A_418 : vector<256x1xf32> to vector<256x128xf32>
    %broadcast_in_dim3A_420 = vector.shape_cast %slice3A_417 : vector<256x1xf32> to vector<256x1xf32>
    %broadcast_in_dim3A_421 = vector.broadcast %broadcast_in_dim3A_420 : vector<256x1xf32> to vector<256x128xf32>
    %select_n3A_422 = arith.select %lt3A_17, %broadcast_in_dim3A_419, %broadcast_in_dim3A_421 : vector<256x128xi1>, vector<256x128xf32>
    %mul3A_423 = arith.mulf %get3A_140, %select_n3A_422 : vector<256x128xf32>
    %add3A_424 = arith.addf %add3A_415, %mul3A_423 : vector<256x128xf32>
    %slice3A_425 = vector.extract_strided_slice %convert_element_type3A_21 {offsets = [0, 23], sizes = [256, 1], strides = [1, 1]} : vector<256x128xf32> to vector<256x1xf32>
    %slice3A_426 = vector.extract_strided_slice %convert_element_type3A_25 {offsets = [0, 23], sizes = [256, 1], strides = [1, 1]} : vector<256x128xf32> to vector<256x1xf32>
    %broadcast_in_dim3A_427 = vector.shape_cast %slice3A_425 : vector<256x1xf32> to vector<256x1xf32>
    %broadcast_in_dim3A_428 = vector.broadcast %broadcast_in_dim3A_427 : vector<256x1xf32> to vector<256x128xf32>
    %broadcast_in_dim3A_429 = vector.shape_cast %slice3A_426 : vector<256x1xf32> to vector<256x1xf32>
    %broadcast_in_dim3A_430 = vector.broadcast %broadcast_in_dim3A_429 : vector<256x1xf32> to vector<256x128xf32>
    %select_n3A_431 = arith.select %lt3A_17, %broadcast_in_dim3A_428, %broadcast_in_dim3A_430 : vector<256x128xi1>, vector<256x128xf32>
    %mul3A_432 = arith.mulf %get3A_145, %select_n3A_431 : vector<256x128xf32>
    %add3A_433 = arith.addf %add3A_424, %mul3A_432 : vector<256x128xf32>
    %slice3A_434 = vector.extract_strided_slice %convert_element_type3A_21 {offsets = [0, 24], sizes = [256, 1], strides = [1, 1]} : vector<256x128xf32> to vector<256x1xf32>
    %slice3A_435 = vector.extract_strided_slice %convert_element_type3A_25 {offsets = [0, 24], sizes = [256, 1], strides = [1, 1]} : vector<256x128xf32> to vector<256x1xf32>
    %broadcast_in_dim3A_436 = vector.shape_cast %slice3A_434 : vector<256x1xf32> to vector<256x1xf32>
    %broadcast_in_dim3A_437 = vector.broadcast %broadcast_in_dim3A_436 : vector<256x1xf32> to vector<256x128xf32>
    %broadcast_in_dim3A_438 = vector.shape_cast %slice3A_435 : vector<256x1xf32> to vector<256x1xf32>
    %broadcast_in_dim3A_439 = vector.broadcast %broadcast_in_dim3A_438 : vector<256x1xf32> to vector<256x128xf32>
    %select_n3A_440 = arith.select %lt3A_17, %broadcast_in_dim3A_437, %broadcast_in_dim3A_439 : vector<256x128xi1>, vector<256x128xf32>
    %mul3A_441 = arith.mulf %get3A_150, %select_n3A_440 : vector<256x128xf32>
    %add3A_442 = arith.addf %add3A_433, %mul3A_441 : vector<256x128xf32>
    %slice3A_443 = vector.extract_strided_slice %convert_element_type3A_21 {offsets = [0, 25], sizes = [256, 1], strides = [1, 1]} : vector<256x128xf32> to vector<256x1xf32>
    %slice3A_444 = vector.extract_strided_slice %convert_element_type3A_25 {offsets = [0, 25], sizes = [256, 1], strides = [1, 1]} : vector<256x128xf32> to vector<256x1xf32>
    %broadcast_in_dim3A_445 = vector.shape_cast %slice3A_443 : vector<256x1xf32> to vector<256x1xf32>
    %broadcast_in_dim3A_446 = vector.broadcast %broadcast_in_dim3A_445 : vector<256x1xf32> to vector<256x128xf32>
    %broadcast_in_dim3A_447 = vector.shape_cast %slice3A_444 : vector<256x1xf32> to vector<256x1xf32>
    %broadcast_in_dim3A_448 = vector.broadcast %broadcast_in_dim3A_447 : vector<256x1xf32> to vector<256x128xf32>
    %select_n3A_449 = arith.select %lt3A_17, %broadcast_in_dim3A_446, %broadcast_in_dim3A_448 : vector<256x128xi1>, vector<256x128xf32>
    %mul3A_450 = arith.mulf %get3A_155, %select_n3A_449 : vector<256x128xf32>
    %add3A_451 = arith.addf %add3A_442, %mul3A_450 : vector<256x128xf32>
    %slice3A_452 = vector.extract_strided_slice %convert_element_type3A_21 {offsets = [0, 26], sizes = [256, 1], strides = [1, 1]} : vector<256x128xf32> to vector<256x1xf32>
    %slice3A_453 = vector.extract_strided_slice %convert_element_type3A_25 {offsets = [0, 26], sizes = [256, 1], strides = [1, 1]} : vector<256x128xf32> to vector<256x1xf32>
    %broadcast_in_dim3A_454 = vector.shape_cast %slice3A_452 : vector<256x1xf32> to vector<256x1xf32>
    %broadcast_in_dim3A_455 = vector.broadcast %broadcast_in_dim3A_454 : vector<256x1xf32> to vector<256x128xf32>
    %broadcast_in_dim3A_456 = vector.shape_cast %slice3A_453 : vector<256x1xf32> to vector<256x1xf32>
    %broadcast_in_dim3A_457 = vector.broadcast %broadcast_in_dim3A_456 : vector<256x1xf32> to vector<256x128xf32>
    %select_n3A_458 = arith.select %lt3A_17, %broadcast_in_dim3A_455, %broadcast_in_dim3A_457 : vector<256x128xi1>, vector<256x128xf32>
    %mul3A_459 = arith.mulf %get3A_160, %select_n3A_458 : vector<256x128xf32>
    %add3A_460 = arith.addf %add3A_451, %mul3A_459 : vector<256x128xf32>
    %slice3A_461 = vector.extract_strided_slice %convert_element_type3A_21 {offsets = [0, 27], sizes = [256, 1], strides = [1, 1]} : vector<256x128xf32> to vector<256x1xf32>
    %slice3A_462 = vector.extract_strided_slice %convert_element_type3A_25 {offsets = [0, 27], sizes = [256, 1], strides = [1, 1]} : vector<256x128xf32> to vector<256x1xf32>
    %broadcast_in_dim3A_463 = vector.shape_cast %slice3A_461 : vector<256x1xf32> to vector<256x1xf32>
    %broadcast_in_dim3A_464 = vector.broadcast %broadcast_in_dim3A_463 : vector<256x1xf32> to vector<256x128xf32>
    %broadcast_in_dim3A_465 = vector.shape_cast %slice3A_462 : vector<256x1xf32> to vector<256x1xf32>
    %broadcast_in_dim3A_466 = vector.broadcast %broadcast_in_dim3A_465 : vector<256x1xf32> to vector<256x128xf32>
    %select_n3A_467 = arith.select %lt3A_17, %broadcast_in_dim3A_464, %broadcast_in_dim3A_466 : vector<256x128xi1>, vector<256x128xf32>
    %mul3A_468 = arith.mulf %get3A_165, %select_n3A_467 : vector<256x128xf32>
    %add3A_469 = arith.addf %add3A_460, %mul3A_468 : vector<256x128xf32>
    %slice3A_470 = vector.extract_strided_slice %convert_element_type3A_21 {offsets = [0, 28], sizes = [256, 1], strides = [1, 1]} : vector<256x128xf32> to vector<256x1xf32>
    %slice3A_471 = vector.extract_strided_slice %convert_element_type3A_25 {offsets = [0, 28], sizes = [256, 1], strides = [1, 1]} : vector<256x128xf32> to vector<256x1xf32>
    %broadcast_in_dim3A_472 = vector.shape_cast %slice3A_470 : vector<256x1xf32> to vector<256x1xf32>
    %broadcast_in_dim3A_473 = vector.broadcast %broadcast_in_dim3A_472 : vector<256x1xf32> to vector<256x128xf32>
    %broadcast_in_dim3A_474 = vector.shape_cast %slice3A_471 : vector<256x1xf32> to vector<256x1xf32>
    %broadcast_in_dim3A_475 = vector.broadcast %broadcast_in_dim3A_474 : vector<256x1xf32> to vector<256x128xf32>
    %select_n3A_476 = arith.select %lt3A_17, %broadcast_in_dim3A_473, %broadcast_in_dim3A_475 : vector<256x128xi1>, vector<256x128xf32>
    %mul3A_477 = arith.mulf %get3A_170, %select_n3A_476 : vector<256x128xf32>
    %add3A_478 = arith.addf %add3A_469, %mul3A_477 : vector<256x128xf32>
    %slice3A_479 = vector.extract_strided_slice %convert_element_type3A_21 {offsets = [0, 29], sizes = [256, 1], strides = [1, 1]} : vector<256x128xf32> to vector<256x1xf32>
    %slice3A_480 = vector.extract_strided_slice %convert_element_type3A_25 {offsets = [0, 29], sizes = [256, 1], strides = [1, 1]} : vector<256x128xf32> to vector<256x1xf32>
    %broadcast_in_dim3A_481 = vector.shape_cast %slice3A_479 : vector<256x1xf32> to vector<256x1xf32>
    %broadcast_in_dim3A_482 = vector.broadcast %broadcast_in_dim3A_481 : vector<256x1xf32> to vector<256x128xf32>
    %broadcast_in_dim3A_483 = vector.shape_cast %slice3A_480 : vector<256x1xf32> to vector<256x1xf32>
    %broadcast_in_dim3A_484 = vector.broadcast %broadcast_in_dim3A_483 : vector<256x1xf32> to vector<256x128xf32>
    %select_n3A_485 = arith.select %lt3A_17, %broadcast_in_dim3A_482, %broadcast_in_dim3A_484 : vector<256x128xi1>, vector<256x128xf32>
    %mul3A_486 = arith.mulf %get3A_175, %select_n3A_485 : vector<256x128xf32>
    %add3A_487 = arith.addf %add3A_478, %mul3A_486 : vector<256x128xf32>
    %slice3A_488 = vector.extract_strided_slice %convert_element_type3A_21 {offsets = [0, 30], sizes = [256, 1], strides = [1, 1]} : vector<256x128xf32> to vector<256x1xf32>
    %slice3A_489 = vector.extract_strided_slice %convert_element_type3A_25 {offsets = [0, 30], sizes = [256, 1], strides = [1, 1]} : vector<256x128xf32> to vector<256x1xf32>
    %broadcast_in_dim3A_490 = vector.shape_cast %slice3A_488 : vector<256x1xf32> to vector<256x1xf32>
    %broadcast_in_dim3A_491 = vector.broadcast %broadcast_in_dim3A_490 : vector<256x1xf32> to vector<256x128xf32>
    %broadcast_in_dim3A_492 = vector.shape_cast %slice3A_489 : vector<256x1xf32> to vector<256x1xf32>
    %broadcast_in_dim3A_493 = vector.broadcast %broadcast_in_dim3A_492 : vector<256x1xf32> to vector<256x128xf32>
    %select_n3A_494 = arith.select %lt3A_17, %broadcast_in_dim3A_491, %broadcast_in_dim3A_493 : vector<256x128xi1>, vector<256x128xf32>
    %mul3A_495 = arith.mulf %get3A_180, %select_n3A_494 : vector<256x128xf32>
    %add3A_496 = arith.addf %add3A_487, %mul3A_495 : vector<256x128xf32>
    %slice3A_497 = vector.extract_strided_slice %convert_element_type3A_21 {offsets = [0, 31], sizes = [256, 1], strides = [1, 1]} : vector<256x128xf32> to vector<256x1xf32>
    %slice3A_498 = vector.extract_strided_slice %convert_element_type3A_25 {offsets = [0, 31], sizes = [256, 1], strides = [1, 1]} : vector<256x128xf32> to vector<256x1xf32>
    %broadcast_in_dim3A_499 = vector.shape_cast %slice3A_497 : vector<256x1xf32> to vector<256x1xf32>
    %broadcast_in_dim3A_500 = vector.broadcast %broadcast_in_dim3A_499 : vector<256x1xf32> to vector<256x128xf32>
    %broadcast_in_dim3A_501 = vector.shape_cast %slice3A_498 : vector<256x1xf32> to vector<256x1xf32>
    %broadcast_in_dim3A_502 = vector.broadcast %broadcast_in_dim3A_501 : vector<256x1xf32> to vector<256x128xf32>
    %select_n3A_503 = arith.select %lt3A_17, %broadcast_in_dim3A_500, %broadcast_in_dim3A_502 : vector<256x128xi1>, vector<256x128xf32>
    %mul3A_504 = arith.mulf %get3A_185, %select_n3A_503 : vector<256x128xf32>
    %add3A_505 = arith.addf %add3A_496, %mul3A_504 : vector<256x128xf32>
    %slice3A_506 = vector.extract_strided_slice %convert_element_type3A_21 {offsets = [0, 32], sizes = [256, 1], strides = [1, 1]} : vector<256x128xf32> to vector<256x1xf32>
    %slice3A_507 = vector.extract_strided_slice %convert_element_type3A_25 {offsets = [0, 32], sizes = [256, 1], strides = [1, 1]} : vector<256x128xf32> to vector<256x1xf32>
    %broadcast_in_dim3A_508 = vector.shape_cast %slice3A_506 : vector<256x1xf32> to vector<256x1xf32>
    %broadcast_in_dim3A_509 = vector.broadcast %broadcast_in_dim3A_508 : vector<256x1xf32> to vector<256x128xf32>
    %broadcast_in_dim3A_510 = vector.shape_cast %slice3A_507 : vector<256x1xf32> to vector<256x1xf32>
    %broadcast_in_dim3A_511 = vector.broadcast %broadcast_in_dim3A_510 : vector<256x1xf32> to vector<256x128xf32>
    %select_n3A_512 = arith.select %lt3A_17, %broadcast_in_dim3A_509, %broadcast_in_dim3A_511 : vector<256x128xi1>, vector<256x128xf32>
    %mul3A_513 = arith.mulf %get3A_190, %select_n3A_512 : vector<256x128xf32>
    %add3A_514 = arith.addf %add3A_505, %mul3A_513 : vector<256x128xf32>
    %slice3A_515 = vector.extract_strided_slice %convert_element_type3A_21 {offsets = [0, 33], sizes = [256, 1], strides = [1, 1]} : vector<256x128xf32> to vector<256x1xf32>
    %slice3A_516 = vector.extract_strided_slice %convert_element_type3A_25 {offsets = [0, 33], sizes = [256, 1], strides = [1, 1]} : vector<256x128xf32> to vector<256x1xf32>
    %broadcast_in_dim3A_517 = vector.shape_cast %slice3A_515 : vector<256x1xf32> to vector<256x1xf32>
    %broadcast_in_dim3A_518 = vector.broadcast %broadcast_in_dim3A_517 : vector<256x1xf32> to vector<256x128xf32>
    %broadcast_in_dim3A_519 = vector.shape_cast %slice3A_516 : vector<256x1xf32> to vector<256x1xf32>
    %broadcast_in_dim3A_520 = vector.broadcast %broadcast_in_dim3A_519 : vector<256x1xf32> to vector<256x128xf32>
    %select_n3A_521 = arith.select %lt3A_17, %broadcast_in_dim3A_518, %broadcast_in_dim3A_520 : vector<256x128xi1>, vector<256x128xf32>
    %mul3A_522 = arith.mulf %get3A_195, %select_n3A_521 : vector<256x128xf32>
    %add3A_523 = arith.addf %add3A_514, %mul3A_522 : vector<256x128xf32>
    %slice3A_524 = vector.extract_strided_slice %convert_element_type3A_21 {offsets = [0, 34], sizes = [256, 1], strides = [1, 1]} : vector<256x128xf32> to vector<256x1xf32>
    %slice3A_525 = vector.extract_strided_slice %convert_element_type3A_25 {offsets = [0, 34], sizes = [256, 1], strides = [1, 1]} : vector<256x128xf32> to vector<256x1xf32>
    %broadcast_in_dim3A_526 = vector.shape_cast %slice3A_524 : vector<256x1xf32> to vector<256x1xf32>
    %broadcast_in_dim3A_527 = vector.broadcast %broadcast_in_dim3A_526 : vector<256x1xf32> to vector<256x128xf32>
    %broadcast_in_dim3A_528 = vector.shape_cast %slice3A_525 : vector<256x1xf32> to vector<256x1xf32>
    %broadcast_in_dim3A_529 = vector.broadcast %broadcast_in_dim3A_528 : vector<256x1xf32> to vector<256x128xf32>
    %select_n3A_530 = arith.select %lt3A_17, %broadcast_in_dim3A_527, %broadcast_in_dim3A_529 : vector<256x128xi1>, vector<256x128xf32>
    %mul3A_531 = arith.mulf %get3A_200, %select_n3A_530 : vector<256x128xf32>
    %add3A_532 = arith.addf %add3A_523, %mul3A_531 : vector<256x128xf32>
    %slice3A_533 = vector.extract_strided_slice %convert_element_type3A_21 {offsets = [0, 35], sizes = [256, 1], strides = [1, 1]} : vector<256x128xf32> to vector<256x1xf32>
    %slice3A_534 = vector.extract_strided_slice %convert_element_type3A_25 {offsets = [0, 35], sizes = [256, 1], strides = [1, 1]} : vector<256x128xf32> to vector<256x1xf32>
    %broadcast_in_dim3A_535 = vector.shape_cast %slice3A_533 : vector<256x1xf32> to vector<256x1xf32>
    %broadcast_in_dim3A_536 = vector.broadcast %broadcast_in_dim3A_535 : vector<256x1xf32> to vector<256x128xf32>
    %broadcast_in_dim3A_537 = vector.shape_cast %slice3A_534 : vector<256x1xf32> to vector<256x1xf32>
    %broadcast_in_dim3A_538 = vector.broadcast %broadcast_in_dim3A_537 : vector<256x1xf32> to vector<256x128xf32>
    %select_n3A_539 = arith.select %lt3A_17, %broadcast_in_dim3A_536, %broadcast_in_dim3A_538 : vector<256x128xi1>, vector<256x128xf32>
    %mul3A_540 = arith.mulf %get3A_205, %select_n3A_539 : vector<256x128xf32>
    %add3A_541 = arith.addf %add3A_532, %mul3A_540 : vector<256x128xf32>
    %slice3A_542 = vector.extract_strided_slice %convert_element_type3A_21 {offsets = [0, 36], sizes = [256, 1], strides = [1, 1]} : vector<256x128xf32> to vector<256x1xf32>
    %slice3A_543 = vector.extract_strided_slice %convert_element_type3A_25 {offsets = [0, 36], sizes = [256, 1], strides = [1, 1]} : vector<256x128xf32> to vector<256x1xf32>
    %broadcast_in_dim3A_544 = vector.shape_cast %slice3A_542 : vector<256x1xf32> to vector<256x1xf32>
    %broadcast_in_dim3A_545 = vector.broadcast %broadcast_in_dim3A_544 : vector<256x1xf32> to vector<256x128xf32>
    %broadcast_in_dim3A_546 = vector.shape_cast %slice3A_543 : vector<256x1xf32> to vector<256x1xf32>
    %broadcast_in_dim3A_547 = vector.broadcast %broadcast_in_dim3A_546 : vector<256x1xf32> to vector<256x128xf32>
    %select_n3A_548 = arith.select %lt3A_17, %broadcast_in_dim3A_545, %broadcast_in_dim3A_547 : vector<256x128xi1>, vector<256x128xf32>
    %mul3A_549 = arith.mulf %get3A_210, %select_n3A_548 : vector<256x128xf32>
    %add3A_550 = arith.addf %add3A_541, %mul3A_549 : vector<256x128xf32>
    %slice3A_551 = vector.extract_strided_slice %convert_element_type3A_21 {offsets = [0, 37], sizes = [256, 1], strides = [1, 1]} : vector<256x128xf32> to vector<256x1xf32>
    %slice3A_552 = vector.extract_strided_slice %convert_element_type3A_25 {offsets = [0, 37], sizes = [256, 1], strides = [1, 1]} : vector<256x128xf32> to vector<256x1xf32>
    %broadcast_in_dim3A_553 = vector.shape_cast %slice3A_551 : vector<256x1xf32> to vector<256x1xf32>
    %broadcast_in_dim3A_554 = vector.broadcast %broadcast_in_dim3A_553 : vector<256x1xf32> to vector<256x128xf32>
    %broadcast_in_dim3A_555 = vector.shape_cast %slice3A_552 : vector<256x1xf32> to vector<256x1xf32>
    %broadcast_in_dim3A_556 = vector.broadcast %broadcast_in_dim3A_555 : vector<256x1xf32> to vector<256x128xf32>
    %select_n3A_557 = arith.select %lt3A_17, %broadcast_in_dim3A_554, %broadcast_in_dim3A_556 : vector<256x128xi1>, vector<256x128xf32>
    %mul3A_558 = arith.mulf %get3A_215, %select_n3A_557 : vector<256x128xf32>
    %add3A_559 = arith.addf %add3A_550, %mul3A_558 : vector<256x128xf32>
    %slice3A_560 = vector.extract_strided_slice %convert_element_type3A_21 {offsets = [0, 38], sizes = [256, 1], strides = [1, 1]} : vector<256x128xf32> to vector<256x1xf32>
    %slice3A_561 = vector.extract_strided_slice %convert_element_type3A_25 {offsets = [0, 38], sizes = [256, 1], strides = [1, 1]} : vector<256x128xf32> to vector<256x1xf32>
    %broadcast_in_dim3A_562 = vector.shape_cast %slice3A_560 : vector<256x1xf32> to vector<256x1xf32>
    %broadcast_in_dim3A_563 = vector.broadcast %broadcast_in_dim3A_562 : vector<256x1xf32> to vector<256x128xf32>
    %broadcast_in_dim3A_564 = vector.shape_cast %slice3A_561 : vector<256x1xf32> to vector<256x1xf32>
    %broadcast_in_dim3A_565 = vector.broadcast %broadcast_in_dim3A_564 : vector<256x1xf32> to vector<256x128xf32>
    %select_n3A_566 = arith.select %lt3A_17, %broadcast_in_dim3A_563, %broadcast_in_dim3A_565 : vector<256x128xi1>, vector<256x128xf32>
    %mul3A_567 = arith.mulf %get3A_220, %select_n3A_566 : vector<256x128xf32>
    %add3A_568 = arith.addf %add3A_559, %mul3A_567 : vector<256x128xf32>
    %get3A_569 = arith.constant 0 : index
    %get3A_570 = arith.constant 0 : index
    %get3A_571 = vector.load %arg6[%get3A_569, %get3A_570] : memref<128x128xf32, #tpu.memory_space<vmem>>, vector<128x128xf32>
    %dot_general3A = arith.constant dense<0.000000e+00> : vector<256x128xf32>
    %dot_general3A_572 = tpu.matmul %add3A_568, %get3A_571, %dot_general3A {dimension_numbers = #tpu.dot_dimension_numbers<[1], [0], [0], [1], [0, 0, 1, 1], [], []>, precision = #tpu.contract_precision<fp32>, transpose_lhs_hint = false} : vector<256x128xf32>, vector<128x128xf32>, vector<256x128xf32> -> vector<256x128xf32>
    %get3A_573 = arith.constant 0 : index
    %get3A_574 = arith.constant 0 : index
    %get3A_575 = vector.load %arg7[%get3A_573, %get3A_574] : memref<128x128xf32, #tpu.memory_space<vmem>>, vector<128x128xf32>
    %dot_general3A_576 = arith.constant dense<0.000000e+00> : vector<256x128xf32>
    %dot_general3A_577 = tpu.matmul %add3A_568, %get3A_575, %dot_general3A_576 {dimension_numbers = #tpu.dot_dimension_numbers<[1], [0], [0], [1], [0, 0, 1, 1], [], []>, precision = #tpu.contract_precision<fp32>, transpose_lhs_hint = false} : vector<256x128xf32>, vector<128x128xf32>, vector<256x128xf32> -> vector<256x128xf32>
    %get3A_578 = arith.constant 0 : index
    %get3A_579 = arith.constant 0 : index
    %get3A_580 = vector.load %arg8[%get3A_578, %get3A_579] : memref<128x128xf32, #tpu.memory_space<vmem>>, vector<128x128xf32>
    %dot_general3A_581 = arith.constant dense<0.000000e+00> : vector<256x128xf32>
    %dot_general3A_582 = tpu.matmul %add3A_568, %get3A_580, %dot_general3A_581 {dimension_numbers = #tpu.dot_dimension_numbers<[1], [0], [0], [1], [0, 0, 1, 1], [], []>, precision = #tpu.contract_precision<fp32>, transpose_lhs_hint = false} : vector<256x128xf32>, vector<128x128xf32>, vector<256x128xf32> -> vector<256x128xf32>
    %mul3A_583 = arith.mulf %dot_general3A_572, %dot_general3A_577 : vector<256x128xf32>
    %mul3A_584 = arith.mulf %dot_general3A_572, %dot_general3A_582 : vector<256x128xf32>
    %get3A_585 = arith.constant 0 : index
    %get3A_586 = arith.constant 0 : index
    %get3A_587 = vector.load %arg9[%get3A_585, %get3A_586] : memref<128x128xf32, #tpu.memory_space<vmem>>, vector<128x128xf32>
    %dot_general3A_588 = arith.constant dense<0.000000e+00> : vector<256x128xf32>
    %dot_general3A_589 = tpu.matmul %mul3A_583, %get3A_587, %dot_general3A_588 {dimension_numbers = #tpu.dot_dimension_numbers<[1], [0], [0], [1], [0, 0, 1, 1], [], []>, precision = #tpu.contract_precision<fp32>, transpose_lhs_hint = false} : vector<256x128xf32>, vector<128x128xf32>, vector<256x128xf32> -> vector<256x128xf32>
    %get3A_590 = arith.constant 0 : index
    %get3A_591 = arith.constant 0 : index
    %get3A_592 = vector.load %arg10[%get3A_590, %get3A_591] : memref<128x128xf32, #tpu.memory_space<vmem>>, vector<128x128xf32>
    %dot_general3A_593 = arith.constant dense<0.000000e+00> : vector<256x128xf32>
    %dot_general3A_594 = tpu.matmul %mul3A_584, %get3A_592, %dot_general3A_593 {dimension_numbers = #tpu.dot_dimension_numbers<[1], [0], [0], [1], [0, 0, 1, 1], [], []>, precision = #tpu.contract_precision<fp32>, transpose_lhs_hint = false} : vector<256x128xf32>, vector<128x128xf32>, vector<256x128xf32> -> vector<256x128xf32>
    %add3A_595 = arith.addf %dot_general3A_589, %dot_general3A_594 : vector<256x128xf32>
    %mul3A_596 = arith.mulf %add3A_595, %add3A_595 : vector<256x128xf32>
    %get3A_597 = arith.constant 0 : index
    %get3A_598 = arith.constant 0 : index
    %get3A_599 = vector.load %arg11[%get3A_597, %get3A_598] : memref<128x128xf32, #tpu.memory_space<vmem>>, vector<128x128xf32>
    %dot_general3A_600 = arith.constant dense<0.000000e+00> : vector<256x128xf32>
    %dot_general3A_601 = tpu.matmul %mul3A_596, %get3A_599, %dot_general3A_600 {dimension_numbers = #tpu.dot_dimension_numbers<[1], [0], [0], [1], [0, 0, 1, 1], [], []>, precision = #tpu.contract_precision<fp32>, transpose_lhs_hint = false} : vector<256x128xf32>, vector<128x128xf32>, vector<256x128xf32> -> vector<256x128xf32>
    %sqrt3A = math.sqrt %dot_general3A_601 : vector<256x128xf32>
    %add3A_602 = arith.constant 9.99999997E-7 : f32
    %add3A_603 = vector.broadcast %add3A_602 : f32 to vector<256x128xf32>
    %add3A_604 = arith.addf %sqrt3A, %add3A_603 : vector<256x128xf32>
    %div3A = arith.divf %add3A_595, %add3A_604 : vector<256x128xf32>
    %eq3A_605 = vector.broadcast %get3A_15 : vector<256x1xi32> to vector<256x128xi32>
    %eq3A_606 = arith.cmpi eq, %iota3A, %eq3A_605 : vector<256x128xi32>
    %slice3A_607 = vector.extract_strided_slice %eq3A_606 {offsets = [0, 0], sizes = [256, 1], strides = [1, 1]} : vector<256x128xi1> to vector<256x1xi1>
    %get3A_608 = arith.constant 0 : index
    %get3A_609 = arith.constant 0 : index
    %get3A_610 = arith.constant 0 : index
    %get3A_611 = vector.load %arg15[%get3A_608, %get3A_609, %get3A_610] : memref<39x256x128xf32, #tpu.memory_space<vmem>>, vector<1x256x128xf32>
    %get3A_612 = vector.shape_cast %get3A_611 : vector<1x256x128xf32> to vector<256x128xf32>
    %broadcast_in_dim3A_613 = vector.shape_cast %slice3A_607 : vector<256x1xi1> to vector<256x1xi1>
    %broadcast_in_dim3A_614 = vector.broadcast %broadcast_in_dim3A_613 : vector<256x1xi1> to vector<256x128xi1>
    %select_n3A_615 = arith.select %broadcast_in_dim3A_614, %div3A, %get3A_612 : vector<256x128xi1>, vector<256x128xf32>
    %swap3A = arith.constant 0 : index
    %swap3A_616 = arith.constant 0 : index
    %swap3A_617 = arith.constant 0 : index
    %swap3A_618 = vector.load %arg15[%swap3A, %swap3A_616, %swap3A_617] : memref<39x256x128xf32, #tpu.memory_space<vmem>>, vector<1x256x128xf32>
    %swap3A_619 = vector.shape_cast %swap3A_618 : vector<1x256x128xf32> to vector<256x128xf32>
    %swap3A_620 = vector.shape_cast %select_n3A_615 : vector<256x128xf32> to vector<1x256x128xf32>
    tpu.vector_store %arg15[%swap3A, %swap3A_616, %swap3A_617], %swap3A_620 {strides = array<i32>} : memref<39x256x128xf32, #tpu.memory_space<vmem>>, vector<1x256x128xf32>,
    %slice3A_621 = vector.extract_strided_slice %eq3A_606 {offsets = [0, 1], sizes = [256, 1], strides = [1, 1]} : vector<256x128xi1> to vector<256x1xi1>
    %get3A_622 = arith.constant 1 : index
    %get3A_623 = arith.constant 0 : index
    %get3A_624 = arith.constant 0 : index
    %get3A_625 = vector.load %arg15[%get3A_622, %get3A_623, %get3A_624] : memref<39x256x128xf32, #tpu.memory_space<vmem>>, vector<1x256x128xf32>
    %get3A_626 = vector.shape_cast %get3A_625 : vector<1x256x128xf32> to vector<256x128xf32>
    %broadcast_in_dim3A_627 = vector.shape_cast %slice3A_621 : vector<256x1xi1> to vector<256x1xi1>
    %broadcast_in_dim3A_628 = vector.broadcast %broadcast_in_dim3A_627 : vector<256x1xi1> to vector<256x128xi1>
    %select_n3A_629 = arith.select %broadcast_in_dim3A_628, %div3A, %get3A_626 : vector<256x128xi1>, vector<256x128xf32>
    %swap3A_630 = arith.constant 1 : index
    %swap3A_631 = arith.constant 0 : index
    %swap3A_632 = arith.constant 0 : index
    %swap3A_633 = vector.load %arg15[%swap3A_630, %swap3A_631, %swap3A_632] : memref<39x256x128xf32, #tpu.memory_space<vmem>>, vector<1x256x128xf32>
    %swap3A_634 = vector.shape_cast %swap3A_633 : vector<1x256x128xf32> to vector<256x128xf32>
    %swap3A_635 = vector.shape_cast %select_n3A_629 : vector<256x128xf32> to vector<1x256x128xf32>
    tpu.vector_store %arg15[%swap3A_630, %swap3A_631, %swap3A_632], %swap3A_635 {strides = array<i32>} : memref<39x256x128xf32, #tpu.memory_space<vmem>>, vector<1x256x128xf32>,
    %slice3A_636 = vector.extract_strided_slice %eq3A_606 {offsets = [0, 2], sizes = [256, 1], strides = [1, 1]} : vector<256x128xi1> to vector<256x1xi1>
    %get3A_637 = arith.constant 2 : index
    %get3A_638 = arith.constant 0 : index
    %get3A_639 = arith.constant 0 : index
    %get3A_640 = vector.load %arg15[%get3A_637, %get3A_638, %get3A_639] : memref<39x256x128xf32, #tpu.memory_space<vmem>>, vector<1x256x128xf32>
    %get3A_641 = vector.shape_cast %get3A_640 : vector<1x256x128xf32> to vector<256x128xf32>
    %broadcast_in_dim3A_642 = vector.shape_cast %slice3A_636 : vector<256x1xi1> to vector<256x1xi1>
    %broadcast_in_dim3A_643 = vector.broadcast %broadcast_in_dim3A_642 : vector<256x1xi1> to vector<256x128xi1>
    %select_n3A_644 = arith.select %broadcast_in_dim3A_643, %div3A, %get3A_641 : vector<256x128xi1>, vector<256x128xf32>
    %swap3A_645 = arith.constant 2 : index
    %swap3A_646 = arith.constant 0 : index
    %swap3A_647 = arith.constant 0 : index
    %swap3A_648 = vector.load %arg15[%swap3A_645, %swap3A_646, %swap3A_647] : memref<39x256x128xf32, #tpu.memory_space<vmem>>, vector<1x256x128xf32>
    %swap3A_649 = vector.shape_cast %swap3A_648 : vector<1x256x128xf32> to vector<256x128xf32>
    %swap3A_650 = vector.shape_cast %select_n3A_644 : vector<256x128xf32> to vector<1x256x128xf32>
    tpu.vector_store %arg15[%swap3A_645, %swap3A_646, %swap3A_647], %swap3A_650 {strides = array<i32>} : memref<39x256x128xf32, #tpu.memory_space<vmem>>, vector<1x256x128xf32>,
    %slice3A_651 = vector.extract_strided_slice %eq3A_606 {offsets = [0, 3], sizes = [256, 1], strides = [1, 1]} : vector<256x128xi1> to vector<256x1xi1>
    %get3A_652 = arith.constant 3 : index
    %get3A_653 = arith.constant 0 : index
    %get3A_654 = arith.constant 0 : index
    %get3A_655 = vector.load %arg15[%get3A_652, %get3A_653, %get3A_654] : memref<39x256x128xf32, #tpu.memory_space<vmem>>, vector<1x256x128xf32>
    %get3A_656 = vector.shape_cast %get3A_655 : vector<1x256x128xf32> to vector<256x128xf32>
    %broadcast_in_dim3A_657 = vector.shape_cast %slice3A_651 : vector<256x1xi1> to vector<256x1xi1>
    %broadcast_in_dim3A_658 = vector.broadcast %broadcast_in_dim3A_657 : vector<256x1xi1> to vector<256x128xi1>
    %select_n3A_659 = arith.select %broadcast_in_dim3A_658, %div3A, %get3A_656 : vector<256x128xi1>, vector<256x128xf32>
    %swap3A_660 = arith.constant 3 : index
    %swap3A_661 = arith.constant 0 : index
    %swap3A_662 = arith.constant 0 : index
    %swap3A_663 = vector.load %arg15[%swap3A_660, %swap3A_661, %swap3A_662] : memref<39x256x128xf32, #tpu.memory_space<vmem>>, vector<1x256x128xf32>
    %swap3A_664 = vector.shape_cast %swap3A_663 : vector<1x256x128xf32> to vector<256x128xf32>
    %swap3A_665 = vector.shape_cast %select_n3A_659 : vector<256x128xf32> to vector<1x256x128xf32>
    tpu.vector_store %arg15[%swap3A_660, %swap3A_661, %swap3A_662], %swap3A_665 {strides = array<i32>} : memref<39x256x128xf32, #tpu.memory_space<vmem>>, vector<1x256x128xf32>,
    %slice3A_666 = vector.extract_strided_slice %eq3A_606 {offsets = [0, 4], sizes = [256, 1], strides = [1, 1]} : vector<256x128xi1> to vector<256x1xi1>
    %get3A_667 = arith.constant 4 : index
    %get3A_668 = arith.constant 0 : index
    %get3A_669 = arith.constant 0 : index
    %get3A_670 = vector.load %arg15[%get3A_667, %get3A_668, %get3A_669] : memref<39x256x128xf32, #tpu.memory_space<vmem>>, vector<1x256x128xf32>
    %get3A_671 = vector.shape_cast %get3A_670 : vector<1x256x128xf32> to vector<256x128xf32>
    %broadcast_in_dim3A_672 = vector.shape_cast %slice3A_666 : vector<256x1xi1> to vector<256x1xi1>
    %broadcast_in_dim3A_673 = vector.broadcast %broadcast_in_dim3A_672 : vector<256x1xi1> to vector<256x128xi1>
    %select_n3A_674 = arith.select %broadcast_in_dim3A_673, %div3A, %get3A_671 : vector<256x128xi1>, vector<256x128xf32>
    %swap3A_675 = arith.constant 4 : index
    %swap3A_676 = arith.constant 0 : index
    %swap3A_677 = arith.constant 0 : index
    %swap3A_678 = vector.load %arg15[%swap3A_675, %swap3A_676, %swap3A_677] : memref<39x256x128xf32, #tpu.memory_space<vmem>>, vector<1x256x128xf32>
    %swap3A_679 = vector.shape_cast %swap3A_678 : vector<1x256x128xf32> to vector<256x128xf32>
    %swap3A_680 = vector.shape_cast %select_n3A_674 : vector<256x128xf32> to vector<1x256x128xf32>
    tpu.vector_store %arg15[%swap3A_675, %swap3A_676, %swap3A_677], %swap3A_680 {strides = array<i32>} : memref<39x256x128xf32, #tpu.memory_space<vmem>>, vector<1x256x128xf32>,
    %slice3A_681 = vector.extract_strided_slice %eq3A_606 {offsets = [0, 5], sizes = [256, 1], strides = [1, 1]} : vector<256x128xi1> to vector<256x1xi1>
    %get3A_682 = arith.constant 5 : index
    %get3A_683 = arith.constant 0 : index
    %get3A_684 = arith.constant 0 : index
    %get3A_685 = vector.load %arg15[%get3A_682, %get3A_683, %get3A_684] : memref<39x256x128xf32, #tpu.memory_space<vmem>>, vector<1x256x128xf32>
    %get3A_686 = vector.shape_cast %get3A_685 : vector<1x256x128xf32> to vector<256x128xf32>
    %broadcast_in_dim3A_687 = vector.shape_cast %slice3A_681 : vector<256x1xi1> to vector<256x1xi1>
    %broadcast_in_dim3A_688 = vector.broadcast %broadcast_in_dim3A_687 : vector<256x1xi1> to vector<256x128xi1>
    %select_n3A_689 = arith.select %broadcast_in_dim3A_688, %div3A, %get3A_686 : vector<256x128xi1>, vector<256x128xf32>
    %swap3A_690 = arith.constant 5 : index
    %swap3A_691 = arith.constant 0 : index
    %swap3A_692 = arith.constant 0 : index
    %swap3A_693 = vector.load %arg15[%swap3A_690, %swap3A_691, %swap3A_692] : memref<39x256x128xf32, #tpu.memory_space<vmem>>, vector<1x256x128xf32>
    %swap3A_694 = vector.shape_cast %swap3A_693 : vector<1x256x128xf32> to vector<256x128xf32>
    %swap3A_695 = vector.shape_cast %select_n3A_689 : vector<256x128xf32> to vector<1x256x128xf32>
    tpu.vector_store %arg15[%swap3A_690, %swap3A_691, %swap3A_692], %swap3A_695 {strides = array<i32>} : memref<39x256x128xf32, #tpu.memory_space<vmem>>, vector<1x256x128xf32>,
    %slice3A_696 = vector.extract_strided_slice %eq3A_606 {offsets = [0, 6], sizes = [256, 1], strides = [1, 1]} : vector<256x128xi1> to vector<256x1xi1>
    %get3A_697 = arith.constant 6 : index
    %get3A_698 = arith.constant 0 : index
    %get3A_699 = arith.constant 0 : index
    %get3A_700 = vector.load %arg15[%get3A_697, %get3A_698, %get3A_699] : memref<39x256x128xf32, #tpu.memory_space<vmem>>, vector<1x256x128xf32>
    %get3A_701 = vector.shape_cast %get3A_700 : vector<1x256x128xf32> to vector<256x128xf32>
    %broadcast_in_dim3A_702 = vector.shape_cast %slice3A_696 : vector<256x1xi1> to vector<256x1xi1>
    %broadcast_in_dim3A_703 = vector.broadcast %broadcast_in_dim3A_702 : vector<256x1xi1> to vector<256x128xi1>
    %select_n3A_704 = arith.select %broadcast_in_dim3A_703, %div3A, %get3A_701 : vector<256x128xi1>, vector<256x128xf32>
    %swap3A_705 = arith.constant 6 : index
    %swap3A_706 = arith.constant 0 : index
    %swap3A_707 = arith.constant 0 : index
    %swap3A_708 = vector.load %arg15[%swap3A_705, %swap3A_706, %swap3A_707] : memref<39x256x128xf32, #tpu.memory_space<vmem>>, vector<1x256x128xf32>
    %swap3A_709 = vector.shape_cast %swap3A_708 : vector<1x256x128xf32> to vector<256x128xf32>
    %swap3A_710 = vector.shape_cast %select_n3A_704 : vector<256x128xf32> to vector<1x256x128xf32>
    tpu.vector_store %arg15[%swap3A_705, %swap3A_706, %swap3A_707], %swap3A_710 {strides = array<i32>} : memref<39x256x128xf32, #tpu.memory_space<vmem>>, vector<1x256x128xf32>,
    %slice3A_711 = vector.extract_strided_slice %eq3A_606 {offsets = [0, 7], sizes = [256, 1], strides = [1, 1]} : vector<256x128xi1> to vector<256x1xi1>
    %get3A_712 = arith.constant 7 : index
    %get3A_713 = arith.constant 0 : index
    %get3A_714 = arith.constant 0 : index
    %get3A_715 = vector.load %arg15[%get3A_712, %get3A_713, %get3A_714] : memref<39x256x128xf32, #tpu.memory_space<vmem>>, vector<1x256x128xf32>
    %get3A_716 = vector.shape_cast %get3A_715 : vector<1x256x128xf32> to vector<256x128xf32>
    %broadcast_in_dim3A_717 = vector.shape_cast %slice3A_711 : vector<256x1xi1> to vector<256x1xi1>
    %broadcast_in_dim3A_718 = vector.broadcast %broadcast_in_dim3A_717 : vector<256x1xi1> to vector<256x128xi1>
    %select_n3A_719 = arith.select %broadcast_in_dim3A_718, %div3A, %get3A_716 : vector<256x128xi1>, vector<256x128xf32>
    %swap3A_720 = arith.constant 7 : index
    %swap3A_721 = arith.constant 0 : index
    %swap3A_722 = arith.constant 0 : index
    %swap3A_723 = vector.load %arg15[%swap3A_720, %swap3A_721, %swap3A_722] : memref<39x256x128xf32, #tpu.memory_space<vmem>>, vector<1x256x128xf32>
    %swap3A_724 = vector.shape_cast %swap3A_723 : vector<1x256x128xf32> to vector<256x128xf32>
    %swap3A_725 = vector.shape_cast %select_n3A_719 : vector<256x128xf32> to vector<1x256x128xf32>
    tpu.vector_store %arg15[%swap3A_720, %swap3A_721, %swap3A_722], %swap3A_725 {strides = array<i32>} : memref<39x256x128xf32, #tpu.memory_space<vmem>>, vector<1x256x128xf32>,
    %slice3A_726 = vector.extract_strided_slice %eq3A_606 {offsets = [0, 8], sizes = [256, 1], strides = [1, 1]} : vector<256x128xi1> to vector<256x1xi1>
    %get3A_727 = arith.constant 8 : index
    %get3A_728 = arith.constant 0 : index
    %get3A_729 = arith.constant 0 : index
    %get3A_730 = vector.load %arg15[%get3A_727, %get3A_728, %get3A_729] : memref<39x256x128xf32, #tpu.memory_space<vmem>>, vector<1x256x128xf32>
    %get3A_731 = vector.shape_cast %get3A_730 : vector<1x256x128xf32> to vector<256x128xf32>
    %broadcast_in_dim3A_732 = vector.shape_cast %slice3A_726 : vector<256x1xi1> to vector<256x1xi1>
    %broadcast_in_dim3A_733 = vector.broadcast %broadcast_in_dim3A_732 : vector<256x1xi1> to vector<256x128xi1>
    %select_n3A_734 = arith.select %broadcast_in_dim3A_733, %div3A, %get3A_731 : vector<256x128xi1>, vector<256x128xf32>
    %swap3A_735 = arith.constant 8 : index
    %swap3A_736 = arith.constant 0 : index
    %swap3A_737 = arith.constant 0 : index
    %swap3A_738 = vector.load %arg15[%swap3A_735, %swap3A_736, %swap3A_737] : memref<39x256x128xf32, #tpu.memory_space<vmem>>, vector<1x256x128xf32>
    %swap3A_739 = vector.shape_cast %swap3A_738 : vector<1x256x128xf32> to vector<256x128xf32>
    %swap3A_740 = vector.shape_cast %select_n3A_734 : vector<256x128xf32> to vector<1x256x128xf32>
    tpu.vector_store %arg15[%swap3A_735, %swap3A_736, %swap3A_737], %swap3A_740 {strides = array<i32>} : memref<39x256x128xf32, #tpu.memory_space<vmem>>, vector<1x256x128xf32>,
    %slice3A_741 = vector.extract_strided_slice %eq3A_606 {offsets = [0, 9], sizes = [256, 1], strides = [1, 1]} : vector<256x128xi1> to vector<256x1xi1>
    %get3A_742 = arith.constant 9 : index
    %get3A_743 = arith.constant 0 : index
    %get3A_744 = arith.constant 0 : index
    %get3A_745 = vector.load %arg15[%get3A_742, %get3A_743, %get3A_744] : memref<39x256x128xf32, #tpu.memory_space<vmem>>, vector<1x256x128xf32>
    %get3A_746 = vector.shape_cast %get3A_745 : vector<1x256x128xf32> to vector<256x128xf32>
    %broadcast_in_dim3A_747 = vector.shape_cast %slice3A_741 : vector<256x1xi1> to vector<256x1xi1>
    %broadcast_in_dim3A_748 = vector.broadcast %broadcast_in_dim3A_747 : vector<256x1xi1> to vector<256x128xi1>
    %select_n3A_749 = arith.select %broadcast_in_dim3A_748, %div3A, %get3A_746 : vector<256x128xi1>, vector<256x128xf32>
    %swap3A_750 = arith.constant 9 : index
    %swap3A_751 = arith.constant 0 : index
    %swap3A_752 = arith.constant 0 : index
    %swap3A_753 = vector.load %arg15[%swap3A_750, %swap3A_751, %swap3A_752] : memref<39x256x128xf32, #tpu.memory_space<vmem>>, vector<1x256x128xf32>
    %swap3A_754 = vector.shape_cast %swap3A_753 : vector<1x256x128xf32> to vector<256x128xf32>
    %swap3A_755 = vector.shape_cast %select_n3A_749 : vector<256x128xf32> to vector<1x256x128xf32>
    tpu.vector_store %arg15[%swap3A_750, %swap3A_751, %swap3A_752], %swap3A_755 {strides = array<i32>} : memref<39x256x128xf32, #tpu.memory_space<vmem>>, vector<1x256x128xf32>,
    %slice3A_756 = vector.extract_strided_slice %eq3A_606 {offsets = [0, 10], sizes = [256, 1], strides = [1, 1]} : vector<256x128xi1> to vector<256x1xi1>
    %get3A_757 = arith.constant 10 : index
    %get3A_758 = arith.constant 0 : index
    %get3A_759 = arith.constant 0 : index
    %get3A_760 = vector.load %arg15[%get3A_757, %get3A_758, %get3A_759] : memref<39x256x128xf32, #tpu.memory_space<vmem>>, vector<1x256x128xf32>
    %get3A_761 = vector.shape_cast %get3A_760 : vector<1x256x128xf32> to vector<256x128xf32>
    %broadcast_in_dim3A_762 = vector.shape_cast %slice3A_756 : vector<256x1xi1> to vector<256x1xi1>
    %broadcast_in_dim3A_763 = vector.broadcast %broadcast_in_dim3A_762 : vector<256x1xi1> to vector<256x128xi1>
    %select_n3A_764 = arith.select %broadcast_in_dim3A_763, %div3A, %get3A_761 : vector<256x128xi1>, vector<256x128xf32>
    %swap3A_765 = arith.constant 10 : index
    %swap3A_766 = arith.constant 0 : index
    %swap3A_767 = arith.constant 0 : index
    %swap3A_768 = vector.load %arg15[%swap3A_765, %swap3A_766, %swap3A_767] : memref<39x256x128xf32, #tpu.memory_space<vmem>>, vector<1x256x128xf32>
    %swap3A_769 = vector.shape_cast %swap3A_768 : vector<1x256x128xf32> to vector<256x128xf32>
    %swap3A_770 = vector.shape_cast %select_n3A_764 : vector<256x128xf32> to vector<1x256x128xf32>
    tpu.vector_store %arg15[%swap3A_765, %swap3A_766, %swap3A_767], %swap3A_770 {strides = array<i32>} : memref<39x256x128xf32, #tpu.memory_space<vmem>>, vector<1x256x128xf32>,
    %slice3A_771 = vector.extract_strided_slice %eq3A_606 {offsets = [0, 11], sizes = [256, 1], strides = [1, 1]} : vector<256x128xi1> to vector<256x1xi1>
    %get3A_772 = arith.constant 11 : index
    %get3A_773 = arith.constant 0 : index
    %get3A_774 = arith.constant 0 : index
    %get3A_775 = vector.load %arg15[%get3A_772, %get3A_773, %get3A_774] : memref<39x256x128xf32, #tpu.memory_space<vmem>>, vector<1x256x128xf32>
    %get3A_776 = vector.shape_cast %get3A_775 : vector<1x256x128xf32> to vector<256x128xf32>
    %broadcast_in_dim3A_777 = vector.shape_cast %slice3A_771 : vector<256x1xi1> to vector<256x1xi1>
    %broadcast_in_dim3A_778 = vector.broadcast %broadcast_in_dim3A_777 : vector<256x1xi1> to vector<256x128xi1>
    %select_n3A_779 = arith.select %broadcast_in_dim3A_778, %div3A, %get3A_776 : vector<256x128xi1>, vector<256x128xf32>
    %swap3A_780 = arith.constant 11 : index
    %swap3A_781 = arith.constant 0 : index
    %swap3A_782 = arith.constant 0 : index
    %swap3A_783 = vector.load %arg15[%swap3A_780, %swap3A_781, %swap3A_782] : memref<39x256x128xf32, #tpu.memory_space<vmem>>, vector<1x256x128xf32>
    %swap3A_784 = vector.shape_cast %swap3A_783 : vector<1x256x128xf32> to vector<256x128xf32>
    %swap3A_785 = vector.shape_cast %select_n3A_779 : vector<256x128xf32> to vector<1x256x128xf32>
    tpu.vector_store %arg15[%swap3A_780, %swap3A_781, %swap3A_782], %swap3A_785 {strides = array<i32>} : memref<39x256x128xf32, #tpu.memory_space<vmem>>, vector<1x256x128xf32>,
    %slice3A_786 = vector.extract_strided_slice %eq3A_606 {offsets = [0, 12], sizes = [256, 1], strides = [1, 1]} : vector<256x128xi1> to vector<256x1xi1>
    %get3A_787 = arith.constant 12 : index
    %get3A_788 = arith.constant 0 : index
    %get3A_789 = arith.constant 0 : index
    %get3A_790 = vector.load %arg15[%get3A_787, %get3A_788, %get3A_789] : memref<39x256x128xf32, #tpu.memory_space<vmem>>, vector<1x256x128xf32>
    %get3A_791 = vector.shape_cast %get3A_790 : vector<1x256x128xf32> to vector<256x128xf32>
    %broadcast_in_dim3A_792 = vector.shape_cast %slice3A_786 : vector<256x1xi1> to vector<256x1xi1>
    %broadcast_in_dim3A_793 = vector.broadcast %broadcast_in_dim3A_792 : vector<256x1xi1> to vector<256x128xi1>
    %select_n3A_794 = arith.select %broadcast_in_dim3A_793, %div3A, %get3A_791 : vector<256x128xi1>, vector<256x128xf32>
    %swap3A_795 = arith.constant 12 : index
    %swap3A_796 = arith.constant 0 : index
    %swap3A_797 = arith.constant 0 : index
    %swap3A_798 = vector.load %arg15[%swap3A_795, %swap3A_796, %swap3A_797] : memref<39x256x128xf32, #tpu.memory_space<vmem>>, vector<1x256x128xf32>
    %swap3A_799 = vector.shape_cast %swap3A_798 : vector<1x256x128xf32> to vector<256x128xf32>
    %swap3A_800 = vector.shape_cast %select_n3A_794 : vector<256x128xf32> to vector<1x256x128xf32>
    tpu.vector_store %arg15[%swap3A_795, %swap3A_796, %swap3A_797], %swap3A_800 {strides = array<i32>} : memref<39x256x128xf32, #tpu.memory_space<vmem>>, vector<1x256x128xf32>,
    %slice3A_801 = vector.extract_strided_slice %eq3A_606 {offsets = [0, 13], sizes = [256, 1], strides = [1, 1]} : vector<256x128xi1> to vector<256x1xi1>
    %get3A_802 = arith.constant 13 : index
    %get3A_803 = arith.constant 0 : index
    %get3A_804 = arith.constant 0 : index
    %get3A_805 = vector.load %arg15[%get3A_802, %get3A_803, %get3A_804] : memref<39x256x128xf32, #tpu.memory_space<vmem>>, vector<1x256x128xf32>
    %get3A_806 = vector.shape_cast %get3A_805 : vector<1x256x128xf32> to vector<256x128xf32>
    %broadcast_in_dim3A_807 = vector.shape_cast %slice3A_801 : vector<256x1xi1> to vector<256x1xi1>
    %broadcast_in_dim3A_808 = vector.broadcast %broadcast_in_dim3A_807 : vector<256x1xi1> to vector<256x128xi1>
    %select_n3A_809 = arith.select %broadcast_in_dim3A_808, %div3A, %get3A_806 : vector<256x128xi1>, vector<256x128xf32>
    %swap3A_810 = arith.constant 13 : index
    %swap3A_811 = arith.constant 0 : index
    %swap3A_812 = arith.constant 0 : index
    %swap3A_813 = vector.load %arg15[%swap3A_810, %swap3A_811, %swap3A_812] : memref<39x256x128xf32, #tpu.memory_space<vmem>>, vector<1x256x128xf32>
    %swap3A_814 = vector.shape_cast %swap3A_813 : vector<1x256x128xf32> to vector<256x128xf32>
    %swap3A_815 = vector.shape_cast %select_n3A_809 : vector<256x128xf32> to vector<1x256x128xf32>
    tpu.vector_store %arg15[%swap3A_810, %swap3A_811, %swap3A_812], %swap3A_815 {strides = array<i32>} : memref<39x256x128xf32, #tpu.memory_space<vmem>>, vector<1x256x128xf32>,
    %slice3A_816 = vector.extract_strided_slice %eq3A_606 {offsets = [0, 14], sizes = [256, 1], strides = [1, 1]} : vector<256x128xi1> to vector<256x1xi1>
    %get3A_817 = arith.constant 14 : index
    %get3A_818 = arith.constant 0 : index
    %get3A_819 = arith.constant 0 : index
    %get3A_820 = vector.load %arg15[%get3A_817, %get3A_818, %get3A_819] : memref<39x256x128xf32, #tpu.memory_space<vmem>>, vector<1x256x128xf32>
    %get3A_821 = vector.shape_cast %get3A_820 : vector<1x256x128xf32> to vector<256x128xf32>
    %broadcast_in_dim3A_822 = vector.shape_cast %slice3A_816 : vector<256x1xi1> to vector<256x1xi1>
    %broadcast_in_dim3A_823 = vector.broadcast %broadcast_in_dim3A_822 : vector<256x1xi1> to vector<256x128xi1>
    %select_n3A_824 = arith.select %broadcast_in_dim3A_823, %div3A, %get3A_821 : vector<256x128xi1>, vector<256x128xf32>
    %swap3A_825 = arith.constant 14 : index
    %swap3A_826 = arith.constant 0 : index
    %swap3A_827 = arith.constant 0 : index
    %swap3A_828 = vector.load %arg15[%swap3A_825, %swap3A_826, %swap3A_827] : memref<39x256x128xf32, #tpu.memory_space<vmem>>, vector<1x256x128xf32>
    %swap3A_829 = vector.shape_cast %swap3A_828 : vector<1x256x128xf32> to vector<256x128xf32>
    %swap3A_830 = vector.shape_cast %select_n3A_824 : vector<256x128xf32> to vector<1x256x128xf32>
    tpu.vector_store %arg15[%swap3A_825, %swap3A_826, %swap3A_827], %swap3A_830 {strides = array<i32>} : memref<39x256x128xf32, #tpu.memory_space<vmem>>, vector<1x256x128xf32>,
    %slice3A_831 = vector.extract_strided_slice %eq3A_606 {offsets = [0, 15], sizes = [256, 1], strides = [1, 1]} : vector<256x128xi1> to vector<256x1xi1>
    %get3A_832 = arith.constant 15 : index
    %get3A_833 = arith.constant 0 : index
    %get3A_834 = arith.constant 0 : index
    %get3A_835 = vector.load %arg15[%get3A_832, %get3A_833, %get3A_834] : memref<39x256x128xf32, #tpu.memory_space<vmem>>, vector<1x256x128xf32>
    %get3A_836 = vector.shape_cast %get3A_835 : vector<1x256x128xf32> to vector<256x128xf32>
    %broadcast_in_dim3A_837 = vector.shape_cast %slice3A_831 : vector<256x1xi1> to vector<256x1xi1>
    %broadcast_in_dim3A_838 = vector.broadcast %broadcast_in_dim3A_837 : vector<256x1xi1> to vector<256x128xi1>
    %select_n3A_839 = arith.select %broadcast_in_dim3A_838, %div3A, %get3A_836 : vector<256x128xi1>, vector<256x128xf32>
    %swap3A_840 = arith.constant 15 : index
    %swap3A_841 = arith.constant 0 : index
    %swap3A_842 = arith.constant 0 : index
    %swap3A_843 = vector.load %arg15[%swap3A_840, %swap3A_841, %swap3A_842] : memref<39x256x128xf32, #tpu.memory_space<vmem>>, vector<1x256x128xf32>
    %swap3A_844 = vector.shape_cast %swap3A_843 : vector<1x256x128xf32> to vector<256x128xf32>
    %swap3A_845 = vector.shape_cast %select_n3A_839 : vector<256x128xf32> to vector<1x256x128xf32>
    tpu.vector_store %arg15[%swap3A_840, %swap3A_841, %swap3A_842], %swap3A_845 {strides = array<i32>} : memref<39x256x128xf32, #tpu.memory_space<vmem>>, vector<1x256x128xf32>,
    %slice3A_846 = vector.extract_strided_slice %eq3A_606 {offsets = [0, 16], sizes = [256, 1], strides = [1, 1]} : vector<256x128xi1> to vector<256x1xi1>
    %get3A_847 = arith.constant 16 : index
    %get3A_848 = arith.constant 0 : index
    %get3A_849 = arith.constant 0 : index
    %get3A_850 = vector.load %arg15[%get3A_847, %get3A_848, %get3A_849] : memref<39x256x128xf32, #tpu.memory_space<vmem>>, vector<1x256x128xf32>
    %get3A_851 = vector.shape_cast %get3A_850 : vector<1x256x128xf32> to vector<256x128xf32>
    %broadcast_in_dim3A_852 = vector.shape_cast %slice3A_846 : vector<256x1xi1> to vector<256x1xi1>
    %broadcast_in_dim3A_853 = vector.broadcast %broadcast_in_dim3A_852 : vector<256x1xi1> to vector<256x128xi1>
    %select_n3A_854 = arith.select %broadcast_in_dim3A_853, %div3A, %get3A_851 : vector<256x128xi1>, vector<256x128xf32>
    %swap3A_855 = arith.constant 16 : index
    %swap3A_856 = arith.constant 0 : index
    %swap3A_857 = arith.constant 0 : index
    %swap3A_858 = vector.load %arg15[%swap3A_855, %swap3A_856, %swap3A_857] : memref<39x256x128xf32, #tpu.memory_space<vmem>>, vector<1x256x128xf32>
    %swap3A_859 = vector.shape_cast %swap3A_858 : vector<1x256x128xf32> to vector<256x128xf32>
    %swap3A_860 = vector.shape_cast %select_n3A_854 : vector<256x128xf32> to vector<1x256x128xf32>
    tpu.vector_store %arg15[%swap3A_855, %swap3A_856, %swap3A_857], %swap3A_860 {strides = array<i32>} : memref<39x256x128xf32, #tpu.memory_space<vmem>>, vector<1x256x128xf32>,
    %slice3A_861 = vector.extract_strided_slice %eq3A_606 {offsets = [0, 17], sizes = [256, 1], strides = [1, 1]} : vector<256x128xi1> to vector<256x1xi1>
    %get3A_862 = arith.constant 17 : index
    %get3A_863 = arith.constant 0 : index
    %get3A_864 = arith.constant 0 : index
    %get3A_865 = vector.load %arg15[%get3A_862, %get3A_863, %get3A_864] : memref<39x256x128xf32, #tpu.memory_space<vmem>>, vector<1x256x128xf32>
    %get3A_866 = vector.shape_cast %get3A_865 : vector<1x256x128xf32> to vector<256x128xf32>
    %broadcast_in_dim3A_867 = vector.shape_cast %slice3A_861 : vector<256x1xi1> to vector<256x1xi1>
    %broadcast_in_dim3A_868 = vector.broadcast %broadcast_in_dim3A_867 : vector<256x1xi1> to vector<256x128xi1>
    %select_n3A_869 = arith.select %broadcast_in_dim3A_868, %div3A, %get3A_866 : vector<256x128xi1>, vector<256x128xf32>
    %swap3A_870 = arith.constant 17 : index
    %swap3A_871 = arith.constant 0 : index
    %swap3A_872 = arith.constant 0 : index
    %swap3A_873 = vector.load %arg15[%swap3A_870, %swap3A_871, %swap3A_872] : memref<39x256x128xf32, #tpu.memory_space<vmem>>, vector<1x256x128xf32>
    %swap3A_874 = vector.shape_cast %swap3A_873 : vector<1x256x128xf32> to vector<256x128xf32>
    %swap3A_875 = vector.shape_cast %select_n3A_869 : vector<256x128xf32> to vector<1x256x128xf32>
    tpu.vector_store %arg15[%swap3A_870, %swap3A_871, %swap3A_872], %swap3A_875 {strides = array<i32>} : memref<39x256x128xf32, #tpu.memory_space<vmem>>, vector<1x256x128xf32>,
    %slice3A_876 = vector.extract_strided_slice %eq3A_606 {offsets = [0, 18], sizes = [256, 1], strides = [1, 1]} : vector<256x128xi1> to vector<256x1xi1>
    %get3A_877 = arith.constant 18 : index
    %get3A_878 = arith.constant 0 : index
    %get3A_879 = arith.constant 0 : index
    %get3A_880 = vector.load %arg15[%get3A_877, %get3A_878, %get3A_879] : memref<39x256x128xf32, #tpu.memory_space<vmem>>, vector<1x256x128xf32>
    %get3A_881 = vector.shape_cast %get3A_880 : vector<1x256x128xf32> to vector<256x128xf32>
    %broadcast_in_dim3A_882 = vector.shape_cast %slice3A_876 : vector<256x1xi1> to vector<256x1xi1>
    %broadcast_in_dim3A_883 = vector.broadcast %broadcast_in_dim3A_882 : vector<256x1xi1> to vector<256x128xi1>
    %select_n3A_884 = arith.select %broadcast_in_dim3A_883, %div3A, %get3A_881 : vector<256x128xi1>, vector<256x128xf32>
    %swap3A_885 = arith.constant 18 : index
    %swap3A_886 = arith.constant 0 : index
    %swap3A_887 = arith.constant 0 : index
    %swap3A_888 = vector.load %arg15[%swap3A_885, %swap3A_886, %swap3A_887] : memref<39x256x128xf32, #tpu.memory_space<vmem>>, vector<1x256x128xf32>
    %swap3A_889 = vector.shape_cast %swap3A_888 : vector<1x256x128xf32> to vector<256x128xf32>
    %swap3A_890 = vector.shape_cast %select_n3A_884 : vector<256x128xf32> to vector<1x256x128xf32>
    tpu.vector_store %arg15[%swap3A_885, %swap3A_886, %swap3A_887], %swap3A_890 {strides = array<i32>} : memref<39x256x128xf32, #tpu.memory_space<vmem>>, vector<1x256x128xf32>,
    %slice3A_891 = vector.extract_strided_slice %eq3A_606 {offsets = [0, 19], sizes = [256, 1], strides = [1, 1]} : vector<256x128xi1> to vector<256x1xi1>
    %get3A_892 = arith.constant 19 : index
    %get3A_893 = arith.constant 0 : index
    %get3A_894 = arith.constant 0 : index
    %get3A_895 = vector.load %arg15[%get3A_892, %get3A_893, %get3A_894] : memref<39x256x128xf32, #tpu.memory_space<vmem>>, vector<1x256x128xf32>
    %get3A_896 = vector.shape_cast %get3A_895 : vector<1x256x128xf32> to vector<256x128xf32>
    %broadcast_in_dim3A_897 = vector.shape_cast %slice3A_891 : vector<256x1xi1> to vector<256x1xi1>
    %broadcast_in_dim3A_898 = vector.broadcast %broadcast_in_dim3A_897 : vector<256x1xi1> to vector<256x128xi1>
    %select_n3A_899 = arith.select %broadcast_in_dim3A_898, %div3A, %get3A_896 : vector<256x128xi1>, vector<256x128xf32>
    %swap3A_900 = arith.constant 19 : index
    %swap3A_901 = arith.constant 0 : index
    %swap3A_902 = arith.constant 0 : index
    %swap3A_903 = vector.load %arg15[%swap3A_900, %swap3A_901, %swap3A_902] : memref<39x256x128xf32, #tpu.memory_space<vmem>>, vector<1x256x128xf32>
    %swap3A_904 = vector.shape_cast %swap3A_903 : vector<1x256x128xf32> to vector<256x128xf32>
    %swap3A_905 = vector.shape_cast %select_n3A_899 : vector<256x128xf32> to vector<1x256x128xf32>
    tpu.vector_store %arg15[%swap3A_900, %swap3A_901, %swap3A_902], %swap3A_905 {strides = array<i32>} : memref<39x256x128xf32, #tpu.memory_space<vmem>>, vector<1x256x128xf32>,
    %slice3A_906 = vector.extract_strided_slice %eq3A_606 {offsets = [0, 20], sizes = [256, 1], strides = [1, 1]} : vector<256x128xi1> to vector<256x1xi1>
    %get3A_907 = arith.constant 20 : index
    %get3A_908 = arith.constant 0 : index
    %get3A_909 = arith.constant 0 : index
    %get3A_910 = vector.load %arg15[%get3A_907, %get3A_908, %get3A_909] : memref<39x256x128xf32, #tpu.memory_space<vmem>>, vector<1x256x128xf32>
    %get3A_911 = vector.shape_cast %get3A_910 : vector<1x256x128xf32> to vector<256x128xf32>
    %broadcast_in_dim3A_912 = vector.shape_cast %slice3A_906 : vector<256x1xi1> to vector<256x1xi1>
    %broadcast_in_dim3A_913 = vector.broadcast %broadcast_in_dim3A_912 : vector<256x1xi1> to vector<256x128xi1>
    %select_n3A_914 = arith.select %broadcast_in_dim3A_913, %div3A, %get3A_911 : vector<256x128xi1>, vector<256x128xf32>
    %swap3A_915 = arith.constant 20 : index
    %swap3A_916 = arith.constant 0 : index
    %swap3A_917 = arith.constant 0 : index
    %swap3A_918 = vector.load %arg15[%swap3A_915, %swap3A_916, %swap3A_917] : memref<39x256x128xf32, #tpu.memory_space<vmem>>, vector<1x256x128xf32>
    %swap3A_919 = vector.shape_cast %swap3A_918 : vector<1x256x128xf32> to vector<256x128xf32>
    %swap3A_920 = vector.shape_cast %select_n3A_914 : vector<256x128xf32> to vector<1x256x128xf32>
    tpu.vector_store %arg15[%swap3A_915, %swap3A_916, %swap3A_917], %swap3A_920 {strides = array<i32>} : memref<39x256x128xf32, #tpu.memory_space<vmem>>, vector<1x256x128xf32>,
    %slice3A_921 = vector.extract_strided_slice %eq3A_606 {offsets = [0, 21], sizes = [256, 1], strides = [1, 1]} : vector<256x128xi1> to vector<256x1xi1>
    %get3A_922 = arith.constant 21 : index
    %get3A_923 = arith.constant 0 : index
    %get3A_924 = arith.constant 0 : index
    %get3A_925 = vector.load %arg15[%get3A_922, %get3A_923, %get3A_924] : memref<39x256x128xf32, #tpu.memory_space<vmem>>, vector<1x256x128xf32>
    %get3A_926 = vector.shape_cast %get3A_925 : vector<1x256x128xf32> to vector<256x128xf32>
    %broadcast_in_dim3A_927 = vector.shape_cast %slice3A_921 : vector<256x1xi1> to vector<256x1xi1>
    %broadcast_in_dim3A_928 = vector.broadcast %broadcast_in_dim3A_927 : vector<256x1xi1> to vector<256x128xi1>
    %select_n3A_929 = arith.select %broadcast_in_dim3A_928, %div3A, %get3A_926 : vector<256x128xi1>, vector<256x128xf32>
    %swap3A_930 = arith.constant 21 : index
    %swap3A_931 = arith.constant 0 : index
    %swap3A_932 = arith.constant 0 : index
    %swap3A_933 = vector.load %arg15[%swap3A_930, %swap3A_931, %swap3A_932] : memref<39x256x128xf32, #tpu.memory_space<vmem>>, vector<1x256x128xf32>
    %swap3A_934 = vector.shape_cast %swap3A_933 : vector<1x256x128xf32> to vector<256x128xf32>
    %swap3A_935 = vector.shape_cast %select_n3A_929 : vector<256x128xf32> to vector<1x256x128xf32>
    tpu.vector_store %arg15[%swap3A_930, %swap3A_931, %swap3A_932], %swap3A_935 {strides = array<i32>} : memref<39x256x128xf32, #tpu.memory_space<vmem>>, vector<1x256x128xf32>,
    %slice3A_936 = vector.extract_strided_slice %eq3A_606 {offsets = [0, 22], sizes = [256, 1], strides = [1, 1]} : vector<256x128xi1> to vector<256x1xi1>
    %get3A_937 = arith.constant 22 : index
    %get3A_938 = arith.constant 0 : index
    %get3A_939 = arith.constant 0 : index
    %get3A_940 = vector.load %arg15[%get3A_937, %get3A_938, %get3A_939] : memref<39x256x128xf32, #tpu.memory_space<vmem>>, vector<1x256x128xf32>
    %get3A_941 = vector.shape_cast %get3A_940 : vector<1x256x128xf32> to vector<256x128xf32>
    %broadcast_in_dim3A_942 = vector.shape_cast %slice3A_936 : vector<256x1xi1> to vector<256x1xi1>
    %broadcast_in_dim3A_943 = vector.broadcast %broadcast_in_dim3A_942 : vector<256x1xi1> to vector<256x128xi1>
    %select_n3A_944 = arith.select %broadcast_in_dim3A_943, %div3A, %get3A_941 : vector<256x128xi1>, vector<256x128xf32>
    %swap3A_945 = arith.constant 22 : index
    %swap3A_946 = arith.constant 0 : index
    %swap3A_947 = arith.constant 0 : index
    %swap3A_948 = vector.load %arg15[%swap3A_945, %swap3A_946, %swap3A_947] : memref<39x256x128xf32, #tpu.memory_space<vmem>>, vector<1x256x128xf32>
    %swap3A_949 = vector.shape_cast %swap3A_948 : vector<1x256x128xf32> to vector<256x128xf32>
    %swap3A_950 = vector.shape_cast %select_n3A_944 : vector<256x128xf32> to vector<1x256x128xf32>
    tpu.vector_store %arg15[%swap3A_945, %swap3A_946, %swap3A_947], %swap3A_950 {strides = array<i32>} : memref<39x256x128xf32, #tpu.memory_space<vmem>>, vector<1x256x128xf32>,
    %slice3A_951 = vector.extract_strided_slice %eq3A_606 {offsets = [0, 23], sizes = [256, 1], strides = [1, 1]} : vector<256x128xi1> to vector<256x1xi1>
    %get3A_952 = arith.constant 23 : index
    %get3A_953 = arith.constant 0 : index
    %get3A_954 = arith.constant 0 : index
    %get3A_955 = vector.load %arg15[%get3A_952, %get3A_953, %get3A_954] : memref<39x256x128xf32, #tpu.memory_space<vmem>>, vector<1x256x128xf32>
    %get3A_956 = vector.shape_cast %get3A_955 : vector<1x256x128xf32> to vector<256x128xf32>
    %broadcast_in_dim3A_957 = vector.shape_cast %slice3A_951 : vector<256x1xi1> to vector<256x1xi1>
    %broadcast_in_dim3A_958 = vector.broadcast %broadcast_in_dim3A_957 : vector<256x1xi1> to vector<256x128xi1>
    %select_n3A_959 = arith.select %broadcast_in_dim3A_958, %div3A, %get3A_956 : vector<256x128xi1>, vector<256x128xf32>
    %swap3A_960 = arith.constant 23 : index
    %swap3A_961 = arith.constant 0 : index
    %swap3A_962 = arith.constant 0 : index
    %swap3A_963 = vector.load %arg15[%swap3A_960, %swap3A_961, %swap3A_962] : memref<39x256x128xf32, #tpu.memory_space<vmem>>, vector<1x256x128xf32>
    %swap3A_964 = vector.shape_cast %swap3A_963 : vector<1x256x128xf32> to vector<256x128xf32>
    %swap3A_965 = vector.shape_cast %select_n3A_959 : vector<256x128xf32> to vector<1x256x128xf32>
    tpu.vector_store %arg15[%swap3A_960, %swap3A_961, %swap3A_962], %swap3A_965 {strides = array<i32>} : memref<39x256x128xf32, #tpu.memory_space<vmem>>, vector<1x256x128xf32>,
    %slice3A_966 = vector.extract_strided_slice %eq3A_606 {offsets = [0, 24], sizes = [256, 1], strides = [1, 1]} : vector<256x128xi1> to vector<256x1xi1>
    %get3A_967 = arith.constant 24 : index
    %get3A_968 = arith.constant 0 : index
    %get3A_969 = arith.constant 0 : index
    %get3A_970 = vector.load %arg15[%get3A_967, %get3A_968, %get3A_969] : memref<39x256x128xf32, #tpu.memory_space<vmem>>, vector<1x256x128xf32>
    %get3A_971 = vector.shape_cast %get3A_970 : vector<1x256x128xf32> to vector<256x128xf32>
    %broadcast_in_dim3A_972 = vector.shape_cast %slice3A_966 : vector<256x1xi1> to vector<256x1xi1>
    %broadcast_in_dim3A_973 = vector.broadcast %broadcast_in_dim3A_972 : vector<256x1xi1> to vector<256x128xi1>
    %select_n3A_974 = arith.select %broadcast_in_dim3A_973, %div3A, %get3A_971 : vector<256x128xi1>, vector<256x128xf32>
    %swap3A_975 = arith.constant 24 : index
    %swap3A_976 = arith.constant 0 : index
    %swap3A_977 = arith.constant 0 : index
    %swap3A_978 = vector.load %arg15[%swap3A_975, %swap3A_976, %swap3A_977] : memref<39x256x128xf32, #tpu.memory_space<vmem>>, vector<1x256x128xf32>
    %swap3A_979 = vector.shape_cast %swap3A_978 : vector<1x256x128xf32> to vector<256x128xf32>
    %swap3A_980 = vector.shape_cast %select_n3A_974 : vector<256x128xf32> to vector<1x256x128xf32>
    tpu.vector_store %arg15[%swap3A_975, %swap3A_976, %swap3A_977], %swap3A_980 {strides = array<i32>} : memref<39x256x128xf32, #tpu.memory_space<vmem>>, vector<1x256x128xf32>,
    %slice3A_981 = vector.extract_strided_slice %eq3A_606 {offsets = [0, 25], sizes = [256, 1], strides = [1, 1]} : vector<256x128xi1> to vector<256x1xi1>
    %get3A_982 = arith.constant 25 : index
    %get3A_983 = arith.constant 0 : index
    %get3A_984 = arith.constant 0 : index
    %get3A_985 = vector.load %arg15[%get3A_982, %get3A_983, %get3A_984] : memref<39x256x128xf32, #tpu.memory_space<vmem>>, vector<1x256x128xf32>
    %get3A_986 = vector.shape_cast %get3A_985 : vector<1x256x128xf32> to vector<256x128xf32>
    %broadcast_in_dim3A_987 = vector.shape_cast %slice3A_981 : vector<256x1xi1> to vector<256x1xi1>
    %broadcast_in_dim3A_988 = vector.broadcast %broadcast_in_dim3A_987 : vector<256x1xi1> to vector<256x128xi1>
    %select_n3A_989 = arith.select %broadcast_in_dim3A_988, %div3A, %get3A_986 : vector<256x128xi1>, vector<256x128xf32>
    %swap3A_990 = arith.constant 25 : index
    %swap3A_991 = arith.constant 0 : index
    %swap3A_992 = arith.constant 0 : index
    %swap3A_993 = vector.load %arg15[%swap3A_990, %swap3A_991, %swap3A_992] : memref<39x256x128xf32, #tpu.memory_space<vmem>>, vector<1x256x128xf32>
    %swap3A_994 = vector.shape_cast %swap3A_993 : vector<1x256x128xf32> to vector<256x128xf32>
    %swap3A_995 = vector.shape_cast %select_n3A_989 : vector<256x128xf32> to vector<1x256x128xf32>
    tpu.vector_store %arg15[%swap3A_990, %swap3A_991, %swap3A_992], %swap3A_995 {strides = array<i32>} : memref<39x256x128xf32, #tpu.memory_space<vmem>>, vector<1x256x128xf32>,
    %slice3A_996 = vector.extract_strided_slice %eq3A_606 {offsets = [0, 26], sizes = [256, 1], strides = [1, 1]} : vector<256x128xi1> to vector<256x1xi1>
    %get3A_997 = arith.constant 26 : index
    %get3A_998 = arith.constant 0 : index
    %get3A_999 = arith.constant 0 : index
    %get3A_1000 = vector.load %arg15[%get3A_997, %get3A_998, %get3A_999] : memref<39x256x128xf32, #tpu.memory_space<vmem>>, vector<1x256x128xf32>
    %get3A_1001 = vector.shape_cast %get3A_1000 : vector<1x256x128xf32> to vector<256x128xf32>
    %broadcast_in_dim3A_1002 = vector.shape_cast %slice3A_996 : vector<256x1xi1> to vector<256x1xi1>
    %broadcast_in_dim3A_1003 = vector.broadcast %broadcast_in_dim3A_1002 : vector<256x1xi1> to vector<256x128xi1>
    %select_n3A_1004 = arith.select %broadcast_in_dim3A_1003, %div3A, %get3A_1001 : vector<256x128xi1>, vector<256x128xf32>
    %swap3A_1005 = arith.constant 26 : index
    %swap3A_1006 = arith.constant 0 : index
    %swap3A_1007 = arith.constant 0 : index
    %swap3A_1008 = vector.load %arg15[%swap3A_1005, %swap3A_1006, %swap3A_1007] : memref<39x256x128xf32, #tpu.memory_space<vmem>>, vector<1x256x128xf32>
    %swap3A_1009 = vector.shape_cast %swap3A_1008 : vector<1x256x128xf32> to vector<256x128xf32>
    %swap3A_1010 = vector.shape_cast %select_n3A_1004 : vector<256x128xf32> to vector<1x256x128xf32>
    tpu.vector_store %arg15[%swap3A_1005, %swap3A_1006, %swap3A_1007], %swap3A_1010 {strides = array<i32>} : memref<39x256x128xf32, #tpu.memory_space<vmem>>, vector<1x256x128xf32>,
    %slice3A_1011 = vector.extract_strided_slice %eq3A_606 {offsets = [0, 27], sizes = [256, 1], strides = [1, 1]} : vector<256x128xi1> to vector<256x1xi1>
    %get3A_1012 = arith.constant 27 : index
    %get3A_1013 = arith.constant 0 : index
    %get3A_1014 = arith.constant 0 : index
    %get3A_1015 = vector.load %arg15[%get3A_1012, %get3A_1013, %get3A_1014] : memref<39x256x128xf32, #tpu.memory_space<vmem>>, vector<1x256x128xf32>
    %get3A_1016 = vector.shape_cast %get3A_1015 : vector<1x256x128xf32> to vector<256x128xf32>
    %broadcast_in_dim3A_1017 = vector.shape_cast %slice3A_1011 : vector<256x1xi1> to vector<256x1xi1>
    %broadcast_in_dim3A_1018 = vector.broadcast %broadcast_in_dim3A_1017 : vector<256x1xi1> to vector<256x128xi1>
    %select_n3A_1019 = arith.select %broadcast_in_dim3A_1018, %div3A, %get3A_1016 : vector<256x128xi1>, vector<256x128xf32>
    %swap3A_1020 = arith.constant 27 : index
    %swap3A_1021 = arith.constant 0 : index
    %swap3A_1022 = arith.constant 0 : index
    %swap3A_1023 = vector.load %arg15[%swap3A_1020, %swap3A_1021, %swap3A_1022] : memref<39x256x128xf32, #tpu.memory_space<vmem>>, vector<1x256x128xf32>
    %swap3A_1024 = vector.shape_cast %swap3A_1023 : vector<1x256x128xf32> to vector<256x128xf32>
    %swap3A_1025 = vector.shape_cast %select_n3A_1019 : vector<256x128xf32> to vector<1x256x128xf32>
    tpu.vector_store %arg15[%swap3A_1020, %swap3A_1021, %swap3A_1022], %swap3A_1025 {strides = array<i32>} : memref<39x256x128xf32, #tpu.memory_space<vmem>>, vector<1x256x128xf32>,
    %slice3A_1026 = vector.extract_strided_slice %eq3A_606 {offsets = [0, 28], sizes = [256, 1], strides = [1, 1]} : vector<256x128xi1> to vector<256x1xi1>
    %get3A_1027 = arith.constant 28 : index
    %get3A_1028 = arith.constant 0 : index
    %get3A_1029 = arith.constant 0 : index
    %get3A_1030 = vector.load %arg15[%get3A_1027, %get3A_1028, %get3A_1029] : memref<39x256x128xf32, #tpu.memory_space<vmem>>, vector<1x256x128xf32>
    %get3A_1031 = vector.shape_cast %get3A_1030 : vector<1x256x128xf32> to vector<256x128xf32>
    %broadcast_in_dim3A_1032 = vector.shape_cast %slice3A_1026 : vector<256x1xi1> to vector<256x1xi1>
    %broadcast_in_dim3A_1033 = vector.broadcast %broadcast_in_dim3A_1032 : vector<256x1xi1> to vector<256x128xi1>
    %select_n3A_1034 = arith.select %broadcast_in_dim3A_1033, %div3A, %get3A_1031 : vector<256x128xi1>, vector<256x128xf32>
    %swap3A_1035 = arith.constant 28 : index
    %swap3A_1036 = arith.constant 0 : index
    %swap3A_1037 = arith.constant 0 : index
    %swap3A_1038 = vector.load %arg15[%swap3A_1035, %swap3A_1036, %swap3A_1037] : memref<39x256x128xf32, #tpu.memory_space<vmem>>, vector<1x256x128xf32>
    %swap3A_1039 = vector.shape_cast %swap3A_1038 : vector<1x256x128xf32> to vector<256x128xf32>
    %swap3A_1040 = vector.shape_cast %select_n3A_1034 : vector<256x128xf32> to vector<1x256x128xf32>
    tpu.vector_store %arg15[%swap3A_1035, %swap3A_1036, %swap3A_1037], %swap3A_1040 {strides = array<i32>} : memref<39x256x128xf32, #tpu.memory_space<vmem>>, vector<1x256x128xf32>,
    %slice3A_1041 = vector.extract_strided_slice %eq3A_606 {offsets = [0, 29], sizes = [256, 1], strides = [1, 1]} : vector<256x128xi1> to vector<256x1xi1>
    %get3A_1042 = arith.constant 29 : index
    %get3A_1043 = arith.constant 0 : index
    %get3A_1044 = arith.constant 0 : index
    %get3A_1045 = vector.load %arg15[%get3A_1042, %get3A_1043, %get3A_1044] : memref<39x256x128xf32, #tpu.memory_space<vmem>>, vector<1x256x128xf32>
    %get3A_1046 = vector.shape_cast %get3A_1045 : vector<1x256x128xf32> to vector<256x128xf32>
    %broadcast_in_dim3A_1047 = vector.shape_cast %slice3A_1041 : vector<256x1xi1> to vector<256x1xi1>
    %broadcast_in_dim3A_1048 = vector.broadcast %broadcast_in_dim3A_1047 : vector<256x1xi1> to vector<256x128xi1>
    %select_n3A_1049 = arith.select %broadcast_in_dim3A_1048, %div3A, %get3A_1046 : vector<256x128xi1>, vector<256x128xf32>
    %swap3A_1050 = arith.constant 29 : index
    %swap3A_1051 = arith.constant 0 : index
    %swap3A_1052 = arith.constant 0 : index
    %swap3A_1053 = vector.load %arg15[%swap3A_1050, %swap3A_1051, %swap3A_1052] : memref<39x256x128xf32, #tpu.memory_space<vmem>>, vector<1x256x128xf32>
    %swap3A_1054 = vector.shape_cast %swap3A_1053 : vector<1x256x128xf32> to vector<256x128xf32>
    %swap3A_1055 = vector.shape_cast %select_n3A_1049 : vector<256x128xf32> to vector<1x256x128xf32>
    tpu.vector_store %arg15[%swap3A_1050, %swap3A_1051, %swap3A_1052], %swap3A_1055 {strides = array<i32>} : memref<39x256x128xf32, #tpu.memory_space<vmem>>, vector<1x256x128xf32>,
    %slice3A_1056 = vector.extract_strided_slice %eq3A_606 {offsets = [0, 30], sizes = [256, 1], strides = [1, 1]} : vector<256x128xi1> to vector<256x1xi1>
    %get3A_1057 = arith.constant 30 : index
    %get3A_1058 = arith.constant 0 : index
    %get3A_1059 = arith.constant 0 : index
    %get3A_1060 = vector.load %arg15[%get3A_1057, %get3A_1058, %get3A_1059] : memref<39x256x128xf32, #tpu.memory_space<vmem>>, vector<1x256x128xf32>
    %get3A_1061 = vector.shape_cast %get3A_1060 : vector<1x256x128xf32> to vector<256x128xf32>
    %broadcast_in_dim3A_1062 = vector.shape_cast %slice3A_1056 : vector<256x1xi1> to vector<256x1xi1>
    %broadcast_in_dim3A_1063 = vector.broadcast %broadcast_in_dim3A_1062 : vector<256x1xi1> to vector<256x128xi1>
    %select_n3A_1064 = arith.select %broadcast_in_dim3A_1063, %div3A, %get3A_1061 : vector<256x128xi1>, vector<256x128xf32>
    %swap3A_1065 = arith.constant 30 : index
    %swap3A_1066 = arith.constant 0 : index
    %swap3A_1067 = arith.constant 0 : index
    %swap3A_1068 = vector.load %arg15[%swap3A_1065, %swap3A_1066, %swap3A_1067] : memref<39x256x128xf32, #tpu.memory_space<vmem>>, vector<1x256x128xf32>
    %swap3A_1069 = vector.shape_cast %swap3A_1068 : vector<1x256x128xf32> to vector<256x128xf32>
    %swap3A_1070 = vector.shape_cast %select_n3A_1064 : vector<256x128xf32> to vector<1x256x128xf32>
    tpu.vector_store %arg15[%swap3A_1065, %swap3A_1066, %swap3A_1067], %swap3A_1070 {strides = array<i32>} : memref<39x256x128xf32, #tpu.memory_space<vmem>>, vector<1x256x128xf32>,
    %slice3A_1071 = vector.extract_strided_slice %eq3A_606 {offsets = [0, 31], sizes = [256, 1], strides = [1, 1]} : vector<256x128xi1> to vector<256x1xi1>
    %get3A_1072 = arith.constant 31 : index
    %get3A_1073 = arith.constant 0 : index
    %get3A_1074 = arith.constant 0 : index
    %get3A_1075 = vector.load %arg15[%get3A_1072, %get3A_1073, %get3A_1074] : memref<39x256x128xf32, #tpu.memory_space<vmem>>, vector<1x256x128xf32>
    %get3A_1076 = vector.shape_cast %get3A_1075 : vector<1x256x128xf32> to vector<256x128xf32>
    %broadcast_in_dim3A_1077 = vector.shape_cast %slice3A_1071 : vector<256x1xi1> to vector<256x1xi1>
    %broadcast_in_dim3A_1078 = vector.broadcast %broadcast_in_dim3A_1077 : vector<256x1xi1> to vector<256x128xi1>
    %select_n3A_1079 = arith.select %broadcast_in_dim3A_1078, %div3A, %get3A_1076 : vector<256x128xi1>, vector<256x128xf32>
    %swap3A_1080 = arith.constant 31 : index
    %swap3A_1081 = arith.constant 0 : index
    %swap3A_1082 = arith.constant 0 : index
    %swap3A_1083 = vector.load %arg15[%swap3A_1080, %swap3A_1081, %swap3A_1082] : memref<39x256x128xf32, #tpu.memory_space<vmem>>, vector<1x256x128xf32>
    %swap3A_1084 = vector.shape_cast %swap3A_1083 : vector<1x256x128xf32> to vector<256x128xf32>
    %swap3A_1085 = vector.shape_cast %select_n3A_1079 : vector<256x128xf32> to vector<1x256x128xf32>
    tpu.vector_store %arg15[%swap3A_1080, %swap3A_1081, %swap3A_1082], %swap3A_1085 {strides = array<i32>} : memref<39x256x128xf32, #tpu.memory_space<vmem>>, vector<1x256x128xf32>,
    %slice3A_1086 = vector.extract_strided_slice %eq3A_606 {offsets = [0, 32], sizes = [256, 1], strides = [1, 1]} : vector<256x128xi1> to vector<256x1xi1>
    %get3A_1087 = arith.constant 32 : index
    %get3A_1088 = arith.constant 0 : index
    %get3A_1089 = arith.constant 0 : index
    %get3A_1090 = vector.load %arg15[%get3A_1087, %get3A_1088, %get3A_1089] : memref<39x256x128xf32, #tpu.memory_space<vmem>>, vector<1x256x128xf32>
    %get3A_1091 = vector.shape_cast %get3A_1090 : vector<1x256x128xf32> to vector<256x128xf32>
    %broadcast_in_dim3A_1092 = vector.shape_cast %slice3A_1086 : vector<256x1xi1> to vector<256x1xi1>
    %broadcast_in_dim3A_1093 = vector.broadcast %broadcast_in_dim3A_1092 : vector<256x1xi1> to vector<256x128xi1>
    %select_n3A_1094 = arith.select %broadcast_in_dim3A_1093, %div3A, %get3A_1091 : vector<256x128xi1>, vector<256x128xf32>
    %swap3A_1095 = arith.constant 32 : index
    %swap3A_1096 = arith.constant 0 : index
    %swap3A_1097 = arith.constant 0 : index
    %swap3A_1098 = vector.load %arg15[%swap3A_1095, %swap3A_1096, %swap3A_1097] : memref<39x256x128xf32, #tpu.memory_space<vmem>>, vector<1x256x128xf32>
    %swap3A_1099 = vector.shape_cast %swap3A_1098 : vector<1x256x128xf32> to vector<256x128xf32>
    %swap3A_1100 = vector.shape_cast %select_n3A_1094 : vector<256x128xf32> to vector<1x256x128xf32>
    tpu.vector_store %arg15[%swap3A_1095, %swap3A_1096, %swap3A_1097], %swap3A_1100 {strides = array<i32>} : memref<39x256x128xf32, #tpu.memory_space<vmem>>, vector<1x256x128xf32>,
    %slice3A_1101 = vector.extract_strided_slice %eq3A_606 {offsets = [0, 33], sizes = [256, 1], strides = [1, 1]} : vector<256x128xi1> to vector<256x1xi1>
    %get3A_1102 = arith.constant 33 : index
    %get3A_1103 = arith.constant 0 : index
    %get3A_1104 = arith.constant 0 : index
    %get3A_1105 = vector.load %arg15[%get3A_1102, %get3A_1103, %get3A_1104] : memref<39x256x128xf32, #tpu.memory_space<vmem>>, vector<1x256x128xf32>
    %get3A_1106 = vector.shape_cast %get3A_1105 : vector<1x256x128xf32> to vector<256x128xf32>
    %broadcast_in_dim3A_1107 = vector.shape_cast %slice3A_1101 : vector<256x1xi1> to vector<256x1xi1>
    %broadcast_in_dim3A_1108 = vector.broadcast %broadcast_in_dim3A_1107 : vector<256x1xi1> to vector<256x128xi1>
    %select_n3A_1109 = arith.select %broadcast_in_dim3A_1108, %div3A, %get3A_1106 : vector<256x128xi1>, vector<256x128xf32>
    %swap3A_1110 = arith.constant 33 : index
    %swap3A_1111 = arith.constant 0 : index
    %swap3A_1112 = arith.constant 0 : index
    %swap3A_1113 = vector.load %arg15[%swap3A_1110, %swap3A_1111, %swap3A_1112] : memref<39x256x128xf32, #tpu.memory_space<vmem>>, vector<1x256x128xf32>
    %swap3A_1114 = vector.shape_cast %swap3A_1113 : vector<1x256x128xf32> to vector<256x128xf32>
    %swap3A_1115 = vector.shape_cast %select_n3A_1109 : vector<256x128xf32> to vector<1x256x128xf32>
    tpu.vector_store %arg15[%swap3A_1110, %swap3A_1111, %swap3A_1112], %swap3A_1115 {strides = array<i32>} : memref<39x256x128xf32, #tpu.memory_space<vmem>>, vector<1x256x128xf32>,
    %slice3A_1116 = vector.extract_strided_slice %eq3A_606 {offsets = [0, 34], sizes = [256, 1], strides = [1, 1]} : vector<256x128xi1> to vector<256x1xi1>
    %get3A_1117 = arith.constant 34 : index
    %get3A_1118 = arith.constant 0 : index
    %get3A_1119 = arith.constant 0 : index
    %get3A_1120 = vector.load %arg15[%get3A_1117, %get3A_1118, %get3A_1119] : memref<39x256x128xf32, #tpu.memory_space<vmem>>, vector<1x256x128xf32>
    %get3A_1121 = vector.shape_cast %get3A_1120 : vector<1x256x128xf32> to vector<256x128xf32>
    %broadcast_in_dim3A_1122 = vector.shape_cast %slice3A_1116 : vector<256x1xi1> to vector<256x1xi1>
    %broadcast_in_dim3A_1123 = vector.broadcast %broadcast_in_dim3A_1122 : vector<256x1xi1> to vector<256x128xi1>
    %select_n3A_1124 = arith.select %broadcast_in_dim3A_1123, %div3A, %get3A_1121 : vector<256x128xi1>, vector<256x128xf32>
    %swap3A_1125 = arith.constant 34 : index
    %swap3A_1126 = arith.constant 0 : index
    %swap3A_1127 = arith.constant 0 : index
    %swap3A_1128 = vector.load %arg15[%swap3A_1125, %swap3A_1126, %swap3A_1127] : memref<39x256x128xf32, #tpu.memory_space<vmem>>, vector<1x256x128xf32>
    %swap3A_1129 = vector.shape_cast %swap3A_1128 : vector<1x256x128xf32> to vector<256x128xf32>
    %swap3A_1130 = vector.shape_cast %select_n3A_1124 : vector<256x128xf32> to vector<1x256x128xf32>
    tpu.vector_store %arg15[%swap3A_1125, %swap3A_1126, %swap3A_1127], %swap3A_1130 {strides = array<i32>} : memref<39x256x128xf32, #tpu.memory_space<vmem>>, vector<1x256x128xf32>,
    %slice3A_1131 = vector.extract_strided_slice %eq3A_606 {offsets = [0, 35], sizes = [256, 1], strides = [1, 1]} : vector<256x128xi1> to vector<256x1xi1>
    %get3A_1132 = arith.constant 35 : index
    %get3A_1133 = arith.constant 0 : index
    %get3A_1134 = arith.constant 0 : index
    %get3A_1135 = vector.load %arg15[%get3A_1132, %get3A_1133, %get3A_1134] : memref<39x256x128xf32, #tpu.memory_space<vmem>>, vector<1x256x128xf32>
    %get3A_1136 = vector.shape_cast %get3A_1135 : vector<1x256x128xf32> to vector<256x128xf32>
    %broadcast_in_dim3A_1137 = vector.shape_cast %slice3A_1131 : vector<256x1xi1> to vector<256x1xi1>
    %broadcast_in_dim3A_1138 = vector.broadcast %broadcast_in_dim3A_1137 : vector<256x1xi1> to vector<256x128xi1>
    %select_n3A_1139 = arith.select %broadcast_in_dim3A_1138, %div3A, %get3A_1136 : vector<256x128xi1>, vector<256x128xf32>
    %swap3A_1140 = arith.constant 35 : index
    %swap3A_1141 = arith.constant 0 : index
    %swap3A_1142 = arith.constant 0 : index
    %swap3A_1143 = vector.load %arg15[%swap3A_1140, %swap3A_1141, %swap3A_1142] : memref<39x256x128xf32, #tpu.memory_space<vmem>>, vector<1x256x128xf32>
    %swap3A_1144 = vector.shape_cast %swap3A_1143 : vector<1x256x128xf32> to vector<256x128xf32>
    %swap3A_1145 = vector.shape_cast %select_n3A_1139 : vector<256x128xf32> to vector<1x256x128xf32>
    tpu.vector_store %arg15[%swap3A_1140, %swap3A_1141, %swap3A_1142], %swap3A_1145 {strides = array<i32>} : memref<39x256x128xf32, #tpu.memory_space<vmem>>, vector<1x256x128xf32>,
    %slice3A_1146 = vector.extract_strided_slice %eq3A_606 {offsets = [0, 36], sizes = [256, 1], strides = [1, 1]} : vector<256x128xi1> to vector<256x1xi1>
    %get3A_1147 = arith.constant 36 : index
    %get3A_1148 = arith.constant 0 : index
    %get3A_1149 = arith.constant 0 : index
    %get3A_1150 = vector.load %arg15[%get3A_1147, %get3A_1148, %get3A_1149] : memref<39x256x128xf32, #tpu.memory_space<vmem>>, vector<1x256x128xf32>
    %get3A_1151 = vector.shape_cast %get3A_1150 : vector<1x256x128xf32> to vector<256x128xf32>
    %broadcast_in_dim3A_1152 = vector.shape_cast %slice3A_1146 : vector<256x1xi1> to vector<256x1xi1>
    %broadcast_in_dim3A_1153 = vector.broadcast %broadcast_in_dim3A_1152 : vector<256x1xi1> to vector<256x128xi1>
    %select_n3A_1154 = arith.select %broadcast_in_dim3A_1153, %div3A, %get3A_1151 : vector<256x128xi1>, vector<256x128xf32>
    %swap3A_1155 = arith.constant 36 : index
    %swap3A_1156 = arith.constant 0 : index
    %swap3A_1157 = arith.constant 0 : index
    %swap3A_1158 = vector.load %arg15[%swap3A_1155, %swap3A_1156, %swap3A_1157] : memref<39x256x128xf32, #tpu.memory_space<vmem>>, vector<1x256x128xf32>
    %swap3A_1159 = vector.shape_cast %swap3A_1158 : vector<1x256x128xf32> to vector<256x128xf32>
    %swap3A_1160 = vector.shape_cast %select_n3A_1154 : vector<256x128xf32> to vector<1x256x128xf32>
    tpu.vector_store %arg15[%swap3A_1155, %swap3A_1156, %swap3A_1157], %swap3A_1160 {strides = array<i32>} : memref<39x256x128xf32, #tpu.memory_space<vmem>>, vector<1x256x128xf32>,
    %slice3A_1161 = vector.extract_strided_slice %eq3A_606 {offsets = [0, 37], sizes = [256, 1], strides = [1, 1]} : vector<256x128xi1> to vector<256x1xi1>
    %get3A_1162 = arith.constant 37 : index
    %get3A_1163 = arith.constant 0 : index
    %get3A_1164 = arith.constant 0 : index
    %get3A_1165 = vector.load %arg15[%get3A_1162, %get3A_1163, %get3A_1164] : memref<39x256x128xf32, #tpu.memory_space<vmem>>, vector<1x256x128xf32>
    %get3A_1166 = vector.shape_cast %get3A_1165 : vector<1x256x128xf32> to vector<256x128xf32>
    %broadcast_in_dim3A_1167 = vector.shape_cast %slice3A_1161 : vector<256x1xi1> to vector<256x1xi1>
    %broadcast_in_dim3A_1168 = vector.broadcast %broadcast_in_dim3A_1167 : vector<256x1xi1> to vector<256x128xi1>
    %select_n3A_1169 = arith.select %broadcast_in_dim3A_1168, %div3A, %get3A_1166 : vector<256x128xi1>, vector<256x128xf32>
    %swap3A_1170 = arith.constant 37 : index
    %swap3A_1171 = arith.constant 0 : index
    %swap3A_1172 = arith.constant 0 : index
    %swap3A_1173 = vector.load %arg15[%swap3A_1170, %swap3A_1171, %swap3A_1172] : memref<39x256x128xf32, #tpu.memory_space<vmem>>, vector<1x256x128xf32>
    %swap3A_1174 = vector.shape_cast %swap3A_1173 : vector<1x256x128xf32> to vector<256x128xf32>
    %swap3A_1175 = vector.shape_cast %select_n3A_1169 : vector<256x128xf32> to vector<1x256x128xf32>
    tpu.vector_store %arg15[%swap3A_1170, %swap3A_1171, %swap3A_1172], %swap3A_1175 {strides = array<i32>} : memref<39x256x128xf32, #tpu.memory_space<vmem>>, vector<1x256x128xf32>,
    %slice3A_1176 = vector.extract_strided_slice %eq3A_606 {offsets = [0, 38], sizes = [256, 1], strides = [1, 1]} : vector<256x128xi1> to vector<256x1xi1>
    %get3A_1177 = arith.constant 38 : index
    %get3A_1178 = arith.constant 0 : index
    %get3A_1179 = arith.constant 0 : index
    %get3A_1180 = vector.load %arg15[%get3A_1177, %get3A_1178, %get3A_1179] : memref<39x256x128xf32, #tpu.memory_space<vmem>>, vector<1x256x128xf32>
    %get3A_1181 = vector.shape_cast %get3A_1180 : vector<1x256x128xf32> to vector<256x128xf32>
    %broadcast_in_dim3A_1182 = vector.shape_cast %slice3A_1176 : vector<256x1xi1> to vector<256x1xi1>
    %broadcast_in_dim3A_1183 = vector.broadcast %broadcast_in_dim3A_1182 : vector<256x1xi1> to vector<256x128xi1>
    %select_n3A_1184 = arith.select %broadcast_in_dim3A_1183, %div3A, %get3A_1181 : vector<256x128xi1>, vector<256x128xf32>
    %swap3A_1185 = arith.constant 38 : index
    %swap3A_1186 = arith.constant 0 : index
    %swap3A_1187 = arith.constant 0 : index
    %swap3A_1188 = vector.load %arg15[%swap3A_1185, %swap3A_1186, %swap3A_1187] : memref<39x256x128xf32, #tpu.memory_space<vmem>>, vector<1x256x128xf32>
    %swap3A_1189 = vector.shape_cast %swap3A_1188 : vector<1x256x128xf32> to vector<256x128xf32>
    %swap3A_1190 = vector.shape_cast %select_n3A_1184 : vector<256x128xf32> to vector<1x256x128xf32>
    tpu.vector_store %arg15[%swap3A_1185, %swap3A_1186, %swap3A_1187], %swap3A_1190 {strides = array<i32>} : memref<39x256x128xf32, #tpu.memory_space<vmem>>, vector<1x256x128xf32>,
    %eq3A_1191 = arith.constant 18 : i32
    %eq3A_1192 = arith.cmpi eq, %arg1, %eq3A_1191 : i32
    %convert_element_type3A_1193 = arith.extui %eq3A_1192 : i1 to i32
    %cond3A_1194 = arith.constant 0 : i32
    %cond3A_1195 = arith.cmpi ne, %convert_element_type3A_1193, %cond3A_1194 : i32
    scf.if %cond3A_1195 {
      %get3A_1196 = arith.constant 0 : index
      %get3A_1197 = arith.constant 0 : index
      %get3A_1198 = arith.constant 0 : index
      %get3A_1199 = vector.load %arg15[%get3A_1196, %get3A_1197, %get3A_1198] : memref<39x256x128xf32, #tpu.memory_space<vmem>>, vector<39x256x128xf32>
      %get3A_1200 = arith.constant 0 : index
      %get3A_1201 = arith.constant 0 : index
      %get3A_1202 = vector.load %arg12[%get3A_1200, %get3A_1201] : memref<128x128xf32, #tpu.memory_space<vmem>>, vector<128x128xf32>
      %dot_general3A_1203 = arith.constant dense<0.000000e+00> : vector<39x256x128xf32>
      %dot_general3A_1204 = tpu.matmul %get3A_1199, %get3A_1202, %dot_general3A_1203 {dimension_numbers = #tpu.dot_dimension_numbers<[2], [0], [0, 1], [1], [0, 0, 0, 1, 1, 1], [], []>, precision = #tpu.contract_precision<fp32>, transpose_lhs_hint = false} : vector<39x256x128xf32>, vector<128x128xf32>, vector<39x256x128xf32> -> vector<39x256x128xf32>
      %get3A_1205 = arith.constant 0 : index
      %get3A_1206 = arith.constant 0 : index
      %get3A_1207 = vector.load %arg13[%get3A_1205, %get3A_1206] : memref<1x128xf32, #tpu.memory_space<vmem>>, vector<1x128xf32>
      %broadcast_in_dim3A_1208 = vector.shape_cast %get3A_1207 : vector<1x128xf32> to vector<1x1x128xf32>
      %add3A_1209 = vector.broadcast %broadcast_in_dim3A_1208 : vector<1x1x128xf32> to vector<39x256x128xf32>
      %add3A_1210 = arith.addf %dot_general3A_1204, %add3A_1209 : vector<39x256x128xf32>
      %logistic3A = arith.negf %add3A_1210 : vector<39x256x128xf32>
      %logistic3A_1211 = math.exp %logistic3A : vector<39x256x128xf32>
      %logistic3A_1212 = arith.constant 1.000000e+00 : f32
      %logistic3A_1213 = vector.broadcast %logistic3A_1212 : f32 to vector<39x256x128xf32>
      %logistic3A_1214 = arith.addf %logistic3A_1213, %logistic3A_1211 : vector<39x256x128xf32>
      %logistic3A_1215 = arith.divf %logistic3A_1213, %logistic3A_1214 : vector<39x256x128xf32>
      %slice3A_1216 = vector.extract_strided_slice %logistic3A_1215 {offsets = [0, 0, 0], sizes = [1, 256, 128], strides = [1, 1, 1]} : vector<39x256x128xf32> to vector<1x256x128xf32>
      %squeeze3A = vector.shape_cast %slice3A_1216 : vector<1x256x128xf32> to vector<256x128xf32>
      %swap3A_1217 = arith.constant 0 : index
      %swap3A_1218 = arith.constant 0 : index
      %swap3A_1219 = arith.constant 0 : index
      %swap3A_1220 = vector.load %arg14[%swap3A_1217, %swap3A_1218, %swap3A_1219] : memref<256x39x128xf32, #tpu.memory_space<vmem>>, vector<256x1x128xf32>
      %swap3A_1221 = vector.shape_cast %swap3A_1220 : vector<256x1x128xf32> to vector<256x128xf32>
      %swap3A_1222 = vector.shape_cast %squeeze3A : vector<256x128xf32> to vector<256x1x128xf32>
      tpu.vector_store %arg14[%swap3A_1217, %swap3A_1218, %swap3A_1219], %swap3A_1222 {strides = array<i32>} : memref<256x39x128xf32, #tpu.memory_space<vmem>>, vector<256x1x128xf32>,
      %slice3A_1223 = vector.extract_strided_slice %logistic3A_1215 {offsets = [1, 0, 0], sizes = [1, 256, 128], strides = [1, 1, 1]} : vector<39x256x128xf32> to vector<1x256x128xf32>
      %squeeze3A_1224 = vector.shape_cast %slice3A_1223 : vector<1x256x128xf32> to vector<256x128xf32>
      %swap3A_1225 = arith.constant 0 : index
      %swap3A_1226 = arith.constant 1 : index
      %swap3A_1227 = arith.constant 0 : index
      %swap3A_1228 = vector.load %arg14[%swap3A_1225, %swap3A_1226, %swap3A_1227] : memref<256x39x128xf32, #tpu.memory_space<vmem>>, vector<256x1x128xf32>
      %swap3A_1229 = vector.shape_cast %swap3A_1228 : vector<256x1x128xf32> to vector<256x128xf32>
      %swap3A_1230 = vector.shape_cast %squeeze3A_1224 : vector<256x128xf32> to vector<256x1x128xf32>
      tpu.vector_store %arg14[%swap3A_1225, %swap3A_1226, %swap3A_1227], %swap3A_1230 {strides = array<i32>} : memref<256x39x128xf32, #tpu.memory_space<vmem>>, vector<256x1x128xf32>,
      %slice3A_1231 = vector.extract_strided_slice %logistic3A_1215 {offsets = [2, 0, 0], sizes = [1, 256, 128], strides = [1, 1, 1]} : vector<39x256x128xf32> to vector<1x256x128xf32>
      %squeeze3A_1232 = vector.shape_cast %slice3A_1231 : vector<1x256x128xf32> to vector<256x128xf32>
      %swap3A_1233 = arith.constant 0 : index
      %swap3A_1234 = arith.constant 2 : index
      %swap3A_1235 = arith.constant 0 : index
      %swap3A_1236 = vector.load %arg14[%swap3A_1233, %swap3A_1234, %swap3A_1235] : memref<256x39x128xf32, #tpu.memory_space<vmem>>, vector<256x1x128xf32>
      %swap3A_1237 = vector.shape_cast %swap3A_1236 : vector<256x1x128xf32> to vector<256x128xf32>
      %swap3A_1238 = vector.shape_cast %squeeze3A_1232 : vector<256x128xf32> to vector<256x1x128xf32>
      tpu.vector_store %arg14[%swap3A_1233, %swap3A_1234, %swap3A_1235], %swap3A_1238 {strides = array<i32>} : memref<256x39x128xf32, #tpu.memory_space<vmem>>, vector<256x1x128xf32>,
      %slice3A_1239 = vector.extract_strided_slice %logistic3A_1215 {offsets = [3, 0, 0], sizes = [1, 256, 128], strides = [1, 1, 1]} : vector<39x256x128xf32> to vector<1x256x128xf32>
      %squeeze3A_1240 = vector.shape_cast %slice3A_1239 : vector<1x256x128xf32> to vector<256x128xf32>
      %swap3A_1241 = arith.constant 0 : index
      %swap3A_1242 = arith.constant 3 : index
      %swap3A_1243 = arith.constant 0 : index
      %swap3A_1244 = vector.load %arg14[%swap3A_1241, %swap3A_1242, %swap3A_1243] : memref<256x39x128xf32, #tpu.memory_space<vmem>>, vector<256x1x128xf32>
      %swap3A_1245 = vector.shape_cast %swap3A_1244 : vector<256x1x128xf32> to vector<256x128xf32>
      %swap3A_1246 = vector.shape_cast %squeeze3A_1240 : vector<256x128xf32> to vector<256x1x128xf32>
      tpu.vector_store %arg14[%swap3A_1241, %swap3A_1242, %swap3A_1243], %swap3A_1246 {strides = array<i32>} : memref<256x39x128xf32, #tpu.memory_space<vmem>>, vector<256x1x128xf32>,
      %slice3A_1247 = vector.extract_strided_slice %logistic3A_1215 {offsets = [4, 0, 0], sizes = [1, 256, 128], strides = [1, 1, 1]} : vector<39x256x128xf32> to vector<1x256x128xf32>
      %squeeze3A_1248 = vector.shape_cast %slice3A_1247 : vector<1x256x128xf32> to vector<256x128xf32>
      %swap3A_1249 = arith.constant 0 : index
      %swap3A_1250 = arith.constant 4 : index
      %swap3A_1251 = arith.constant 0 : index
      %swap3A_1252 = vector.load %arg14[%swap3A_1249, %swap3A_1250, %swap3A_1251] : memref<256x39x128xf32, #tpu.memory_space<vmem>>, vector<256x1x128xf32>
      %swap3A_1253 = vector.shape_cast %swap3A_1252 : vector<256x1x128xf32> to vector<256x128xf32>
      %swap3A_1254 = vector.shape_cast %squeeze3A_1248 : vector<256x128xf32> to vector<256x1x128xf32>
      tpu.vector_store %arg14[%swap3A_1249, %swap3A_1250, %swap3A_1251], %swap3A_1254 {strides = array<i32>} : memref<256x39x128xf32, #tpu.memory_space<vmem>>, vector<256x1x128xf32>,
      %slice3A_1255 = vector.extract_strided_slice %logistic3A_1215 {offsets = [5, 0, 0], sizes = [1, 256, 128], strides = [1, 1, 1]} : vector<39x256x128xf32> to vector<1x256x128xf32>
      %squeeze3A_1256 = vector.shape_cast %slice3A_1255 : vector<1x256x128xf32> to vector<256x128xf32>
      %swap3A_1257 = arith.constant 0 : index
      %swap3A_1258 = arith.constant 5 : index
      %swap3A_1259 = arith.constant 0 : index
      %swap3A_1260 = vector.load %arg14[%swap3A_1257, %swap3A_1258, %swap3A_1259] : memref<256x39x128xf32, #tpu.memory_space<vmem>>, vector<256x1x128xf32>
      %swap3A_1261 = vector.shape_cast %swap3A_1260 : vector<256x1x128xf32> to vector<256x128xf32>
      %swap3A_1262 = vector.shape_cast %squeeze3A_1256 : vector<256x128xf32> to vector<256x1x128xf32>
      tpu.vector_store %arg14[%swap3A_1257, %swap3A_1258, %swap3A_1259], %swap3A_1262 {strides = array<i32>} : memref<256x39x128xf32, #tpu.memory_space<vmem>>, vector<256x1x128xf32>,
      %slice3A_1263 = vector.extract_strided_slice %logistic3A_1215 {offsets = [6, 0, 0], sizes = [1, 256, 128], strides = [1, 1, 1]} : vector<39x256x128xf32> to vector<1x256x128xf32>
      %squeeze3A_1264 = vector.shape_cast %slice3A_1263 : vector<1x256x128xf32> to vector<256x128xf32>
      %swap3A_1265 = arith.constant 0 : index
      %swap3A_1266 = arith.constant 6 : index
      %swap3A_1267 = arith.constant 0 : index
      %swap3A_1268 = vector.load %arg14[%swap3A_1265, %swap3A_1266, %swap3A_1267] : memref<256x39x128xf32, #tpu.memory_space<vmem>>, vector<256x1x128xf32>
      %swap3A_1269 = vector.shape_cast %swap3A_1268 : vector<256x1x128xf32> to vector<256x128xf32>
      %swap3A_1270 = vector.shape_cast %squeeze3A_1264 : vector<256x128xf32> to vector<256x1x128xf32>
      tpu.vector_store %arg14[%swap3A_1265, %swap3A_1266, %swap3A_1267], %swap3A_1270 {strides = array<i32>} : memref<256x39x128xf32, #tpu.memory_space<vmem>>, vector<256x1x128xf32>,
      %slice3A_1271 = vector.extract_strided_slice %logistic3A_1215 {offsets = [7, 0, 0], sizes = [1, 256, 128], strides = [1, 1, 1]} : vector<39x256x128xf32> to vector<1x256x128xf32>
      %squeeze3A_1272 = vector.shape_cast %slice3A_1271 : vector<1x256x128xf32> to vector<256x128xf32>
      %swap3A_1273 = arith.constant 0 : index
      %swap3A_1274 = arith.constant 7 : index
      %swap3A_1275 = arith.constant 0 : index
      %swap3A_1276 = vector.load %arg14[%swap3A_1273, %swap3A_1274, %swap3A_1275] : memref<256x39x128xf32, #tpu.memory_space<vmem>>, vector<256x1x128xf32>
      %swap3A_1277 = vector.shape_cast %swap3A_1276 : vector<256x1x128xf32> to vector<256x128xf32>
      %swap3A_1278 = vector.shape_cast %squeeze3A_1272 : vector<256x128xf32> to vector<256x1x128xf32>
      tpu.vector_store %arg14[%swap3A_1273, %swap3A_1274, %swap3A_1275], %swap3A_1278 {strides = array<i32>} : memref<256x39x128xf32, #tpu.memory_space<vmem>>, vector<256x1x128xf32>,
      %slice3A_1279 = vector.extract_strided_slice %logistic3A_1215 {offsets = [8, 0, 0], sizes = [1, 256, 128], strides = [1, 1, 1]} : vector<39x256x128xf32> to vector<1x256x128xf32>
      %squeeze3A_1280 = vector.shape_cast %slice3A_1279 : vector<1x256x128xf32> to vector<256x128xf32>
      %swap3A_1281 = arith.constant 0 : index
      %swap3A_1282 = arith.constant 8 : index
      %swap3A_1283 = arith.constant 0 : index
      %swap3A_1284 = vector.load %arg14[%swap3A_1281, %swap3A_1282, %swap3A_1283] : memref<256x39x128xf32, #tpu.memory_space<vmem>>, vector<256x1x128xf32>
      %swap3A_1285 = vector.shape_cast %swap3A_1284 : vector<256x1x128xf32> to vector<256x128xf32>
      %swap3A_1286 = vector.shape_cast %squeeze3A_1280 : vector<256x128xf32> to vector<256x1x128xf32>
      tpu.vector_store %arg14[%swap3A_1281, %swap3A_1282, %swap3A_1283], %swap3A_1286 {strides = array<i32>} : memref<256x39x128xf32, #tpu.memory_space<vmem>>, vector<256x1x128xf32>,
      %slice3A_1287 = vector.extract_strided_slice %logistic3A_1215 {offsets = [9, 0, 0], sizes = [1, 256, 128], strides = [1, 1, 1]} : vector<39x256x128xf32> to vector<1x256x128xf32>
      %squeeze3A_1288 = vector.shape_cast %slice3A_1287 : vector<1x256x128xf32> to vector<256x128xf32>
      %swap3A_1289 = arith.constant 0 : index
      %swap3A_1290 = arith.constant 9 : index
      %swap3A_1291 = arith.constant 0 : index
      %swap3A_1292 = vector.load %arg14[%swap3A_1289, %swap3A_1290, %swap3A_1291] : memref<256x39x128xf32, #tpu.memory_space<vmem>>, vector<256x1x128xf32>
      %swap3A_1293 = vector.shape_cast %swap3A_1292 : vector<256x1x128xf32> to vector<256x128xf32>
      %swap3A_1294 = vector.shape_cast %squeeze3A_1288 : vector<256x128xf32> to vector<256x1x128xf32>
      tpu.vector_store %arg14[%swap3A_1289, %swap3A_1290, %swap3A_1291], %swap3A_1294 {strides = array<i32>} : memref<256x39x128xf32, #tpu.memory_space<vmem>>, vector<256x1x128xf32>,
      %slice3A_1295 = vector.extract_strided_slice %logistic3A_1215 {offsets = [10, 0, 0], sizes = [1, 256, 128], strides = [1, 1, 1]} : vector<39x256x128xf32> to vector<1x256x128xf32>
      %squeeze3A_1296 = vector.shape_cast %slice3A_1295 : vector<1x256x128xf32> to vector<256x128xf32>
      %swap3A_1297 = arith.constant 0 : index
      %swap3A_1298 = arith.constant 10 : index
      %swap3A_1299 = arith.constant 0 : index
      %swap3A_1300 = vector.load %arg14[%swap3A_1297, %swap3A_1298, %swap3A_1299] : memref<256x39x128xf32, #tpu.memory_space<vmem>>, vector<256x1x128xf32>
      %swap3A_1301 = vector.shape_cast %swap3A_1300 : vector<256x1x128xf32> to vector<256x128xf32>
      %swap3A_1302 = vector.shape_cast %squeeze3A_1296 : vector<256x128xf32> to vector<256x1x128xf32>
      tpu.vector_store %arg14[%swap3A_1297, %swap3A_1298, %swap3A_1299], %swap3A_1302 {strides = array<i32>} : memref<256x39x128xf32, #tpu.memory_space<vmem>>, vector<256x1x128xf32>,
      %slice3A_1303 = vector.extract_strided_slice %logistic3A_1215 {offsets = [11, 0, 0], sizes = [1, 256, 128], strides = [1, 1, 1]} : vector<39x256x128xf32> to vector<1x256x128xf32>
      %squeeze3A_1304 = vector.shape_cast %slice3A_1303 : vector<1x256x128xf32> to vector<256x128xf32>
      %swap3A_1305 = arith.constant 0 : index
      %swap3A_1306 = arith.constant 11 : index
      %swap3A_1307 = arith.constant 0 : index
      %swap3A_1308 = vector.load %arg14[%swap3A_1305, %swap3A_1306, %swap3A_1307] : memref<256x39x128xf32, #tpu.memory_space<vmem>>, vector<256x1x128xf32>
      %swap3A_1309 = vector.shape_cast %swap3A_1308 : vector<256x1x128xf32> to vector<256x128xf32>
      %swap3A_1310 = vector.shape_cast %squeeze3A_1304 : vector<256x128xf32> to vector<256x1x128xf32>
      tpu.vector_store %arg14[%swap3A_1305, %swap3A_1306, %swap3A_1307], %swap3A_1310 {strides = array<i32>} : memref<256x39x128xf32, #tpu.memory_space<vmem>>, vector<256x1x128xf32>,
      %slice3A_1311 = vector.extract_strided_slice %logistic3A_1215 {offsets = [12, 0, 0], sizes = [1, 256, 128], strides = [1, 1, 1]} : vector<39x256x128xf32> to vector<1x256x128xf32>
      %squeeze3A_1312 = vector.shape_cast %slice3A_1311 : vector<1x256x128xf32> to vector<256x128xf32>
      %swap3A_1313 = arith.constant 0 : index
      %swap3A_1314 = arith.constant 12 : index
      %swap3A_1315 = arith.constant 0 : index
      %swap3A_1316 = vector.load %arg14[%swap3A_1313, %swap3A_1314, %swap3A_1315] : memref<256x39x128xf32, #tpu.memory_space<vmem>>, vector<256x1x128xf32>
      %swap3A_1317 = vector.shape_cast %swap3A_1316 : vector<256x1x128xf32> to vector<256x128xf32>
      %swap3A_1318 = vector.shape_cast %squeeze3A_1312 : vector<256x128xf32> to vector<256x1x128xf32>
      tpu.vector_store %arg14[%swap3A_1313, %swap3A_1314, %swap3A_1315], %swap3A_1318 {strides = array<i32>} : memref<256x39x128xf32, #tpu.memory_space<vmem>>, vector<256x1x128xf32>,
      %slice3A_1319 = vector.extract_strided_slice %logistic3A_1215 {offsets = [13, 0, 0], sizes = [1, 256, 128], strides = [1, 1, 1]} : vector<39x256x128xf32> to vector<1x256x128xf32>
      %squeeze3A_1320 = vector.shape_cast %slice3A_1319 : vector<1x256x128xf32> to vector<256x128xf32>
      %swap3A_1321 = arith.constant 0 : index
      %swap3A_1322 = arith.constant 13 : index
      %swap3A_1323 = arith.constant 0 : index
      %swap3A_1324 = vector.load %arg14[%swap3A_1321, %swap3A_1322, %swap3A_1323] : memref<256x39x128xf32, #tpu.memory_space<vmem>>, vector<256x1x128xf32>
      %swap3A_1325 = vector.shape_cast %swap3A_1324 : vector<256x1x128xf32> to vector<256x128xf32>
      %swap3A_1326 = vector.shape_cast %squeeze3A_1320 : vector<256x128xf32> to vector<256x1x128xf32>
      tpu.vector_store %arg14[%swap3A_1321, %swap3A_1322, %swap3A_1323], %swap3A_1326 {strides = array<i32>} : memref<256x39x128xf32, #tpu.memory_space<vmem>>, vector<256x1x128xf32>,
      %slice3A_1327 = vector.extract_strided_slice %logistic3A_1215 {offsets = [14, 0, 0], sizes = [1, 256, 128], strides = [1, 1, 1]} : vector<39x256x128xf32> to vector<1x256x128xf32>
      %squeeze3A_1328 = vector.shape_cast %slice3A_1327 : vector<1x256x128xf32> to vector<256x128xf32>
      %swap3A_1329 = arith.constant 0 : index
      %swap3A_1330 = arith.constant 14 : index
      %swap3A_1331 = arith.constant 0 : index
      %swap3A_1332 = vector.load %arg14[%swap3A_1329, %swap3A_1330, %swap3A_1331] : memref<256x39x128xf32, #tpu.memory_space<vmem>>, vector<256x1x128xf32>
      %swap3A_1333 = vector.shape_cast %swap3A_1332 : vector<256x1x128xf32> to vector<256x128xf32>
      %swap3A_1334 = vector.shape_cast %squeeze3A_1328 : vector<256x128xf32> to vector<256x1x128xf32>
      tpu.vector_store %arg14[%swap3A_1329, %swap3A_1330, %swap3A_1331], %swap3A_1334 {strides = array<i32>} : memref<256x39x128xf32, #tpu.memory_space<vmem>>, vector<256x1x128xf32>,
      %slice3A_1335 = vector.extract_strided_slice %logistic3A_1215 {offsets = [15, 0, 0], sizes = [1, 256, 128], strides = [1, 1, 1]} : vector<39x256x128xf32> to vector<1x256x128xf32>
      %squeeze3A_1336 = vector.shape_cast %slice3A_1335 : vector<1x256x128xf32> to vector<256x128xf32>
      %swap3A_1337 = arith.constant 0 : index
      %swap3A_1338 = arith.constant 15 : index
      %swap3A_1339 = arith.constant 0 : index
      %swap3A_1340 = vector.load %arg14[%swap3A_1337, %swap3A_1338, %swap3A_1339] : memref<256x39x128xf32, #tpu.memory_space<vmem>>, vector<256x1x128xf32>
      %swap3A_1341 = vector.shape_cast %swap3A_1340 : vector<256x1x128xf32> to vector<256x128xf32>
      %swap3A_1342 = vector.shape_cast %squeeze3A_1336 : vector<256x128xf32> to vector<256x1x128xf32>
      tpu.vector_store %arg14[%swap3A_1337, %swap3A_1338, %swap3A_1339], %swap3A_1342 {strides = array<i32>} : memref<256x39x128xf32, #tpu.memory_space<vmem>>, vector<256x1x128xf32>,
      %slice3A_1343 = vector.extract_strided_slice %logistic3A_1215 {offsets = [16, 0, 0], sizes = [1, 256, 128], strides = [1, 1, 1]} : vector<39x256x128xf32> to vector<1x256x128xf32>
      %squeeze3A_1344 = vector.shape_cast %slice3A_1343 : vector<1x256x128xf32> to vector<256x128xf32>
      %swap3A_1345 = arith.constant 0 : index
      %swap3A_1346 = arith.constant 16 : index
      %swap3A_1347 = arith.constant 0 : index
      %swap3A_1348 = vector.load %arg14[%swap3A_1345, %swap3A_1346, %swap3A_1347] : memref<256x39x128xf32, #tpu.memory_space<vmem>>, vector<256x1x128xf32>
      %swap3A_1349 = vector.shape_cast %swap3A_1348 : vector<256x1x128xf32> to vector<256x128xf32>
      %swap3A_1350 = vector.shape_cast %squeeze3A_1344 : vector<256x128xf32> to vector<256x1x128xf32>
      tpu.vector_store %arg14[%swap3A_1345, %swap3A_1346, %swap3A_1347], %swap3A_1350 {strides = array<i32>} : memref<256x39x128xf32, #tpu.memory_space<vmem>>, vector<256x1x128xf32>,
      %slice3A_1351 = vector.extract_strided_slice %logistic3A_1215 {offsets = [17, 0, 0], sizes = [1, 256, 128], strides = [1, 1, 1]} : vector<39x256x128xf32> to vector<1x256x128xf32>
      %squeeze3A_1352 = vector.shape_cast %slice3A_1351 : vector<1x256x128xf32> to vector<256x128xf32>
      %swap3A_1353 = arith.constant 0 : index
      %swap3A_1354 = arith.constant 17 : index
      %swap3A_1355 = arith.constant 0 : index
      %swap3A_1356 = vector.load %arg14[%swap3A_1353, %swap3A_1354, %swap3A_1355] : memref<256x39x128xf32, #tpu.memory_space<vmem>>, vector<256x1x128xf32>
      %swap3A_1357 = vector.shape_cast %swap3A_1356 : vector<256x1x128xf32> to vector<256x128xf32>
      %swap3A_1358 = vector.shape_cast %squeeze3A_1352 : vector<256x128xf32> to vector<256x1x128xf32>
      tpu.vector_store %arg14[%swap3A_1353, %swap3A_1354, %swap3A_1355], %swap3A_1358 {strides = array<i32>} : memref<256x39x128xf32, #tpu.memory_space<vmem>>, vector<256x1x128xf32>,
      %slice3A_1359 = vector.extract_strided_slice %logistic3A_1215 {offsets = [18, 0, 0], sizes = [1, 256, 128], strides = [1, 1, 1]} : vector<39x256x128xf32> to vector<1x256x128xf32>
      %squeeze3A_1360 = vector.shape_cast %slice3A_1359 : vector<1x256x128xf32> to vector<256x128xf32>
      %swap3A_1361 = arith.constant 0 : index
      %swap3A_1362 = arith.constant 18 : index
      %swap3A_1363 = arith.constant 0 : index
      %swap3A_1364 = vector.load %arg14[%swap3A_1361, %swap3A_1362, %swap3A_1363] : memref<256x39x128xf32, #tpu.memory_space<vmem>>, vector<256x1x128xf32>
      %swap3A_1365 = vector.shape_cast %swap3A_1364 : vector<256x1x128xf32> to vector<256x128xf32>
      %swap3A_1366 = vector.shape_cast %squeeze3A_1360 : vector<256x128xf32> to vector<256x1x128xf32>
      tpu.vector_store %arg14[%swap3A_1361, %swap3A_1362, %swap3A_1363], %swap3A_1366 {strides = array<i32>} : memref<256x39x128xf32, #tpu.memory_space<vmem>>, vector<256x1x128xf32>,
      %slice3A_1367 = vector.extract_strided_slice %logistic3A_1215 {offsets = [19, 0, 0], sizes = [1, 256, 128], strides = [1, 1, 1]} : vector<39x256x128xf32> to vector<1x256x128xf32>
      %squeeze3A_1368 = vector.shape_cast %slice3A_1367 : vector<1x256x128xf32> to vector<256x128xf32>
      %swap3A_1369 = arith.constant 0 : index
      %swap3A_1370 = arith.constant 19 : index
      %swap3A_1371 = arith.constant 0 : index
      %swap3A_1372 = vector.load %arg14[%swap3A_1369, %swap3A_1370, %swap3A_1371] : memref<256x39x128xf32, #tpu.memory_space<vmem>>, vector<256x1x128xf32>
      %swap3A_1373 = vector.shape_cast %swap3A_1372 : vector<256x1x128xf32> to vector<256x128xf32>
      %swap3A_1374 = vector.shape_cast %squeeze3A_1368 : vector<256x128xf32> to vector<256x1x128xf32>
      tpu.vector_store %arg14[%swap3A_1369, %swap3A_1370, %swap3A_1371], %swap3A_1374 {strides = array<i32>} : memref<256x39x128xf32, #tpu.memory_space<vmem>>, vector<256x1x128xf32>,
      %slice3A_1375 = vector.extract_strided_slice %logistic3A_1215 {offsets = [20, 0, 0], sizes = [1, 256, 128], strides = [1, 1, 1]} : vector<39x256x128xf32> to vector<1x256x128xf32>
      %squeeze3A_1376 = vector.shape_cast %slice3A_1375 : vector<1x256x128xf32> to vector<256x128xf32>
      %swap3A_1377 = arith.constant 0 : index
      %swap3A_1378 = arith.constant 20 : index
      %swap3A_1379 = arith.constant 0 : index
      %swap3A_1380 = vector.load %arg14[%swap3A_1377, %swap3A_1378, %swap3A_1379] : memref<256x39x128xf32, #tpu.memory_space<vmem>>, vector<256x1x128xf32>
      %swap3A_1381 = vector.shape_cast %swap3A_1380 : vector<256x1x128xf32> to vector<256x128xf32>
      %swap3A_1382 = vector.shape_cast %squeeze3A_1376 : vector<256x128xf32> to vector<256x1x128xf32>
      tpu.vector_store %arg14[%swap3A_1377, %swap3A_1378, %swap3A_1379], %swap3A_1382 {strides = array<i32>} : memref<256x39x128xf32, #tpu.memory_space<vmem>>, vector<256x1x128xf32>,
      %slice3A_1383 = vector.extract_strided_slice %logistic3A_1215 {offsets = [21, 0, 0], sizes = [1, 256, 128], strides = [1, 1, 1]} : vector<39x256x128xf32> to vector<1x256x128xf32>
      %squeeze3A_1384 = vector.shape_cast %slice3A_1383 : vector<1x256x128xf32> to vector<256x128xf32>
      %swap3A_1385 = arith.constant 0 : index
      %swap3A_1386 = arith.constant 21 : index
      %swap3A_1387 = arith.constant 0 : index
      %swap3A_1388 = vector.load %arg14[%swap3A_1385, %swap3A_1386, %swap3A_1387] : memref<256x39x128xf32, #tpu.memory_space<vmem>>, vector<256x1x128xf32>
      %swap3A_1389 = vector.shape_cast %swap3A_1388 : vector<256x1x128xf32> to vector<256x128xf32>
      %swap3A_1390 = vector.shape_cast %squeeze3A_1384 : vector<256x128xf32> to vector<256x1x128xf32>
      tpu.vector_store %arg14[%swap3A_1385, %swap3A_1386, %swap3A_1387], %swap3A_1390 {strides = array<i32>} : memref<256x39x128xf32, #tpu.memory_space<vmem>>, vector<256x1x128xf32>,
      %slice3A_1391 = vector.extract_strided_slice %logistic3A_1215 {offsets = [22, 0, 0], sizes = [1, 256, 128], strides = [1, 1, 1]} : vector<39x256x128xf32> to vector<1x256x128xf32>
      %squeeze3A_1392 = vector.shape_cast %slice3A_1391 : vector<1x256x128xf32> to vector<256x128xf32>
      %swap3A_1393 = arith.constant 0 : index
      %swap3A_1394 = arith.constant 22 : index
      %swap3A_1395 = arith.constant 0 : index
      %swap3A_1396 = vector.load %arg14[%swap3A_1393, %swap3A_1394, %swap3A_1395] : memref<256x39x128xf32, #tpu.memory_space<vmem>>, vector<256x1x128xf32>
      %swap3A_1397 = vector.shape_cast %swap3A_1396 : vector<256x1x128xf32> to vector<256x128xf32>
      %swap3A_1398 = vector.shape_cast %squeeze3A_1392 : vector<256x128xf32> to vector<256x1x128xf32>
      tpu.vector_store %arg14[%swap3A_1393, %swap3A_1394, %swap3A_1395], %swap3A_1398 {strides = array<i32>} : memref<256x39x128xf32, #tpu.memory_space<vmem>>, vector<256x1x128xf32>,
      %slice3A_1399 = vector.extract_strided_slice %logistic3A_1215 {offsets = [23, 0, 0], sizes = [1, 256, 128], strides = [1, 1, 1]} : vector<39x256x128xf32> to vector<1x256x128xf32>
      %squeeze3A_1400 = vector.shape_cast %slice3A_1399 : vector<1x256x128xf32> to vector<256x128xf32>
      %swap3A_1401 = arith.constant 0 : index
      %swap3A_1402 = arith.constant 23 : index
      %swap3A_1403 = arith.constant 0 : index
      %swap3A_1404 = vector.load %arg14[%swap3A_1401, %swap3A_1402, %swap3A_1403] : memref<256x39x128xf32, #tpu.memory_space<vmem>>, vector<256x1x128xf32>
      %swap3A_1405 = vector.shape_cast %swap3A_1404 : vector<256x1x128xf32> to vector<256x128xf32>
      %swap3A_1406 = vector.shape_cast %squeeze3A_1400 : vector<256x128xf32> to vector<256x1x128xf32>
      tpu.vector_store %arg14[%swap3A_1401, %swap3A_1402, %swap3A_1403], %swap3A_1406 {strides = array<i32>} : memref<256x39x128xf32, #tpu.memory_space<vmem>>, vector<256x1x128xf32>,
      %slice3A_1407 = vector.extract_strided_slice %logistic3A_1215 {offsets = [24, 0, 0], sizes = [1, 256, 128], strides = [1, 1, 1]} : vector<39x256x128xf32> to vector<1x256x128xf32>
      %squeeze3A_1408 = vector.shape_cast %slice3A_1407 : vector<1x256x128xf32> to vector<256x128xf32>
      %swap3A_1409 = arith.constant 0 : index
      %swap3A_1410 = arith.constant 24 : index
      %swap3A_1411 = arith.constant 0 : index
      %swap3A_1412 = vector.load %arg14[%swap3A_1409, %swap3A_1410, %swap3A_1411] : memref<256x39x128xf32, #tpu.memory_space<vmem>>, vector<256x1x128xf32>
      %swap3A_1413 = vector.shape_cast %swap3A_1412 : vector<256x1x128xf32> to vector<256x128xf32>
      %swap3A_1414 = vector.shape_cast %squeeze3A_1408 : vector<256x128xf32> to vector<256x1x128xf32>
      tpu.vector_store %arg14[%swap3A_1409, %swap3A_1410, %swap3A_1411], %swap3A_1414 {strides = array<i32>} : memref<256x39x128xf32, #tpu.memory_space<vmem>>, vector<256x1x128xf32>,
      %slice3A_1415 = vector.extract_strided_slice %logistic3A_1215 {offsets = [25, 0, 0], sizes = [1, 256, 128], strides = [1, 1, 1]} : vector<39x256x128xf32> to vector<1x256x128xf32>
      %squeeze3A_1416 = vector.shape_cast %slice3A_1415 : vector<1x256x128xf32> to vector<256x128xf32>
      %swap3A_1417 = arith.constant 0 : index
      %swap3A_1418 = arith.constant 25 : index
      %swap3A_1419 = arith.constant 0 : index
      %swap3A_1420 = vector.load %arg14[%swap3A_1417, %swap3A_1418, %swap3A_1419] : memref<256x39x128xf32, #tpu.memory_space<vmem>>, vector<256x1x128xf32>
      %swap3A_1421 = vector.shape_cast %swap3A_1420 : vector<256x1x128xf32> to vector<256x128xf32>
      %swap3A_1422 = vector.shape_cast %squeeze3A_1416 : vector<256x128xf32> to vector<256x1x128xf32>
      tpu.vector_store %arg14[%swap3A_1417, %swap3A_1418, %swap3A_1419], %swap3A_1422 {strides = array<i32>} : memref<256x39x128xf32, #tpu.memory_space<vmem>>, vector<256x1x128xf32>,
      %slice3A_1423 = vector.extract_strided_slice %logistic3A_1215 {offsets = [26, 0, 0], sizes = [1, 256, 128], strides = [1, 1, 1]} : vector<39x256x128xf32> to vector<1x256x128xf32>
      %squeeze3A_1424 = vector.shape_cast %slice3A_1423 : vector<1x256x128xf32> to vector<256x128xf32>
      %swap3A_1425 = arith.constant 0 : index
      %swap3A_1426 = arith.constant 26 : index
      %swap3A_1427 = arith.constant 0 : index
      %swap3A_1428 = vector.load %arg14[%swap3A_1425, %swap3A_1426, %swap3A_1427] : memref<256x39x128xf32, #tpu.memory_space<vmem>>, vector<256x1x128xf32>
      %swap3A_1429 = vector.shape_cast %swap3A_1428 : vector<256x1x128xf32> to vector<256x128xf32>
      %swap3A_1430 = vector.shape_cast %squeeze3A_1424 : vector<256x128xf32> to vector<256x1x128xf32>
      tpu.vector_store %arg14[%swap3A_1425, %swap3A_1426, %swap3A_1427], %swap3A_1430 {strides = array<i32>} : memref<256x39x128xf32, #tpu.memory_space<vmem>>, vector<256x1x128xf32>,
      %slice3A_1431 = vector.extract_strided_slice %logistic3A_1215 {offsets = [27, 0, 0], sizes = [1, 256, 128], strides = [1, 1, 1]} : vector<39x256x128xf32> to vector<1x256x128xf32>
      %squeeze3A_1432 = vector.shape_cast %slice3A_1431 : vector<1x256x128xf32> to vector<256x128xf32>
      %swap3A_1433 = arith.constant 0 : index
      %swap3A_1434 = arith.constant 27 : index
      %swap3A_1435 = arith.constant 0 : index
      %swap3A_1436 = vector.load %arg14[%swap3A_1433, %swap3A_1434, %swap3A_1435] : memref<256x39x128xf32, #tpu.memory_space<vmem>>, vector<256x1x128xf32>
      %swap3A_1437 = vector.shape_cast %swap3A_1436 : vector<256x1x128xf32> to vector<256x128xf32>
      %swap3A_1438 = vector.shape_cast %squeeze3A_1432 : vector<256x128xf32> to vector<256x1x128xf32>
      tpu.vector_store %arg14[%swap3A_1433, %swap3A_1434, %swap3A_1435], %swap3A_1438 {strides = array<i32>} : memref<256x39x128xf32, #tpu.memory_space<vmem>>, vector<256x1x128xf32>,
      %slice3A_1439 = vector.extract_strided_slice %logistic3A_1215 {offsets = [28, 0, 0], sizes = [1, 256, 128], strides = [1, 1, 1]} : vector<39x256x128xf32> to vector<1x256x128xf32>
      %squeeze3A_1440 = vector.shape_cast %slice3A_1439 : vector<1x256x128xf32> to vector<256x128xf32>
      %swap3A_1441 = arith.constant 0 : index
      %swap3A_1442 = arith.constant 28 : index
      %swap3A_1443 = arith.constant 0 : index
      %swap3A_1444 = vector.load %arg14[%swap3A_1441, %swap3A_1442, %swap3A_1443] : memref<256x39x128xf32, #tpu.memory_space<vmem>>, vector<256x1x128xf32>
      %swap3A_1445 = vector.shape_cast %swap3A_1444 : vector<256x1x128xf32> to vector<256x128xf32>
      %swap3A_1446 = vector.shape_cast %squeeze3A_1440 : vector<256x128xf32> to vector<256x1x128xf32>
      tpu.vector_store %arg14[%swap3A_1441, %swap3A_1442, %swap3A_1443], %swap3A_1446 {strides = array<i32>} : memref<256x39x128xf32, #tpu.memory_space<vmem>>, vector<256x1x128xf32>,
      %slice3A_1447 = vector.extract_strided_slice %logistic3A_1215 {offsets = [29, 0, 0], sizes = [1, 256, 128], strides = [1, 1, 1]} : vector<39x256x128xf32> to vector<1x256x128xf32>
      %squeeze3A_1448 = vector.shape_cast %slice3A_1447 : vector<1x256x128xf32> to vector<256x128xf32>
      %swap3A_1449 = arith.constant 0 : index
      %swap3A_1450 = arith.constant 29 : index
      %swap3A_1451 = arith.constant 0 : index
      %swap3A_1452 = vector.load %arg14[%swap3A_1449, %swap3A_1450, %swap3A_1451] : memref<256x39x128xf32, #tpu.memory_space<vmem>>, vector<256x1x128xf32>
      %swap3A_1453 = vector.shape_cast %swap3A_1452 : vector<256x1x128xf32> to vector<256x128xf32>
      %swap3A_1454 = vector.shape_cast %squeeze3A_1448 : vector<256x128xf32> to vector<256x1x128xf32>
      tpu.vector_store %arg14[%swap3A_1449, %swap3A_1450, %swap3A_1451], %swap3A_1454 {strides = array<i32>} : memref<256x39x128xf32, #tpu.memory_space<vmem>>, vector<256x1x128xf32>,
      %slice3A_1455 = vector.extract_strided_slice %logistic3A_1215 {offsets = [30, 0, 0], sizes = [1, 256, 128], strides = [1, 1, 1]} : vector<39x256x128xf32> to vector<1x256x128xf32>
      %squeeze3A_1456 = vector.shape_cast %slice3A_1455 : vector<1x256x128xf32> to vector<256x128xf32>
      %swap3A_1457 = arith.constant 0 : index
      %swap3A_1458 = arith.constant 30 : index
      %swap3A_1459 = arith.constant 0 : index
      %swap3A_1460 = vector.load %arg14[%swap3A_1457, %swap3A_1458, %swap3A_1459] : memref<256x39x128xf32, #tpu.memory_space<vmem>>, vector<256x1x128xf32>
      %swap3A_1461 = vector.shape_cast %swap3A_1460 : vector<256x1x128xf32> to vector<256x128xf32>
      %swap3A_1462 = vector.shape_cast %squeeze3A_1456 : vector<256x128xf32> to vector<256x1x128xf32>
      tpu.vector_store %arg14[%swap3A_1457, %swap3A_1458, %swap3A_1459], %swap3A_1462 {strides = array<i32>} : memref<256x39x128xf32, #tpu.memory_space<vmem>>, vector<256x1x128xf32>,
      %slice3A_1463 = vector.extract_strided_slice %logistic3A_1215 {offsets = [31, 0, 0], sizes = [1, 256, 128], strides = [1, 1, 1]} : vector<39x256x128xf32> to vector<1x256x128xf32>
      %squeeze3A_1464 = vector.shape_cast %slice3A_1463 : vector<1x256x128xf32> to vector<256x128xf32>
      %swap3A_1465 = arith.constant 0 : index
      %swap3A_1466 = arith.constant 31 : index
      %swap3A_1467 = arith.constant 0 : index
      %swap3A_1468 = vector.load %arg14[%swap3A_1465, %swap3A_1466, %swap3A_1467] : memref<256x39x128xf32, #tpu.memory_space<vmem>>, vector<256x1x128xf32>
      %swap3A_1469 = vector.shape_cast %swap3A_1468 : vector<256x1x128xf32> to vector<256x128xf32>
      %swap3A_1470 = vector.shape_cast %squeeze3A_1464 : vector<256x128xf32> to vector<256x1x128xf32>
      tpu.vector_store %arg14[%swap3A_1465, %swap3A_1466, %swap3A_1467], %swap3A_1470 {strides = array<i32>} : memref<256x39x128xf32, #tpu.memory_space<vmem>>, vector<256x1x128xf32>,
      %slice3A_1471 = vector.extract_strided_slice %logistic3A_1215 {offsets = [32, 0, 0], sizes = [1, 256, 128], strides = [1, 1, 1]} : vector<39x256x128xf32> to vector<1x256x128xf32>
      %squeeze3A_1472 = vector.shape_cast %slice3A_1471 : vector<1x256x128xf32> to vector<256x128xf32>
      %swap3A_1473 = arith.constant 0 : index
      %swap3A_1474 = arith.constant 32 : index
      %swap3A_1475 = arith.constant 0 : index
      %swap3A_1476 = vector.load %arg14[%swap3A_1473, %swap3A_1474, %swap3A_1475] : memref<256x39x128xf32, #tpu.memory_space<vmem>>, vector<256x1x128xf32>
      %swap3A_1477 = vector.shape_cast %swap3A_1476 : vector<256x1x128xf32> to vector<256x128xf32>
      %swap3A_1478 = vector.shape_cast %squeeze3A_1472 : vector<256x128xf32> to vector<256x1x128xf32>
      tpu.vector_store %arg14[%swap3A_1473, %swap3A_1474, %swap3A_1475], %swap3A_1478 {strides = array<i32>} : memref<256x39x128xf32, #tpu.memory_space<vmem>>, vector<256x1x128xf32>,
      %slice3A_1479 = vector.extract_strided_slice %logistic3A_1215 {offsets = [33, 0, 0], sizes = [1, 256, 128], strides = [1, 1, 1]} : vector<39x256x128xf32> to vector<1x256x128xf32>
      %squeeze3A_1480 = vector.shape_cast %slice3A_1479 : vector<1x256x128xf32> to vector<256x128xf32>
      %swap3A_1481 = arith.constant 0 : index
      %swap3A_1482 = arith.constant 33 : index
      %swap3A_1483 = arith.constant 0 : index
      %swap3A_1484 = vector.load %arg14[%swap3A_1481, %swap3A_1482, %swap3A_1483] : memref<256x39x128xf32, #tpu.memory_space<vmem>>, vector<256x1x128xf32>
      %swap3A_1485 = vector.shape_cast %swap3A_1484 : vector<256x1x128xf32> to vector<256x128xf32>
      %swap3A_1486 = vector.shape_cast %squeeze3A_1480 : vector<256x128xf32> to vector<256x1x128xf32>
      tpu.vector_store %arg14[%swap3A_1481, %swap3A_1482, %swap3A_1483], %swap3A_1486 {strides = array<i32>} : memref<256x39x128xf32, #tpu.memory_space<vmem>>, vector<256x1x128xf32>,
      %slice3A_1487 = vector.extract_strided_slice %logistic3A_1215 {offsets = [34, 0, 0], sizes = [1, 256, 128], strides = [1, 1, 1]} : vector<39x256x128xf32> to vector<1x256x128xf32>
      %squeeze3A_1488 = vector.shape_cast %slice3A_1487 : vector<1x256x128xf32> to vector<256x128xf32>
      %swap3A_1489 = arith.constant 0 : index
      %swap3A_1490 = arith.constant 34 : index
      %swap3A_1491 = arith.constant 0 : index
      %swap3A_1492 = vector.load %arg14[%swap3A_1489, %swap3A_1490, %swap3A_1491] : memref<256x39x128xf32, #tpu.memory_space<vmem>>, vector<256x1x128xf32>
      %swap3A_1493 = vector.shape_cast %swap3A_1492 : vector<256x1x128xf32> to vector<256x128xf32>
      %swap3A_1494 = vector.shape_cast %squeeze3A_1488 : vector<256x128xf32> to vector<256x1x128xf32>
      tpu.vector_store %arg14[%swap3A_1489, %swap3A_1490, %swap3A_1491], %swap3A_1494 {strides = array<i32>} : memref<256x39x128xf32, #tpu.memory_space<vmem>>, vector<256x1x128xf32>,
      %slice3A_1495 = vector.extract_strided_slice %logistic3A_1215 {offsets = [35, 0, 0], sizes = [1, 256, 128], strides = [1, 1, 1]} : vector<39x256x128xf32> to vector<1x256x128xf32>
      %squeeze3A_1496 = vector.shape_cast %slice3A_1495 : vector<1x256x128xf32> to vector<256x128xf32>
      %swap3A_1497 = arith.constant 0 : index
      %swap3A_1498 = arith.constant 35 : index
      %swap3A_1499 = arith.constant 0 : index
      %swap3A_1500 = vector.load %arg14[%swap3A_1497, %swap3A_1498, %swap3A_1499] : memref<256x39x128xf32, #tpu.memory_space<vmem>>, vector<256x1x128xf32>
      %swap3A_1501 = vector.shape_cast %swap3A_1500 : vector<256x1x128xf32> to vector<256x128xf32>
      %swap3A_1502 = vector.shape_cast %squeeze3A_1496 : vector<256x128xf32> to vector<256x1x128xf32>
      tpu.vector_store %arg14[%swap3A_1497, %swap3A_1498, %swap3A_1499], %swap3A_1502 {strides = array<i32>} : memref<256x39x128xf32, #tpu.memory_space<vmem>>, vector<256x1x128xf32>,
      %slice3A_1503 = vector.extract_strided_slice %logistic3A_1215 {offsets = [36, 0, 0], sizes = [1, 256, 128], strides = [1, 1, 1]} : vector<39x256x128xf32> to vector<1x256x128xf32>
      %squeeze3A_1504 = vector.shape_cast %slice3A_1503 : vector<1x256x128xf32> to vector<256x128xf32>
      %swap3A_1505 = arith.constant 0 : index
      %swap3A_1506 = arith.constant 36 : index
      %swap3A_1507 = arith.constant 0 : index
      %swap3A_1508 = vector.load %arg14[%swap3A_1505, %swap3A_1506, %swap3A_1507] : memref<256x39x128xf32, #tpu.memory_space<vmem>>, vector<256x1x128xf32>
      %swap3A_1509 = vector.shape_cast %swap3A_1508 : vector<256x1x128xf32> to vector<256x128xf32>
      %swap3A_1510 = vector.shape_cast %squeeze3A_1504 : vector<256x128xf32> to vector<256x1x128xf32>
      tpu.vector_store %arg14[%swap3A_1505, %swap3A_1506, %swap3A_1507], %swap3A_1510 {strides = array<i32>} : memref<256x39x128xf32, #tpu.memory_space<vmem>>, vector<256x1x128xf32>,
      %slice3A_1511 = vector.extract_strided_slice %logistic3A_1215 {offsets = [37, 0, 0], sizes = [1, 256, 128], strides = [1, 1, 1]} : vector<39x256x128xf32> to vector<1x256x128xf32>
      %squeeze3A_1512 = vector.shape_cast %slice3A_1511 : vector<1x256x128xf32> to vector<256x128xf32>
      %swap3A_1513 = arith.constant 0 : index
      %swap3A_1514 = arith.constant 37 : index
      %swap3A_1515 = arith.constant 0 : index
      %swap3A_1516 = vector.load %arg14[%swap3A_1513, %swap3A_1514, %swap3A_1515] : memref<256x39x128xf32, #tpu.memory_space<vmem>>, vector<256x1x128xf32>
      %swap3A_1517 = vector.shape_cast %swap3A_1516 : vector<256x1x128xf32> to vector<256x128xf32>
      %swap3A_1518 = vector.shape_cast %squeeze3A_1512 : vector<256x128xf32> to vector<256x1x128xf32>
      tpu.vector_store %arg14[%swap3A_1513, %swap3A_1514, %swap3A_1515], %swap3A_1518 {strides = array<i32>} : memref<256x39x128xf32, #tpu.memory_space<vmem>>, vector<256x1x128xf32>,
      %slice3A_1519 = vector.extract_strided_slice %logistic3A_1215 {offsets = [38, 0, 0], sizes = [1, 256, 128], strides = [1, 1, 1]} : vector<39x256x128xf32> to vector<1x256x128xf32>
      %squeeze3A_1520 = vector.shape_cast %slice3A_1519 : vector<1x256x128xf32> to vector<256x128xf32>
      %swap3A_1521 = arith.constant 0 : index
      %swap3A_1522 = arith.constant 38 : index
      %swap3A_1523 = arith.constant 0 : index
      %swap3A_1524 = vector.load %arg14[%swap3A_1521, %swap3A_1522, %swap3A_1523] : memref<256x39x128xf32, #tpu.memory_space<vmem>>, vector<256x1x128xf32>
      %swap3A_1525 = vector.shape_cast %swap3A_1524 : vector<256x1x128xf32> to vector<256x128xf32>
      %swap3A_1526 = vector.shape_cast %squeeze3A_1520 : vector<256x128xf32> to vector<256x1x128xf32>
      tpu.vector_store %arg14[%swap3A_1521, %swap3A_1522, %swap3A_1523], %swap3A_1526 {strides = array<i32>} : memref<256x39x128xf32, #tpu.memory_space<vmem>>, vector<256x1x128xf32>,
    } else {
    }
    return
  }
  func.func @transform_0(%arg0: i32, %arg1: i32) -> (i32, i32, i32) {
    %c0_i32 = arith.constant 0 : i32
    %c0_i32_0 = arith.constant 0 : i32
    %c0_i32_1 = arith.constant 0 : i32
    return %c0_i32, %arg0, %c0_i32_0 : i32, i32, i32
  }
  func.func @transform_1(%arg0: i32, %arg1: i32) -> (i32, i32, i32) {
    %c0_i32 = arith.constant 0 : i32
    %c0_i32_0 = arith.constant 0 : i32
    return %arg1, %arg0, %c0_i32 : i32, i32, i32
  }
  func.func @transform_2(%arg0: i32, %arg1: i32) -> (i32, i32, i32) {
    %c0_i32 = arith.constant 0 : i32
    %c0_i32_0 = arith.constant 0 : i32
    return %arg1, %arg0, %c0_i32 : i32, i32, i32
  }
  func.func @transform_3(%arg0: i32, %arg1: i32) -> (i32, i32, i32) {
    %c0_i32 = arith.constant 0 : i32
    %c0_i32_0 = arith.constant 0 : i32
    return %arg1, %arg0, %c0_i32 : i32, i32, i32
  }
  func.func @transform_4(%arg0: i32, %arg1: i32) -> (i32, i32) {
    %c0_i32 = arith.constant 0 : i32
    %c0_i32_0 = arith.constant 0 : i32
    %c0_i32_1 = arith.constant 0 : i32
    return %c0_i32, %c0_i32_0 : i32, i32
  }
  func.func @transform_5(%arg0: i32, %arg1: i32) -> (i32, i32) {
    %c0_i32 = arith.constant 0 : i32
    %c0_i32_0 = arith.constant 0 : i32
    %c0_i32_1 = arith.constant 0 : i32
    return %c0_i32, %c0_i32_0 : i32, i32
  }
  func.func @transform_6(%arg0: i32, %arg1: i32) -> (i32, i32) {
    %c0_i32 = arith.constant 0 : i32
    %c0_i32_0 = arith.constant 0 : i32
    %c0_i32_1 = arith.constant 0 : i32
    return %c0_i32, %c0_i32_0 : i32, i32
  }
  func.func @transform_7(%arg0: i32, %arg1: i32) -> (i32, i32) {
    %c0_i32 = arith.constant 0 : i32
    %c0_i32_0 = arith.constant 0 : i32
    %c0_i32_1 = arith.constant 0 : i32
    return %c0_i32, %c0_i32_0 : i32, i32
  }
  func.func @transform_8(%arg0: i32, %arg1: i32) -> (i32, i32) {
    %c0_i32 = arith.constant 0 : i32
    %c0_i32_0 = arith.constant 0 : i32
    %c0_i32_1 = arith.constant 0 : i32
    return %c0_i32, %c0_i32_0 : i32, i32
  }
  func.func @transform_9(%arg0: i32, %arg1: i32) -> (i32, i32) {
    %c0_i32 = arith.constant 0 : i32
    %c0_i32_0 = arith.constant 0 : i32
    %c0_i32_1 = arith.constant 0 : i32
    return %c0_i32, %c0_i32_0 : i32, i32
  }
  func.func @transform_10(%arg0: i32, %arg1: i32) -> (i32, i32) {
    %c0_i32 = arith.constant 0 : i32
    %c0_i32_0 = arith.constant 0 : i32
    %c0_i32_1 = arith.constant 0 : i32
    return %c0_i32, %c0_i32_0 : i32, i32
  }
  func.func @transform_11(%arg0: i32, %arg1: i32) -> (i32, i32) {
    %c0_i32 = arith.constant 0 : i32
    %c0_i32_0 = arith.constant 0 : i32
    %c0_i32_1 = arith.constant 0 : i32
    return %c0_i32, %c0_i32_0 : i32, i32
  }
  func.func @transform_12(%arg0: i32, %arg1: i32) -> (i32, i32, i32) {
    %c0_i32 = arith.constant 0 : i32
    %c0_i32_0 = arith.constant 0 : i32
    %c0_i32_1 = arith.constant 0 : i32
    return %arg0, %c0_i32, %c0_i32_0 : i32, i32, i32
  }
}

</mosaic_0001>

<sc_bundles>
// kernel: kernel.4.cloned.1.call-start
scs
__scs_entry_jumppad:
0x0: {  	(pc) =	sbr.rel $0x88, $3  }
0x1: {  	(tag) =	ssettag $0x0;
	lr =	simm.s32 $0x1  }
0x2: {  	[smem:$0x3F9B] =	sst lr;
	_ =	strace $0xD0000000  }
0x3: {  	_ = 	snop  }
0x4: {  	_ = 	snop  }
0x5: {  	_ = 	snop  }
0x6: {  	_ = 	snop  }
0x7: {  	_ = 	snop  }
__scs_overlays_trampoline_lowered:
0x8: {  	[smem:$0x3FAA] =	sst s0  }
0x9: {  	[smem:$0x3FAB] =	sst s1  }
0xa: {  	[smem:$0x3FAC] =	sst s2  }
0xb: {  	[smem:$0x3FAD] =	sst s3  }
0xc: {  	[smem:$0x3FAE] =	sst s4  }
0xd: {  	[smem:$0x3FAF] =	sst s5  }
0xe: {  	[smem:$0x3FB0] =	sst s6  }
0xf: {  	[smem:$0x3FB1] =	sst s7  }
0x10: {  	[smem:$0x3FB2] =	sst s8  }
0x11: {  	[smem:$0x3FB3] =	sst s9;
	s0 =	simm.s32 @!p0 $0x0  }
0x12: {  	s1 =	sld [smem:$0x3F99];
	s0 =	simm.s32 @p0 $0x1  }
0x13: {  	[smem:$0x3FB4] =	sst s0;
	s0 =	simm.s32 @!p1 $0x0  }
0x14: {  	s2 =	sld [smem:$0x3F98];
	s0 =	simm.s32 @p1 $0x1  }
0x15: {  	[smem:$0x3FB5] =	sst s0;
	s0 =	simm.s32 @!p2 $0x0  }
0x16: {  	s3 =	sld [smem:$0x3FDB];
	s0 =	simm.s32 @p2 $0x1  }
0x17: {  	s4 =	simm.s32 $0x1BF5;
	[smem:$0x3FB7] =	sst s0  }
0x18: {  	s0 =	sld [smem:$0x3F9A];
	_ =	swait.ge [sflag:s4], $0x0  }
0x19: {  	s7 =	sld [smem:$0x3F9B]  }
0x1a: {  	s8 =	sadd.s32 $0xFFFFE003, lr  }
0x1b: {  	s9 =	sadd.s32 $0xFFFFFEF7, lr;
	s5 =	simm.s32 $0xFFFFFFFF;
	p2 =	slt.u32 s8, $0xFFFFF086  }
0x1c: {  	p1 =	slt.u32 s9, $0xF7A;
	s5 =	simm.s32 @!p2 $0x0  }
0x1d: {  	s5 =	simm.s32 @p1 $0x1;
	p0 =	seq.s32 s7, s2  }
0x1e: {  	s7 =	smul.u32 @!p0 $0xF7A, s2;
	p2 =	seq.s32 @!p0 s5, $0x0  }
0x1f: {  	s9 =	smul.u32 $0xF7A, s1;
	s8 =	simm.s32 @!p0 $0x1BF5;
	p2 =	por !p2, p0  }
0x20: {  	[sflag:s8] =	ssyncset.s32 @!p0 $0xFFFFF086;
	s6 =	sadd.s32 @!p0 s3, s7;
	s7 =	simm.s32 @!p0 $0x108  }
0x21: {  	s3 =	sadd.s32 s3, s9;
	s6 =	sadd.s32 @!p0 $0x88, s6;
	s7 =	simm.s32 @p2 $0x1082  }
0x22: {  	[simem:s7], [sflag:s8] =	dma.local @!p0 [hbm:s6], $0xF7A  }
0x23: {  	s9 =	sor.u32 $0xD0000000, s2;
	s6 =	simm.s32 $0x108;
	_ =	swait.ge @!p0 [sflag:s8], $0x0  }
0x24: {  	s3 =	sadd.s32 $0x88, s3;
	s6 =	simm.s32 @!p1 $0x1082;
	[sflag:s4] =	ssyncset.s32 $0xFFFFF086  }
0x25: {  	[simem:s6], [sflag:s4] =	dma.local [hbm:s3], $0xF7A  }
0x26: {  	[smem:$0x3F9B] =	sst s1;
	(tag) =	ssettag s2;
	_ =	strace s9  }
0x27: {  	s1 =	sld [smem:$0x3FAB]  }
0x28: {  	s2 =	sld [smem:$0x3FAC]  }
0x29: {  	s4 =	sld [smem:$0x3FAE]  }
0x2a: {  	p0 =	seq.s32 s5, $0x0;
	s5 =	sld [smem:$0x3FAF]  }
0x2b: {  	s6 =	sld [smem:$0x3FB0]  }
0x2c: {  	s7 =	sld [smem:$0x3FB1]  }
0x2d: {  	s3 =	simm.s32 $0x108;
	s8 =	sld [smem:$0x3FB2]  }
0x2e: {  	s3 =	simm.s32 @!p0 $0x1082;
	s9 =	sld [smem:$0x3FB3]  }
0x2f: {  	lr =	sadd.s32 s0, s3;
	s0 =	sld [smem:$0x3FAA]  }
0x30: {  	s3 =	sld [smem:$0x3FAD]  }
0x31: {  	[smem:$0x3FB6] =	sst s10  }
0x32: {  	s10 =	sld [smem:$0x3FB4];
	_ =	sdelay $0x3  }
0x33: {  	p0 =	seq.s32 s10, $0x1;
	s10 =	sld [smem:$0x3FB6];
	_ =	sdelay $0x3  }
0x34: {  	[smem:$0x3FB6] =	sst s10  }
0x35: {  	s10 =	sld [smem:$0x3FB5];
	_ =	sdelay $0x3  }
0x36: {  	p1 =	seq.s32 s10, $0x1;
	s10 =	sld [smem:$0x3FB6];
	_ =	sdelay $0x3  }
0x37: {  	[smem:$0x3FB6] =	sst s10  }
0x38: {  	s10 =	sld [smem:$0x3FB7]  }
0x39: {  	_ = 	snop;
	(pc) =	sbr.ind lr, $3  }
0x3a: {  	_ = 	snop  }
0x3b: {  	_ = 	snop  }
0x3c: {  	p2 =	seq.s32 s10, $0x1;
	s10 =	sld [smem:$0x3FB6]  }
0x3d: {  	_ =	shalt  }
0x3e: {  	_ =	shalt  }
0x3f: {  	_ =	shalt  }
0x40: {  	_ =	shalt  }
0x41: {  	_ =	shalt  }
0x42: {  	_ =	shalt  }
0x43: {  	_ =	shalt  }
0x44: {  	_ =	shalt  }
0x45: {  	_ =	shalt  }
0x46: {  	_ =	shalt  }
0x47: {  	_ =	shalt  }
0x48: {  	_ =	shalt  }
0x49: {  	_ =	shalt  }
0x4a: {  	_ =	shalt  }
0x4b: {  	_ =	shalt  }
0x4c: {  	_ =	shalt  }
0x4d: {  	_ =	shalt  }
0x4e: {  	_ =	shalt  }
0x4f: {  	_ =	shalt  }
0x50: {  	_ =	shalt  }
0x51: {  	_ =	shalt  }
0x52: {  	_ =	shalt  }
0x53: {  	_ =	shalt  }
0x54: {  	_ =	shalt  }
0x55: {  	_ =	shalt  }
0x56: {  	_ =	shalt  }
0x57: {  	_ =	shalt  }
0x58: {  	_ =	shalt  }
0x59: {  	_ =	shalt  }
0x5a: {  	_ =	shalt  }
0x5b: {  	_ =	shalt  }
0x5c: {  	_ =	shalt  }
0x5d: {  	_ =	shalt  }
0x5e: {  	_ =	shalt  }
0x5f: {  	_ =	shalt  }
0x60: {  	_ =	shalt  }
0x61: {  	_ =	shalt  }
0x62: {  	_ =	shalt  }
0x63: {  	_ =	shalt  }
0x64: {  	_ =	shalt  }
0x65: {  	_ =	shalt  }
0x66: {  	_ =	shalt  }
0x67: {  	_ =	shalt  }
0x68: {  	_ =	shalt  }
0x69: {  	_ =	shalt  }
0x6a: {  	_ =	shalt  }
0x6b: {  	_ =	shalt  }
0x6c: {  	_ =	shalt  }
0x6d: {  	_ =	shalt  }
0x6e: {  	_ =	shalt  }
0x6f: {  	_ =	shalt  }
0x70: {  	_ =	shalt  }
0x71: {  	_ =	shalt  }
0x72: {  	_ =	shalt  }
0x73: {  	_ =	shalt  }
0x74: {  	_ =	shalt  }
0x75: {  	_ =	shalt  }
0x76: {  	_ =	shalt  }
0x77: {  	_ =	shalt  }
0x78: {  	_ =	shalt  }
0x79: {  	_ =	shalt  }
0x7a: {  	_ =	shalt  }
0x7b: {  	_ =	shalt  }
0x7c: {  	_ =	shalt  }
0x7d: {  	_ =	shalt  }
0x7e: {  	_ =	shalt  }
0x7f: {  	_ =	shalt  }
0x80: {  	_ =	shalt  }
0x81: {  	_ =	shalt  }
0x82: {  	_ =	shalt  }
0x83: {  	_ =	shalt  }
0x84: {  	_ =	shalt  }
0x85: {  	_ =	shalt  }
0x86: {  	_ =	shalt  }
0x87: {  	_ =	shalt  }
.Lfunc_end0:
.L_simem_size_0:
called_computation_lowered:
.L_overlay_start_0:
0x88: {  	s2 =	sld [smem:$0x3FD9]  }
0x89: {  	s3 =	sld [smem:$0x3FFE];
	_ =	sdelay $0x1  }
0x8a: {  	s1 =	srdreg.scid  }
0x8b: {  	s0 =	sand.u32 $0x1, s1  }
0x8c: {  	s16 =	sshll.u32 s0, $0xA;
	s2 =	sadd.s32 s3, s2  }
0x8d: {  	s2 =	sadd.s32 s2, s16  }
0x8e: {  	[smem:$0x3FC2] =	sst s2  }
0x8f: {  	_ = 	snop  }
0x90: {  	(tm) =	ssettm $0x1  }
0x91: {  	s17 =	sld [smem:$0x3FFB];
	_ =	sdelay $0x3  }
0x92: {  	_ =	strace s17  }
0x93: {  	s2 =	sld [smem:$0x3FFC];
	_ =	sdelay $0x3  }
0x94: {  	_ =	strace s2  }
0x95: {  	s2 =	sld [smem:$0x3FFD];
	_ =	sdelay $0x3  }
0x96: {  	_ =	strace s2  }
0x97: {  	_ =	strace $0x8FFFFFFF  }
0x98: {  	s18 =	sld [smem:$0x3FDB];
	_ =	sdelay $0x1  }
0x99: {  	s19 =	simm.s32 $_scs_section_size  }
0x9a: {  	s4 =	simm.s32 $_size__tile_overlayer_lowered;
	s5 =	simm.s32 $_tile_overlayer_lowered  }
0x9b: {  	s22 =	simm.s32 $0x1BFF;
	s21 =	sshll.u32 s5, $0x1;
	s2 =	sadd.s32 s19, s18  }
0x9c: {  	s6 =	simm.s32 $0x0;
	s20 =	sshll.u32 s4, $0x1;
	s4 =	sadd.s32 s21, s2  }
0x9d: {  	[timem:s6], [sflag:s22] =	dma.local [hbm:s4], s20  }
0x9e: {  	_ =	swait.ge [sflag:s22], s20  }
0x9f: {  	s3 =	ssub.s32 $0x0, s20;
	[sflag:s22] =	ssyncset.done $0x0  }
0xa0: {  	[sflag:s22] =	ssyncadd.s32 s3;
	_ =	sdelay $0x1  }
0xa1: {  	s23 =	simm.s32 $0x1B8B  }
0xa2: {  	_ =	swait.ge [sflag:s23], $0x1  }
0xa3: {  	[sflag:s23] =	ssyncset.done $0x0  }
0xa4: {  	s25 =	simm.s32 $0x1B8E;
	s24 =	sld [smem:$0x3FFE];
	[sflag:s23] =	ssyncadd.s32 $0xFFFFFFFF  }
0xa5: {  	s26 =	simm.s32 $execute0_lowered;
	[smem:$0x3FD2] =	sst s25  }
0xa6: {  	s4 =	sshll.u32 s26, $0x1;
	_ =	strace $0x80000046;
	[dreg:$0x1] =	wrdreg $0xFFFFFFFF  }
0xa7: {  	s28 =	simm.s32 $_size_execute0_lowered;
	s2 =	sadd.s32 s2, s4;
	[dreg:$0x0] =	wrdreg $0x0  }
0xa8: {  	s4 =	sshll.u32 s28, $0x1;
	[dreg:$0x2] =	wrdreg s2  }
0xa9: {  	[dreg:$0x3] =	wrdreg s4  }
0xaa: {  	[dreg:$0x4] =	wrdreg $0xC0  }
0xab: {  	_ =	task [dreg:s6], $0x5FFFF  }
0xac: {  	[dreg:$0x1] =	wrdreg $0xFFFFFFFF  }
0xad: {  	[dreg:$0x0] =	wrdreg $0x60  }
0xae: {  	[dreg:$0x2] =	wrdreg s24  }
0xaf: {  	[dreg:$0x3] =	wrdreg $0x9  }
0xb0: {  	_ =	task.clear_ibuf [dreg:s6], $0x4FFFF;
	_ =	strace $0x90000046  }
0xb1: {  	s29 =	simm.s32 $0x9;
	_ =	strace $0x80000048  }
0xb2: {  	_ =	swait.ge [sflag:s29], $0x1  }
0xb3: {  	[sflag:s29] =	ssyncadd.s32 $0xFFFFFFFF  }
0xb4: {  	_ =	strace $0x90000048  }
0xb5: {  	_ =	sfence  }
0xb6: {  	s30 =	sld [smem:$0x0];
	_ =	sdelay $0x2  }
0xb7: {  	s31 =	sshll.u32 s1, $0xD;
	s1 =	sshrl.u32 s1, $0x2  }
0xb8: {  	s3 =	sand.u32 $0x4000, s31;
	s1 =	sadd.s32 s1, s30  }
0xb9: {  	s0 =	sor.u32 s3, s0;
	s1 =	sshll.u32 s1, $0x11  }
0xba: {  	s0 =	sor.u32 s1, s0  }
0xbb: {  	s0 =	sadd.s32 $0x8F2B, s0  }
0xbc: {  	[sflag:s0] =	ssyncadd.remote.s32 $0x1  }
0xbd: {  	_ =	sfence.sel $0xFFFF  }
0xbe: {  	[dreg:$0x0] =	wrdreg $0xFFFFFFFF;
	(pc) =	sbr.abs _section_cstart, $3  }
0xbf: {  	[dreg:$0x1] =	wrdreg $0xFFFFFFFF  }
0xc0: {  	_ =	task.clear_ibuf [dreg:s6], $0x2FFFF;
	_ =	strace $0x9FFFFFFF  }
0xc1: {  	(tm) =	ssettm $0x7FFFFFFF  }
tec
execute0_lowered:
.L_overlay_start_1:
0x0: {  	(tag) =	ssettag $0x1  }
0x1: {  	s0 =	srdreg.scid;
	s1 =	stileid.u32  }
0x2: {  	s31 =	sand.u32 $0x1, s0;
	s6 =	sshll.u32 s1, $0x1  }
0x3: {  	s4 =	rddreg [dreg:$0x0];
	s2 =	simm.s32 $0x0;
	s3 =	sor.u32 s31, s6  }
0x4: {  	[smem:$0x7FF] =	sst s2;
	s0 =	smul.u32 $0xA00, s3  }
0x5: {  	s30 =	sadd.s32 $0xC00, s4;
	s1 =	sadd.s32 $0xC6A00, s4;
	s3 =	smul.u32 $0x5000, s3  }
0x6: {  	_ =	strace $0x80000047;
	[dreg:$0x12] =	wrdreg s1;
	s5 =	sshrl.u32 s0, $0x3  }
0x7: {  	s3 =	sadd.s32 s1, s3;
	s7 =	sor.u32 $0x80, s0;
	s6 =	sor.u32 $0x100, s0  }
0x8: {  	s14 =	sor.u32 $0x180, s0;
	s16 =	sadd.s32 $0x200, s0;
	s24 =	sadd.s32 $0x300, s0  }
0x9: {  	s5 =	sadd.s32 s30, s5;
	[dreg:$0x3] =	wrdreg s3;
	s8 =	sshrl.u32 s7, $0x3  }
0xa: {  	s10 =	sshrl.u32 s6, $0x3;
	[dreg:$0x2] =	wrdreg s5;
	s3 =	sadd.s32 s30, s8  }
0xb: {  	s12 =	sshll.u32 s6, $0x3;
	s11 =	sadd.s32 s30, s10;
	[dreg:$0x4] =	wrdreg s3  }
0xc: {  	s18 =	sshrl.u32 s16, $0x3;
	s13 =	sadd.s32 s1, s12;
	[dreg:$0x6] =	wrdreg s11  }
0xd: {  	s20 =	sshll.u32 s16, $0x3;
	s19 =	sadd.s32 s30, s18;
	[dreg:$0x7] =	wrdreg s13  }
0xe: {  	s6 =	sshll.u32 s24, $0x3;
	s21 =	sadd.s32 s1, s20;
	[dreg:$0xa] =	wrdreg s19  }
0xf: {  	s5 =	sshll.u32 s7, $0x3;
	s7 =	sadd.s32 s1, s6;
	[dreg:$0xb] =	wrdreg s21  }
0x10: {  	s22 =	sadd.s32 $0x280, s0;
	s15 =	sshrl.u32 s14, $0x3;
	[dreg:$0xf] =	wrdreg s7  }
0x11: {  	s23 =	sshrl.u32 s22, $0x3;
	s9 =	sadd.s32 s1, s5;
	s10 =	rddreg [dreg:$0x2]  }
0x12: {  	s3 =	sadd.s32 s30, s15;
	s5 =	sshll.u32 s14, $0x3;
	[dreg:$0x5] =	wrdreg s9  }
0x13: {  	s26 =	sshrl.u32 s24, $0x3;
	[dreg:$0x8] =	wrdreg s3;
	s17 =	sadd.s32 s1, s5  }
0x14: {  	[tilespmem:s2], [sflag:$0x2] =	stream.linear.gather [hbm4b:s10+s2], $0x80, $0x38;
	[tilespmem:$0x2080] =	vst v63  }
0x15: {  	s3 =	sadd.s32 s30, s23;
	s5 =	sshll.u32 s22, $0x3;
	[dreg:$0x9] =	wrdreg s17  }
0x16: {  	s8 =	sadd.s32 $0x380, s0;
	[dreg:$0xc] =	wrdreg s3;
	s25 =	sadd.s32 s1, s5  }
0x17: {  	s9 =	sshrl.u32 s8, $0x3;
	s5 =	sadd.s32 s30, s26;
	[dreg:$0xd] =	wrdreg s25  }
0x18: {  	s3 =	sadd.s32 s30, s9;
	[dreg:$0xe] =	wrdreg s5;
	s5 =	sshll.u32 s8, $0x3  }
0x19: {  	[dreg:$0x10] =	wrdreg s3;
	s11 =	sadd.s32 s1, s5  }
0x1a: {  	s3 =	simm.s32 $0x2;
	[dreg:$0x11] =	wrdreg s11  }
0x1b: {  	_ =	swait.ge [sflag:s3], $0x80  }
0x1c: {  	s4 =	sadd.s32 $0x3400, s4;
	[sflag:s3] =	ssyncset.done $0x0  }
0x1d: {  	s6 =	simm.s32 $0x1;
	s5 =	simm.s32 $0x80;
	[sflag:s3] =	ssyncadd.s32 $0xFFFFFF80  }
0x1e: {  	[tilespmem:s5], [sflag:$0x1] =	stream.indirect.gather [hbm4b:s4+s5], $0x40, s2, s5, $0xb8;
	[tilespmem:$0x2080] =	vst v63  }
0x1f: {  	_ =	swait.ge [sflag:s6], $0x2000  }
0x20: {  	[sflag:s6] =	ssyncset.done $0x0  }
0x21: {  	s7 =	rddreg [dreg:$0x3];
	[sflag:s6] =	ssyncadd.s32 $0xFFFFE000  }
0x22: {  	[hbm4b:s7+s2] =	stream.linear.scatter [tilespmem:s5], [sflag:$0x2], $0x2000, $0x38;
	[tilespmem:$0x2080] =	vst v63  }
0x23: {  	_ =	swait.ge [sflag:s3], $0x2000  }
0x24: {  	[sflag:s3] =	ssyncset.done $0x0  }
0x25: {  	s12 =	rddreg [dreg:$0x4];
	[sflag:s3] =	ssyncadd.s32 $0xFFFFE000  }
0x26: {  	[tilespmem:s2], [sflag:$0x2] =	stream.linear.gather [hbm4b:s12+s2], $0x80, $0x38;
	[tilespmem:$0x2080] =	vst v63  }
0x27: {  	_ =	swait.ge [sflag:s3], $0x80  }
0x28: {  	[sflag:s3] =	ssyncset.done $0x0  }
0x29: {  	[sflag:s3] =	ssyncadd.s32 $0xFFFFFF80  }
0x2a: {  	[tilespmem:s5], [sflag:$0x1] =	stream.indirect.gather [hbm4b:s4+s5], $0x40, s2, s5, $0xb8;
	[tilespmem:$0x2080] =	vst v63  }
0x2b: {  	_ =	swait.ge [sflag:s6], $0x2000  }
0x2c: {  	[sflag:s6] =	ssyncset.done $0x0  }
0x2d: {  	s13 =	rddreg [dreg:$0x5];
	[sflag:s6] =	ssyncadd.s32 $0xFFFFE000  }
0x2e: {  	[hbm4b:s13+s2] =	stream.linear.scatter [tilespmem:s5], [sflag:$0x2], $0x2000, $0x38;
	[tilespmem:$0x2080] =	vst v63  }
0x2f: {  	_ =	swait.ge [sflag:s3], $0x2000  }
0x30: {  	[sflag:s3] =	ssyncset.done $0x0  }
0x31: {  	s14 =	rddreg [dreg:$0x6];
	[sflag:s3] =	ssyncadd.s32 $0xFFFFE000  }
0x32: {  	[tilespmem:s2], [sflag:$0x2] =	stream.linear.gather [hbm4b:s14+s2], $0x80, $0x38;
	[tilespmem:$0x2080] =	vst v63  }
0x33: {  	_ =	swait.ge [sflag:s3], $0x80  }
0x34: {  	[sflag:s3] =	ssyncset.done $0x0  }
0x35: {  	[sflag:s3] =	ssyncadd.s32 $0xFFFFFF80  }
0x36: {  	[tilespmem:s5], [sflag:$0x1] =	stream.indirect.gather [hbm4b:s4+s5], $0x40, s2, s5, $0xb8;
	[tilespmem:$0x2080] =	vst v63  }
0x37: {  	_ =	swait.ge [sflag:s6], $0x2000  }
0x38: {  	[sflag:s6] =	ssyncset.done $0x0  }
0x39: {  	s15 =	rddreg [dreg:$0x7];
	[sflag:s6] =	ssyncadd.s32 $0xFFFFE000  }
0x3a: {  	[hbm4b:s15+s2] =	stream.linear.scatter [tilespmem:s5], [sflag:$0x2], $0x2000, $0x38;
	[tilespmem:$0x2080] =	vst v63  }
0x3b: {  	_ =	swait.ge [sflag:s3], $0x2000  }
0x3c: {  	[sflag:s3] =	ssyncset.done $0x0  }
0x3d: {  	s16 =	rddreg [dreg:$0x8];
	[sflag:s3] =	ssyncadd.s32 $0xFFFFE000  }
0x3e: {  	[tilespmem:s2], [sflag:$0x2] =	stream.linear.gather [hbm4b:s16+s2], $0x80, $0x38;
	[tilespmem:$0x2080] =	vst v63  }
0x3f: {  	_ =	swait.ge [sflag:s3], $0x80  }
0x40: {  	[sflag:s3] =	ssyncset.done $0x0  }
0x41: {  	[sflag:s3] =	ssyncadd.s32 $0xFFFFFF80  }
0x42: {  	[tilespmem:s5], [sflag:$0x1] =	stream.indirect.gather [hbm4b:s4+s5], $0x40, s2, s5, $0xb8;
	[tilespmem:$0x2080] =	vst v63  }
0x43: {  	_ =	swait.ge [sflag:s6], $0x2000  }
0x44: {  	[sflag:s6] =	ssyncset.done $0x0  }
0x45: {  	s17 =	rddreg [dreg:$0x9];
	[sflag:s6] =	ssyncadd.s32 $0xFFFFE000  }
0x46: {  	[hbm4b:s17+s2] =	stream.linear.scatter [tilespmem:s5], [sflag:$0x2], $0x2000, $0x38;
	[tilespmem:$0x2080] =	vst v63  }
0x47: {  	_ =	swait.ge [sflag:s3], $0x2000  }
0x48: {  	[sflag:s3] =	ssyncset.done $0x0  }
0x49: {  	s18 =	rddreg [dreg:$0xa];
	[sflag:s3] =	ssyncadd.s32 $0xFFFFE000  }
0x4a: {  	[tilespmem:s2], [sflag:$0x2] =	stream.linear.gather [hbm4b:s18+s2], $0x80, $0x38;
	[tilespmem:$0x2080] =	vst v63  }
0x4b: {  	_ =	swait.ge [sflag:s3], $0x80  }
0x4c: {  	[sflag:s3] =	ssyncset.done $0x0  }
0x4d: {  	[sflag:s3] =	ssyncadd.s32 $0xFFFFFF80  }
0x4e: {  	[tilespmem:s5], [sflag:$0x1] =	stream.indirect.gather [hbm4b:s4+s5], $0x40, s2, s5, $0xb8;
	[tilespmem:$0x2080] =	vst v63  }
0x4f: {  	_ =	swait.ge [sflag:s6], $0x2000  }
0x50: {  	[sflag:s6] =	ssyncset.done $0x0  }
0x51: {  	s19 =	rddreg [dreg:$0xb];
	[sflag:s6] =	ssyncadd.s32 $0xFFFFE000  }
0x52: {  	[hbm4b:s19+s2] =	stream.linear.scatter [tilespmem:s5], [sflag:$0x2], $0x2000, $0x38;
	[tilespmem:$0x2080] =	vst v63  }
0x53: {  	_ =	swait.ge [sflag:s3], $0x2000  }
0x54: {  	[sflag:s3] =	ssyncset.done $0x0  }
0x55: {  	s20 =	rddreg [dreg:$0xc];
	[sflag:s3] =	ssyncadd.s32 $0xFFFFE000  }
0x56: {  	[tilespmem:s2], [sflag:$0x2] =	stream.linear.gather [hbm4b:s20+s2], $0x80, $0x38;
	[tilespmem:$0x2080] =	vst v63  }
0x57: {  	_ =	swait.ge [sflag:s3], $0x80  }
0x58: {  	[sflag:s3] =	ssyncset.done $0x0  }
0x59: {  	[sflag:s3] =	ssyncadd.s32 $0xFFFFFF80  }
0x5a: {  	[tilespmem:s5], [sflag:$0x1] =	stream.indirect.gather [hbm4b:s4+s5], $0x40, s2, s5, $0xb8;
	[tilespmem:$0x2080] =	vst v63  }
0x5b: {  	_ =	swait.ge [sflag:s6], $0x2000  }
0x5c: {  	[sflag:s6] =	ssyncset.done $0x0  }
0x5d: {  	s21 =	rddreg [dreg:$0xd];
	[sflag:s6] =	ssyncadd.s32 $0xFFFFE000  }
0x5e: {  	[hbm4b:s21+s2] =	stream.linear.scatter [tilespmem:s5], [sflag:$0x2], $0x2000, $0x38;
	[tilespmem:$0x2080] =	vst v63  }
0x5f: {  	_ =	swait.ge [sflag:s3], $0x2000  }
0x60: {  	[sflag:s3] =	ssyncset.done $0x0  }
0x61: {  	s22 =	rddreg [dreg:$0xe];
	[sflag:s3] =	ssyncadd.s32 $0xFFFFE000  }
0x62: {  	[tilespmem:s2], [sflag:$0x2] =	stream.linear.gather [hbm4b:s22+s2], $0x80, $0x38;
	[tilespmem:$0x2080] =	vst v63  }
0x63: {  	_ =	swait.ge [sflag:s3], $0x80  }
0x64: {  	[sflag:s3] =	ssyncset.done $0x0  }
0x65: {  	[sflag:s3] =	ssyncadd.s32 $0xFFFFFF80  }
0x66: {  	[tilespmem:s5], [sflag:$0x1] =	stream.indirect.gather [hbm4b:s4+s5], $0x40, s2, s5, $0xb8;
	[tilespmem:$0x2080] =	vst v63  }
0x67: {  	_ =	swait.ge [sflag:s6], $0x2000  }
0x68: {  	[sflag:s6] =	ssyncset.done $0x0  }
0x69: {  	s23 =	rddreg [dreg:$0xf];
	[sflag:s6] =	ssyncadd.s32 $0xFFFFE000  }
0x6a: {  	[hbm4b:s23+s2] =	stream.linear.scatter [tilespmem:s5], [sflag:$0x2], $0x2000, $0x38;
	[tilespmem:$0x2080] =	vst v63  }
0x6b: {  	_ =	swait.ge [sflag:s3], $0x2000  }
0x6c: {  	[sflag:s3] =	ssyncset.done $0x0  }
0x6d: {  	s24 =	rddreg [dreg:$0x10];
	[sflag:s3] =	ssyncadd.s32 $0xFFFFE000  }
0x6e: {  	[tilespmem:s2], [sflag:$0x2] =	stream.linear.gather [hbm4b:s24+s2], $0x80, $0x38;
	[tilespmem:$0x2080] =	vst v63  }
0x6f: {  	_ =	swait.ge [sflag:s3], $0x80  }
0x70: {  	[sflag:s3] =	ssyncset.done $0x0  }
0x71: {  	[sflag:s3] =	ssyncadd.s32 $0xFFFFFF80  }
0x72: {  	[tilespmem:s5], [sflag:$0x1] =	stream.indirect.gather [hbm4b:s4+s5], $0x40, s2, s5, $0xb8;
	[tilespmem:$0x2080] =	vst v63  }
0x73: {  	_ =	swait.ge [sflag:s6], $0x2000  }
0x74: {  	[sflag:s6] =	ssyncset.done $0x0  }
0x75: {  	s25 =	rddreg [dreg:$0x11];
	[sflag:s6] =	ssyncadd.s32 $0xFFFFE000  }
0x76: {  	[hbm4b:s25+s2] =	stream.linear.scatter [tilespmem:s5], [sflag:$0x2], $0x2000, $0x38;
	[tilespmem:$0x2080] =	vst v63  }
0x77: {  	s8 =	sadd.s32 $0x400, s0;
	_ =	swait.ge [sflag:s3], $0x2000  }
0x78: {  	s26 =	sshrl.u32 s8, $0x3;
	[sflag:s3] =	ssyncset.done $0x0  }
0x79: {  	s7 =	sadd.s32 s30, s26;
	[sflag:s3] =	ssyncadd.s32 $0xFFFFE000  }
0x7a: {  	[tilespmem:s2], [sflag:$0x2] =	stream.linear.gather [hbm4b:s7+s2], $0x80, $0x38;
	[tilespmem:$0x2080] =	vst v63  }
0x7b: {  	_ =	swait.ge [sflag:s3], $0x80  }
0x7c: {  	[sflag:s3] =	ssyncset.done $0x0  }
0x7d: {  	[sflag:s3] =	ssyncadd.s32 $0xFFFFFF80  }
0x7e: {  	[tilespmem:s5], [sflag:$0x1] =	stream.indirect.gather [hbm4b:s4+s5], $0x40, s2, s5, $0xb8;
	[tilespmem:$0x2080] =	vst v63  }
0x7f: {  	_ =	swait.ge [sflag:s6], $0x2000  }
0x80: {  	s8 =	sshll.u32 s8, $0x3;
	[sflag:s6] =	ssyncset.done $0x0  }
0x81: {  	s8 =	sadd.s32 s1, s8;
	[sflag:s6] =	ssyncadd.s32 $0xFFFFE000  }
0x82: {  	[hbm4b:s8+s2] =	stream.linear.scatter [tilespmem:s5], [sflag:$0x2], $0x2000, $0x38;
	[tilespmem:$0x2080] =	vst v63  }
0x83: {  	s10 =	sadd.s32 $0x480, s0;
	_ =	swait.ge [sflag:s3], $0x2000  }
0x84: {  	s9 =	sshrl.u32 s10, $0x3;
	[sflag:s3] =	ssyncset.done $0x0  }
0x85: {  	s9 =	sadd.s32 s30, s9;
	[sflag:s3] =	ssyncadd.s32 $0xFFFFE000  }
0x86: {  	[tilespmem:s2], [sflag:$0x2] =	stream.linear.gather [hbm4b:s9+s2], $0x80, $0x38;
	[tilespmem:$0x2080] =	vst v63  }
0x87: {  	_ =	swait.ge [sflag:s3], $0x80  }
0x88: {  	[sflag:s3] =	ssyncset.done $0x0  }
0x89: {  	[sflag:s3] =	ssyncadd.s32 $0xFFFFFF80  }
0x8a: {  	[tilespmem:s5], [sflag:$0x1] =	stream.indirect.gather [hbm4b:s4+s5], $0x40, s2, s5, $0xb8;
	[tilespmem:$0x2080] =	vst v63  }
0x8b: {  	_ =	swait.ge [sflag:s6], $0x2000  }
0x8c: {  	s10 =	sshll.u32 s10, $0x3;
	[sflag:s6] =	ssyncset.done $0x0  }
0x8d: {  	s10 =	sadd.s32 s1, s10;
	[sflag:s6] =	ssyncadd.s32 $0xFFFFE000  }
0x8e: {  	[hbm4b:s10+s2] =	stream.linear.scatter [tilespmem:s5], [sflag:$0x2], $0x2000, $0x38;
	[tilespmem:$0x2080] =	vst v63  }
0x8f: {  	s12 =	sadd.s32 $0x500, s0;
	_ =	swait.ge [sflag:s3], $0x2000  }
0x90: {  	s11 =	sshrl.u32 s12, $0x3;
	[sflag:s3] =	ssyncset.done $0x0  }
0x91: {  	s11 =	sadd.s32 s30, s11;
	[sflag:s3] =	ssyncadd.s32 $0xFFFFE000  }
0x92: {  	[tilespmem:s2], [sflag:$0x2] =	stream.linear.gather [hbm4b:s11+s2], $0x80, $0x38;
	[tilespmem:$0x2080] =	vst v63  }
0x93: {  	_ =	swait.ge [sflag:s3], $0x80  }
0x94: {  	[sflag:s3] =	ssyncset.done $0x0  }
0x95: {  	[sflag:s3] =	ssyncadd.s32 $0xFFFFFF80  }
0x96: {  	[tilespmem:s5], [sflag:$0x1] =	stream.indirect.gather [hbm4b:s4+s5], $0x40, s2, s5, $0xb8;
	[tilespmem:$0x2080] =	vst v63  }
0x97: {  	_ =	swait.ge [sflag:s6], $0x2000  }
0x98: {  	s12 =	sshll.u32 s12, $0x3;
	[sflag:s6] =	ssyncset.done $0x0  }
0x99: {  	s12 =	sadd.s32 s1, s12;
	[sflag:s6] =	ssyncadd.s32 $0xFFFFE000  }
0x9a: {  	[hbm4b:s12+s2] =	stream.linear.scatter [tilespmem:s5], [sflag:$0x2], $0x2000, $0x38;
	[tilespmem:$0x2080] =	vst v63  }
0x9b: {  	s14 =	sadd.s32 $0x580, s0;
	_ =	swait.ge [sflag:s3], $0x2000  }
0x9c: {  	s13 =	sshrl.u32 s14, $0x3;
	[sflag:s3] =	ssyncset.done $0x0  }
0x9d: {  	s13 =	sadd.s32 s30, s13;
	[sflag:s3] =	ssyncadd.s32 $0xFFFFE000  }
0x9e: {  	[tilespmem:s2], [sflag:$0x2] =	stream.linear.gather [hbm4b:s13+s2], $0x80, $0x38;
	[tilespmem:$0x2080] =	vst v63  }
0x9f: {  	_ =	swait.ge [sflag:s3], $0x80  }
0xa0: {  	[sflag:s3] =	ssyncset.done $0x0  }
0xa1: {  	[sflag:s3] =	ssyncadd.s32 $0xFFFFFF80  }
0xa2: {  	[tilespmem:s5], [sflag:$0x1] =	stream.indirect.gather [hbm4b:s4+s5], $0x40, s2, s5, $0xb8;
	[tilespmem:$0x2080] =	vst v63  }
0xa3: {  	_ =	swait.ge [sflag:s6], $0x2000  }
0xa4: {  	s14 =	sshll.u32 s14, $0x3;
	[sflag:s6] =	ssyncset.done $0x0  }
0xa5: {  	s14 =	sadd.s32 s1, s14;
	[sflag:s6] =	ssyncadd.s32 $0xFFFFE000  }
0xa6: {  	[hbm4b:s14+s2] =	stream.linear.scatter [tilespmem:s5], [sflag:$0x2], $0x2000, $0x38;
	[tilespmem:$0x2080] =	vst v63  }
0xa7: {  	s16 =	sadd.s32 $0x600, s0;
	_ =	swait.ge [sflag:s3], $0x2000  }
0xa8: {  	s15 =	sshrl.u32 s16, $0x3;
	[sflag:s3] =	ssyncset.done $0x0  }
0xa9: {  	s15 =	sadd.s32 s30, s15;
	[sflag:s3] =	ssyncadd.s32 $0xFFFFE000  }
0xaa: {  	[tilespmem:s2], [sflag:$0x2] =	stream.linear.gather [hbm4b:s15+s2], $0x80, $0x38;
	[tilespmem:$0x2080] =	vst v63  }
0xab: {  	_ =	swait.ge [sflag:s3], $0x80  }
0xac: {  	[sflag:s3] =	ssyncset.done $0x0  }
0xad: {  	[sflag:s3] =	ssyncadd.s32 $0xFFFFFF80  }
0xae: {  	[tilespmem:s5], [sflag:$0x1] =	stream.indirect.gather [hbm4b:s4+s5], $0x40, s2, s5, $0xb8;
	[tilespmem:$0x2080] =	vst v63  }
0xaf: {  	_ =	swait.ge [sflag:s6], $0x2000  }
0xb0: {  	s16 =	sshll.u32 s16, $0x3;
	[sflag:s6] =	ssyncset.done $0x0  }
0xb1: {  	s16 =	sadd.s32 s1, s16;
	[sflag:s6] =	ssyncadd.s32 $0xFFFFE000  }
0xb2: {  	[hbm4b:s16+s2] =	stream.linear.scatter [tilespmem:s5], [sflag:$0x2], $0x2000, $0x38;
	[tilespmem:$0x2080] =	vst v63  }
0xb3: {  	s18 =	sadd.s32 $0x680, s0;
	_ =	swait.ge [sflag:s3], $0x2000  }
0xb4: {  	s17 =	sshrl.u32 s18, $0x3;
	[sflag:s3] =	ssyncset.done $0x0  }
0xb5: {  	s17 =	sadd.s32 s30, s17;
	[sflag:s3] =	ssyncadd.s32 $0xFFFFE000  }
0xb6: {  	[tilespmem:s2], [sflag:$0x2] =	stream.linear.gather [hbm4b:s17+s2], $0x80, $0x38;
	[tilespmem:$0x2080] =	vst v63  }
0xb7: {  	_ =	swait.ge [sflag:s3], $0x80  }
0xb8: {  	[sflag:s3] =	ssyncset.done $0x0  }
0xb9: {  	[sflag:s3] =	ssyncadd.s32 $0xFFFFFF80  }
0xba: {  	[tilespmem:s5], [sflag:$0x1] =	stream.indirect.gather [hbm4b:s4+s5], $0x40, s2, s5, $0xb8;
	[tilespmem:$0x2080] =	vst v63  }
0xbb: {  	_ =	swait.ge [sflag:s6], $0x2000  }
0xbc: {  	s18 =	sshll.u32 s18, $0x3;
	[sflag:s6] =	ssyncset.done $0x0  }
0xbd: {  	s18 =	sadd.s32 s1, s18;
	[sflag:s6] =	ssyncadd.s32 $0xFFFFE000  }
0xbe: {  	[hbm4b:s18+s2] =	stream.linear.scatter [tilespmem:s5], [sflag:$0x2], $0x2000, $0x38;
	[tilespmem:$0x2080] =	vst v63  }
0xbf: {  	s20 =	sadd.s32 $0x700, s0;
	_ =	swait.ge [sflag:s3], $0x2000  }
0xc0: {  	s19 =	sshrl.u32 s20, $0x3;
	[sflag:s3] =	ssyncset.done $0x0  }
0xc1: {  	s19 =	sadd.s32 s30, s19;
	[sflag:s3] =	ssyncadd.s32 $0xFFFFE000  }
0xc2: {  	[tilespmem:s2], [sflag:$0x2] =	stream.linear.gather [hbm4b:s19+s2], $0x80, $0x38;
	[tilespmem:$0x2080] =	vst v63  }
0xc3: {  	_ =	swait.ge [sflag:s3], $0x80  }
0xc4: {  	[sflag:s3] =	ssyncset.done $0x0  }
0xc5: {  	[sflag:s3] =	ssyncadd.s32 $0xFFFFFF80  }
0xc6: {  	[tilespmem:s5], [sflag:$0x1] =	stream.indirect.gather [hbm4b:s4+s5], $0x40, s2, s5, $0xb8;
	[tilespmem:$0x2080] =	vst v63  }
0xc7: {  	_ =	swait.ge [sflag:s6], $0x2000  }
0xc8: {  	s20 =	sshll.u32 s20, $0x3;
	[sflag:s6] =	ssyncset.done $0x0  }
0xc9: {  	s20 =	sadd.s32 s1, s20;
	[sflag:s6] =	ssyncadd.s32 $0xFFFFE000  }
0xca: {  	[hbm4b:s20+s2] =	stream.linear.scatter [tilespmem:s5], [sflag:$0x2], $0x2000, $0x38;
	[tilespmem:$0x2080] =	vst v63  }
0xcb: {  	s22 =	sadd.s32 $0x780, s0;
	_ =	swait.ge [sflag:s3], $0x2000  }
0xcc: {  	s21 =	sshrl.u32 s22, $0x3;
	[sflag:s3] =	ssyncset.done $0x0  }
0xcd: {  	s21 =	sadd.s32 s30, s21;
	[sflag:s3] =	ssyncadd.s32 $0xFFFFE000  }
0xce: {  	[tilespmem:s2], [sflag:$0x2] =	stream.linear.gather [hbm4b:s21+s2], $0x80, $0x38;
	[tilespmem:$0x2080] =	vst v63  }
0xcf: {  	_ =	swait.ge [sflag:s3], $0x80  }
0xd0: {  	[sflag:s3] =	ssyncset.done $0x0  }
0xd1: {  	[sflag:s3] =	ssyncadd.s32 $0xFFFFFF80  }
0xd2: {  	[tilespmem:s5], [sflag:$0x1] =	stream.indirect.gather [hbm4b:s4+s5], $0x40, s2, s5, $0xb8;
	[tilespmem:$0x2080] =	vst v63  }
0xd3: {  	_ =	swait.ge [sflag:s6], $0x2000  }
0xd4: {  	s22 =	sshll.u32 s22, $0x3;
	[sflag:s6] =	ssyncset.done $0x0  }
0xd5: {  	s22 =	sadd.s32 s1, s22;
	[sflag:s6] =	ssyncadd.s32 $0xFFFFE000  }
0xd6: {  	[hbm4b:s22+s2] =	stream.linear.scatter [tilespmem:s5], [sflag:$0x2], $0x2000, $0x38;
	[tilespmem:$0x2080] =	vst v63  }
0xd7: {  	s24 =	sadd.s32 $0x800, s0;
	_ =	swait.ge [sflag:s3], $0x2000  }
0xd8: {  	s23 =	sshrl.u32 s24, $0x3;
	[sflag:s3] =	ssyncset.done $0x0  }
0xd9: {  	s23 =	sadd.s32 s30, s23;
	[sflag:s3] =	ssyncadd.s32 $0xFFFFE000  }
0xda: {  	[tilespmem:s2], [sflag:$0x2] =	stream.linear.gather [hbm4b:s23+s2], $0x80, $0x38;
	[tilespmem:$0x2080] =	vst v63  }
0xdb: {  	_ =	swait.ge [sflag:s3], $0x80  }
0xdc: {  	[sflag:s3] =	ssyncset.done $0x0  }
0xdd: {  	[sflag:s3] =	ssyncadd.s32 $0xFFFFFF80  }
0xde: {  	[tilespmem:s5], [sflag:$0x1] =	stream.indirect.gather [hbm4b:s4+s5], $0x40, s2, s5, $0xb8;
	[tilespmem:$0x2080] =	vst v63  }
0xdf: {  	_ =	swait.ge [sflag:s6], $0x2000  }
0xe0: {  	s24 =	sshll.u32 s24, $0x3;
	[sflag:s6] =	ssyncset.done $0x0  }
0xe1: {  	s24 =	sadd.s32 s1, s24;
	[sflag:s6] =	ssyncadd.s32 $0xFFFFE000  }
0xe2: {  	[hbm4b:s24+s2] =	stream.linear.scatter [tilespmem:s5], [sflag:$0x2], $0x2000, $0x38;
	[tilespmem:$0x2080] =	vst v63  }
0xe3: {  	s26 =	sadd.s32 $0x880, s0;
	_ =	swait.ge [sflag:s3], $0x2000  }
0xe4: {  	s25 =	sshrl.u32 s26, $0x3;
	[sflag:s3] =	ssyncset.done $0x0  }
0xe5: {  	s25 =	sadd.s32 s30, s25;
	[sflag:s3] =	ssyncadd.s32 $0xFFFFE000  }
0xe6: {  	[tilespmem:s2], [sflag:$0x2] =	stream.linear.gather [hbm4b:s25+s2], $0x80, $0x38;
	[tilespmem:$0x2080] =	vst v63  }
0xe7: {  	_ =	swait.ge [sflag:s3], $0x80  }
0xe8: {  	[sflag:s3] =	ssyncset.done $0x0  }
0xe9: {  	[sflag:s3] =	ssyncadd.s32 $0xFFFFFF80  }
0xea: {  	[tilespmem:s5], [sflag:$0x1] =	stream.indirect.gather [hbm4b:s4+s5], $0x40, s2, s5, $0xb8;
	[tilespmem:$0x2080] =	vst v63  }
0xeb: {  	_ =	swait.ge [sflag:s6], $0x2000  }
0xec: {  	s26 =	sshll.u32 s26, $0x3;
	[sflag:s6] =	ssyncset.done $0x0  }
0xed: {  	s26 =	sadd.s32 s1, s26;
	[sflag:s6] =	ssyncadd.s32 $0xFFFFE000  }
0xee: {  	[hbm4b:s26+s2] =	stream.linear.scatter [tilespmem:s5], [sflag:$0x2], $0x2000, $0x38;
	[tilespmem:$0x2080] =	vst v63  }
0xef: {  	s29 =	sadd.s32 $0x900, s0;
	_ =	swait.ge [sflag:s3], $0x2000  }
0xf0: {  	s28 =	sshrl.u32 s29, $0x3;
	[sflag:s3] =	ssyncset.done $0x0  }
0xf1: {  	s28 =	sadd.s32 s30, s28;
	[sflag:s3] =	ssyncadd.s32 $0xFFFFE000  }
0xf2: {  	[tilespmem:s2], [sflag:$0x2] =	stream.linear.gather [hbm4b:s28+s2], $0x80, $0x38;
	[tilespmem:$0x2080] =	vst v63  }
0xf3: {  	_ =	swait.ge [sflag:s3], $0x80  }
0xf4: {  	[sflag:s3] =	ssyncset.done $0x0  }
0xf5: {  	[sflag:s3] =	ssyncadd.s32 $0xFFFFFF80  }
0xf6: {  	[tilespmem:s5], [sflag:$0x1] =	stream.indirect.gather [hbm4b:s4+s5], $0x40, s2, s5, $0xb8;
	[tilespmem:$0x2080] =	vst v63  }
0xf7: {  	_ =	swait.ge [sflag:s6], $0x2000  }
0xf8: {  	s29 =	sshll.u32 s29, $0x3;
	[sflag:s6] =	ssyncset.done $0x0  }
0xf9: {  	s29 =	sadd.s32 s1, s29;
	s0 =	sadd.s32 $0x980, s0;
	[sflag:s6] =	ssyncadd.s32 $0xFFFFE000  }
0xfa: {  	[hbm4b:s29+s2] =	stream.linear.scatter [tilespmem:s5], [sflag:$0x2], $0x2000, $0x38;
	[tilespmem:$0x2080] =	vst v63  }
0xfb: {  	s1 =	sshrl.u32 s0, $0x3;
	_ =	swait.ge [sflag:s3], $0x2000  }
0xfc: {  	s30 =	sadd.s32 s30, s1;
	s1 =	ssub.s32 $0x2, s31;
	[sflag:s3] =	ssyncset.done $0x0  }
0xfd: {  	s31 =	sshrl.u32 s1, $0x1;
	[sflag:s3] =	ssyncadd.s32 $0xFFFFE000  }
0xfe: {  	[tilespmem:s2], [sflag:$0x2] =	stream.linear.gather [hbm4b:s30+s2], $0x80, $0x38;
	[tilespmem:$0x2080] =	vst v63  }
0xff: {  	s1 =	ssub.s32 s1, s31;
	_ =	swait.ge [sflag:s3], $0x80  }
0x100: {  	s1 =	smax.u32 s1, $0x1;
	[sflag:s3] =	ssyncset.done $0x0  }
0x101: {  	p0 =	sne.s32 s1, $0x1;
	[sflag:s3] =	ssyncadd.s32 $0xFFFFFF80  }
0x102: {  	[tilespmem:s5], [sflag:$0x1] =	stream.indirect.gather [hbm4b:s4+s5], $0x40, s2, s5, $0xb8;
	[tilespmem:$0x2080] =	vst v63  }
.Ltmp0:
0x103: {  	_ =	swait.ge [sflag:s6], $0x2000;
	(pc) =	sbr.rel @!p0 .LBB2_2-.Ltmp0, $4  }
0x104: {  	s0 =	sshll.u32 s0, $0x3;
	[sflag:s6] =	ssyncset.done $0x0;
	s31 =	rddreg [dreg:$0x12]  }
0x105: {  	s31 =	sadd.s32 s31, s0;
	[sflag:s6] =	ssyncadd.s32 $0xFFFFE000  }
0x106: {  	[hbm4b:s31+s2] =	stream.linear.scatter [tilespmem:s5], [sflag:$0x2], $0x2000, $0x38;
	[tilespmem:$0x2080] =	vst v63  }
0x107: {  	s1 =	sadd.s32 $0xFFFFFFFF, s1;
	_ =	swait.ge [sflag:s3], $0x2000  }
.LBB2_1:
0x108: {  	[sflag:s3] =	ssyncset.done $0x0  }
0x109: {  	s0 =	rddreg [dreg:$0x2];
	[sflag:s3] =	ssyncadd.s32 $0xFFFFE000  }
0x10a: {  	[tilespmem:s2], [sflag:$0x2] =	stream.linear.gather [hbm4b:s0+s2], $0x80, $0x38;
	[tilespmem:$0x2080] =	vst v63  }
0x10b: {  	_ =	swait.ge [sflag:s3], $0x80  }
0x10c: {  	[sflag:s3] =	ssyncset.done $0x0  }
0x10d: {  	[sflag:s3] =	ssyncadd.s32 $0xFFFFFF80  }
0x10e: {  	[tilespmem:s5], [sflag:$0x1] =	stream.indirect.gather [hbm4b:s4+s5], $0x40, s2, s5, $0xb8;
	[tilespmem:$0x2080] =	vst v63  }
0x10f: {  	_ =	swait.ge [sflag:s6], $0x2000  }
0x110: {  	[sflag:s6] =	ssyncset.done $0x0  }
0x111: {  	s0 =	rddreg [dreg:$0x3];
	[sflag:s6] =	ssyncadd.s32 $0xFFFFE000  }
0x112: {  	[hbm4b:s0+s2] =	stream.linear.scatter [tilespmem:s5], [sflag:$0x2], $0x2000, $0x38;
	[tilespmem:$0x2080] =	vst v63  }
0x113: {  	_ =	swait.ge [sflag:s3], $0x2000  }
0x114: {  	[sflag:s3] =	ssyncset.done $0x0  }
0x115: {  	s0 =	rddreg [dreg:$0x4];
	[sflag:s3] =	ssyncadd.s32 $0xFFFFE000  }
0x116: {  	[tilespmem:s2], [sflag:$0x2] =	stream.linear.gather [hbm4b:s0+s2], $0x80, $0x38;
	[tilespmem:$0x2080] =	vst v63  }
0x117: {  	_ =	swait.ge [sflag:s3], $0x80  }
0x118: {  	[sflag:s3] =	ssyncset.done $0x0  }
0x119: {  	[sflag:s3] =	ssyncadd.s32 $0xFFFFFF80  }
0x11a: {  	[tilespmem:s5], [sflag:$0x1] =	stream.indirect.gather [hbm4b:s4+s5], $0x40, s2, s5, $0xb8;
	[tilespmem:$0x2080] =	vst v63  }
0x11b: {  	_ =	swait.ge [sflag:s6], $0x2000  }
0x11c: {  	[sflag:s6] =	ssyncset.done $0x0  }
0x11d: {  	s0 =	rddreg [dreg:$0x5];
	[sflag:s6] =	ssyncadd.s32 $0xFFFFE000  }
0x11e: {  	[hbm4b:s0+s2] =	stream.linear.scatter [tilespmem:s5], [sflag:$0x2], $0x2000, $0x38;
	[tilespmem:$0x2080] =	vst v63  }
0x11f: {  	_ =	swait.ge [sflag:s3], $0x2000  }
0x120: {  	[sflag:s3] =	ssyncset.done $0x0  }
0x121: {  	s0 =	rddreg [dreg:$0x6];
	[sflag:s3] =	ssyncadd.s32 $0xFFFFE000  }
0x122: {  	[tilespmem:s2], [sflag:$0x2] =	stream.linear.gather [hbm4b:s0+s2], $0x80, $0x38;
	[tilespmem:$0x2080] =	vst v63  }
0x123: {  	_ =	swait.ge [sflag:s3], $0x80  }
0x124: {  	[sflag:s3] =	ssyncset.done $0x0  }
0x125: {  	[sflag:s3] =	ssyncadd.s32 $0xFFFFFF80  }
0x126: {  	[tilespmem:s5], [sflag:$0x1] =	stream.indirect.gather [hbm4b:s4+s5], $0x40, s2, s5, $0xb8;
	[tilespmem:$0x2080] =	vst v63  }
0x127: {  	_ =	swait.ge [sflag:s6], $0x2000  }
0x128: {  	[sflag:s6] =	ssyncset.done $0x0  }
0x129: {  	s0 =	rddreg [dreg:$0x7];
	[sflag:s6] =	ssyncadd.s32 $0xFFFFE000  }
0x12a: {  	[hbm4b:s0+s2] =	stream.linear.scatter [tilespmem:s5], [sflag:$0x2], $0x2000, $0x38;
	[tilespmem:$0x2080] =	vst v63  }
0x12b: {  	_ =	swait.ge [sflag:s3], $0x2000  }
0x12c: {  	[sflag:s3] =	ssyncset.done $0x0  }
0x12d: {  	s0 =	rddreg [dreg:$0x8];
	[sflag:s3] =	ssyncadd.s32 $0xFFFFE000  }
0x12e: {  	[tilespmem:s2], [sflag:$0x2] =	stream.linear.gather [hbm4b:s0+s2], $0x80, $0x38;
	[tilespmem:$0x2080] =	vst v63  }
0x12f: {  	_ =	swait.ge [sflag:s3], $0x80  }
0x130: {  	[sflag:s3] =	ssyncset.done $0x0  }
0x131: {  	[sflag:s3] =	ssyncadd.s32 $0xFFFFFF80  }
0x132: {  	[tilespmem:s5], [sflag:$0x1] =	stream.indirect.gather [hbm4b:s4+s5], $0x40, s2, s5, $0xb8;
	[tilespmem:$0x2080] =	vst v63  }
0x133: {  	_ =	swait.ge [sflag:s6], $0x2000  }
0x134: {  	[sflag:s6] =	ssyncset.done $0x0  }
0x135: {  	s0 =	rddreg [dreg:$0x9];
	[sflag:s6] =	ssyncadd.s32 $0xFFFFE000  }
0x136: {  	[hbm4b:s0+s2] =	stream.linear.scatter [tilespmem:s5], [sflag:$0x2], $0x2000, $0x38;
	[tilespmem:$0x2080] =	vst v63  }
0x137: {  	_ =	swait.ge [sflag:s3], $0x2000  }
0x138: {  	[sflag:s3] =	ssyncset.done $0x0  }
0x139: {  	s0 =	rddreg [dreg:$0xa];
	[sflag:s3] =	ssyncadd.s32 $0xFFFFE000  }
0x13a: {  	[tilespmem:s2], [sflag:$0x2] =	stream.linear.gather [hbm4b:s0+s2], $0x80, $0x38;
	[tilespmem:$0x2080] =	vst v63  }
0x13b: {  	_ =	swait.ge [sflag:s3], $0x80  }
0x13c: {  	[sflag:s3] =	ssyncset.done $0x0  }
0x13d: {  	[sflag:s3] =	ssyncadd.s32 $0xFFFFFF80  }
0x13e: {  	[tilespmem:s5], [sflag:$0x1] =	stream.indirect.gather [hbm4b:s4+s5], $0x40, s2, s5, $0xb8;
	[tilespmem:$0x2080] =	vst v63  }
0x13f: {  	_ =	swait.ge [sflag:s6], $0x2000  }
0x140: {  	[sflag:s6] =	ssyncset.done $0x0  }
0x141: {  	s0 =	rddreg [dreg:$0xb];
	[sflag:s6] =	ssyncadd.s32 $0xFFFFE000  }
0x142: {  	[hbm4b:s0+s2] =	stream.linear.scatter [tilespmem:s5], [sflag:$0x2], $0x2000, $0x38;
	[tilespmem:$0x2080] =	vst v63  }
0x143: {  	_ =	swait.ge [sflag:s3], $0x2000  }
0x144: {  	[sflag:s3] =	ssyncset.done $0x0  }
0x145: {  	s0 =	rddreg [dreg:$0xc];
	[sflag:s3] =	ssyncadd.s32 $0xFFFFE000  }
0x146: {  	[tilespmem:s2], [sflag:$0x2] =	stream.linear.gather [hbm4b:s0+s2], $0x80, $0x38;
	[tilespmem:$0x2080] =	vst v63  }
0x147: {  	_ =	swait.ge [sflag:s3], $0x80  }
0x148: {  	[sflag:s3] =	ssyncset.done $0x0  }
0x149: {  	[sflag:s3] =	ssyncadd.s32 $0xFFFFFF80  }
0x14a: {  	[tilespmem:s5], [sflag:$0x1] =	stream.indirect.gather [hbm4b:s4+s5], $0x40, s2, s5, $0xb8;
	[tilespmem:$0x2080] =	vst v63  }
0x14b: {  	_ =	swait.ge [sflag:s6], $0x2000  }
0x14c: {  	[sflag:s6] =	ssyncset.done $0x0  }
0x14d: {  	s0 =	rddreg [dreg:$0xd];
	[sflag:s6] =	ssyncadd.s32 $0xFFFFE000  }
0x14e: {  	[hbm4b:s0+s2] =	stream.linear.scatter [tilespmem:s5], [sflag:$0x2], $0x2000, $0x38;
	[tilespmem:$0x2080] =	vst v63  }
0x14f: {  	_ =	swait.ge [sflag:s3], $0x2000  }
0x150: {  	[sflag:s3] =	ssyncset.done $0x0  }
0x151: {  	s0 =	rddreg [dreg:$0xe];
	[sflag:s3] =	ssyncadd.s32 $0xFFFFE000  }
0x152: {  	[tilespmem:s2], [sflag:$0x2] =	stream.linear.gather [hbm4b:s0+s2], $0x80, $0x38;
	[tilespmem:$0x2080] =	vst v63  }
0x153: {  	_ =	swait.ge [sflag:s3], $0x80  }
0x154: {  	[sflag:s3] =	ssyncset.done $0x0  }
0x155: {  	[sflag:s3] =	ssyncadd.s32 $0xFFFFFF80  }
0x156: {  	[tilespmem:s5], [sflag:$0x1] =	stream.indirect.gather [hbm4b:s4+s5], $0x40, s2, s5, $0xb8;
	[tilespmem:$0x2080] =	vst v63  }
0x157: {  	_ =	swait.ge [sflag:s6], $0x2000  }
0x158: {  	[sflag:s6] =	ssyncset.done $0x0  }
0x159: {  	s0 =	rddreg [dreg:$0xf];
	[sflag:s6] =	ssyncadd.s32 $0xFFFFE000  }
0x15a: {  	[hbm4b:s0+s2] =	stream.linear.scatter [tilespmem:s5], [sflag:$0x2], $0x2000, $0x38;
	[tilespmem:$0x2080] =	vst v63  }
0x15b: {  	_ =	swait.ge [sflag:s3], $0x2000  }
0x15c: {  	[sflag:s3] =	ssyncset.done $0x0  }
0x15d: {  	s0 =	rddreg [dreg:$0x10];
	[sflag:s3] =	ssyncadd.s32 $0xFFFFE000  }
0x15e: {  	[tilespmem:s2], [sflag:$0x2] =	stream.linear.gather [hbm4b:s0+s2], $0x80, $0x38;
	[tilespmem:$0x2080] =	vst v63  }
0x15f: {  	_ =	swait.ge [sflag:s3], $0x80  }
0x160: {  	[sflag:s3] =	ssyncset.done $0x0  }
0x161: {  	[sflag:s3] =	ssyncadd.s32 $0xFFFFFF80  }
0x162: {  	[tilespmem:s5], [sflag:$0x1] =	stream.indirect.gather [hbm4b:s4+s5], $0x40, s2, s5, $0xb8;
	[tilespmem:$0x2080] =	vst v63  }
0x163: {  	_ =	swait.ge [sflag:s6], $0x2000  }
0x164: {  	[sflag:s6] =	ssyncset.done $0x0  }
0x165: {  	s0 =	rddreg [dreg:$0x11];
	[sflag:s6] =	ssyncadd.s32 $0xFFFFE000  }
0x166: {  	[hbm4b:s0+s2] =	stream.linear.scatter [tilespmem:s5], [sflag:$0x2], $0x2000, $0x38;
	[tilespmem:$0x2080] =	vst v63  }
0x167: {  	_ =	swait.ge [sflag:s3], $0x2000  }
0x168: {  	[sflag:s3] =	ssyncset.done $0x0  }
0x169: {  	[sflag:s3] =	ssyncadd.s32 $0xFFFFE000  }
0x16a: {  	[tilespmem:s2], [sflag:$0x2] =	stream.linear.gather [hbm4b:s7+s2], $0x80, $0x38;
	[tilespmem:$0x2080] =	vst v63  }
0x16b: {  	_ =	swait.ge [sflag:s3], $0x80  }
0x16c: {  	[sflag:s3] =	ssyncset.done $0x0  }
0x16d: {  	[sflag:s3] =	ssyncadd.s32 $0xFFFFFF80  }
0x16e: {  	[tilespmem:s5], [sflag:$0x1] =	stream.indirect.gather [hbm4b:s4+s5], $0x40, s2, s5, $0xb8;
	[tilespmem:$0x2080] =	vst v63  }
0x16f: {  	_ =	swait.ge [sflag:s6], $0x2000  }
0x170: {  	[sflag:s6] =	ssyncset.done $0x0  }
0x171: {  	[sflag:s6] =	ssyncadd.s32 $0xFFFFE000  }
0x172: {  	[hbm4b:s8+s2] =	stream.linear.scatter [tilespmem:s5], [sflag:$0x2], $0x2000, $0x38;
	[tilespmem:$0x2080] =	vst v63  }
0x173: {  	_ =	swait.ge [sflag:s3], $0x2000  }
0x174: {  	[sflag:s3] =	ssyncset.done $0x0  }
0x175: {  	[sflag:s3] =	ssyncadd.s32 $0xFFFFE000  }
0x176: {  	[tilespmem:s2], [sflag:$0x2] =	stream.linear.gather [hbm4b:s9+s2], $0x80, $0x38;
	[tilespmem:$0x2080] =	vst v63  }
0x177: {  	_ =	swait.ge [sflag:s3], $0x80  }
0x178: {  	[sflag:s3] =	ssyncset.done $0x0  }
0x179: {  	[sflag:s3] =	ssyncadd.s32 $0xFFFFFF80  }
0x17a: {  	[tilespmem:s5], [sflag:$0x1] =	stream.indirect.gather [hbm4b:s4+s5], $0x40, s2, s5, $0xb8;
	[tilespmem:$0x2080] =	vst v63  }
0x17b: {  	_ =	swait.ge [sflag:s6], $0x2000  }
0x17c: {  	[sflag:s6] =	ssyncset.done $0x0  }
0x17d: {  	[sflag:s6] =	ssyncadd.s32 $0xFFFFE000  }
0x17e: {  	[hbm4b:s10+s2] =	stream.linear.scatter [tilespmem:s5], [sflag:$0x2], $0x2000, $0x38;
	[tilespmem:$0x2080] =	vst v63  }
0x17f: {  	_ =	swait.ge [sflag:s3], $0x2000  }
0x180: {  	[sflag:s3] =	ssyncset.done $0x0  }
0x181: {  	[sflag:s3] =	ssyncadd.s32 $0xFFFFE000  }
0x182: {  	[tilespmem:s2], [sflag:$0x2] =	stream.linear.gather [hbm4b:s11+s2], $0x80, $0x38;
	[tilespmem:$0x2080] =	vst v63  }
0x183: {  	_ =	swait.ge [sflag:s3], $0x80  }
0x184: {  	[sflag:s3] =	ssyncset.done $0x0  }
0x185: {  	[sflag:s3] =	ssyncadd.s32 $0xFFFFFF80  }
0x186: {  	[tilespmem:s5], [sflag:$0x1] =	stream.indirect.gather [hbm4b:s4+s5], $0x40, s2, s5, $0xb8;
	[tilespmem:$0x2080] =	vst v63  }
0x187: {  	_ =	swait.ge [sflag:s6], $0x2000  }
0x188: {  	[sflag:s6] =	ssyncset.done $0x0  }
0x189: {  	[sflag:s6] =	ssyncadd.s32 $0xFFFFE000  }
0x18a: {  	[hbm4b:s12+s2] =	stream.linear.scatter [tilespmem:s5], [sflag:$0x2], $0x2000, $0x38;
	[tilespmem:$0x2080] =	vst v63  }
0x18b: {  	_ =	swait.ge [sflag:s3], $0x2000  }
0x18c: {  	[sflag:s3] =	ssyncset.done $0x0  }
0x18d: {  	[sflag:s3] =	ssyncadd.s32 $0xFFFFE000  }
0x18e: {  	[tilespmem:s2], [sflag:$0x2] =	stream.linear.gather [hbm4b:s13+s2], $0x80, $0x38;
	[tilespmem:$0x2080] =	vst v63  }
0x18f: {  	_ =	swait.ge [sflag:s3], $0x80  }
0x190: {  	[sflag:s3] =	ssyncset.done $0x0  }
0x191: {  	[sflag:s3] =	ssyncadd.s32 $0xFFFFFF80  }
0x192: {  	[tilespmem:s5], [sflag:$0x1] =	stream.indirect.gather [hbm4b:s4+s5], $0x40, s2, s5, $0xb8;
	[tilespmem:$0x2080] =	vst v63  }
0x193: {  	_ =	swait.ge [sflag:s6], $0x2000  }
0x194: {  	[sflag:s6] =	ssyncset.done $0x0  }
0x195: {  	[sflag:s6] =	ssyncadd.s32 $0xFFFFE000  }
0x196: {  	[hbm4b:s14+s2] =	stream.linear.scatter [tilespmem:s5], [sflag:$0x2], $0x2000, $0x38;
	[tilespmem:$0x2080] =	vst v63  }
0x197: {  	_ =	swait.ge [sflag:s3], $0x2000  }
0x198: {  	[sflag:s3] =	ssyncset.done $0x0  }
0x199: {  	[sflag:s3] =	ssyncadd.s32 $0xFFFFE000  }
0x19a: {  	[tilespmem:s2], [sflag:$0x2] =	stream.linear.gather [hbm4b:s15+s2], $0x80, $0x38;
	[tilespmem:$0x2080] =	vst v63  }
0x19b: {  	_ =	swait.ge [sflag:s3], $0x80  }
0x19c: {  	[sflag:s3] =	ssyncset.done $0x0  }
0x19d: {  	[sflag:s3] =	ssyncadd.s32 $0xFFFFFF80  }
0x19e: {  	[tilespmem:s5], [sflag:$0x1] =	stream.indirect.gather [hbm4b:s4+s5], $0x40, s2, s5, $0xb8;
	[tilespmem:$0x2080] =	vst v63  }
0x19f: {  	_ =	swait.ge [sflag:s6], $0x2000  }
0x1a0: {  	[sflag:s6] =	ssyncset.done $0x0  }
0x1a1: {  	[sflag:s6] =	ssyncadd.s32 $0xFFFFE000  }
0x1a2: {  	[hbm4b:s16+s2] =	stream.linear.scatter [tilespmem:s5], [sflag:$0x2], $0x2000, $0x38;
	[tilespmem:$0x2080] =	vst v63  }
0x1a3: {  	_ =	swait.ge [sflag:s3], $0x2000  }
0x1a4: {  	[sflag:s3] =	ssyncset.done $0x0  }
0x1a5: {  	[sflag:s3] =	ssyncadd.s32 $0xFFFFE000  }
0x1a6: {  	[tilespmem:s2], [sflag:$0x2] =	stream.linear.gather [hbm4b:s17+s2], $0x80, $0x38;
	[tilespmem:$0x2080] =	vst v63  }
0x1a7: {  	_ =	swait.ge [sflag:s3], $0x80  }
0x1a8: {  	[sflag:s3] =	ssyncset.done $0x0  }
0x1a9: {  	[sflag:s3] =	ssyncadd.s32 $0xFFFFFF80  }
0x1aa: {  	[tilespmem:s5], [sflag:$0x1] =	stream.indirect.gather [hbm4b:s4+s5], $0x40, s2, s5, $0xb8;
	[tilespmem:$0x2080] =	vst v63  }
0x1ab: {  	_ =	swait.ge [sflag:s6], $0x2000  }
0x1ac: {  	[sflag:s6] =	ssyncset.done $0x0  }
0x1ad: {  	[sflag:s6] =	ssyncadd.s32 $0xFFFFE000  }
0x1ae: {  	[hbm4b:s18+s2] =	stream.linear.scatter [tilespmem:s5], [sflag:$0x2], $0x2000, $0x38;
	[tilespmem:$0x2080] =	vst v63  }
0x1af: {  	_ =	swait.ge [sflag:s3], $0x2000  }
0x1b0: {  	[sflag:s3] =	ssyncset.done $0x0  }
0x1b1: {  	[sflag:s3] =	ssyncadd.s32 $0xFFFFE000  }
0x1b2: {  	[tilespmem:s2], [sflag:$0x2] =	stream.linear.gather [hbm4b:s19+s2], $0x80, $0x38;
	[tilespmem:$0x2080] =	vst v63  }
0x1b3: {  	_ =	swait.ge [sflag:s3], $0x80  }
0x1b4: {  	[sflag:s3] =	ssyncset.done $0x0  }
0x1b5: {  	[sflag:s3] =	ssyncadd.s32 $0xFFFFFF80  }
0x1b6: {  	[tilespmem:s5], [sflag:$0x1] =	stream.indirect.gather [hbm4b:s4+s5], $0x40, s2, s5, $0xb8;
	[tilespmem:$0x2080] =	vst v63  }
0x1b7: {  	_ =	swait.ge [sflag:s6], $0x2000  }
0x1b8: {  	[sflag:s6] =	ssyncset.done $0x0  }
0x1b9: {  	[sflag:s6] =	ssyncadd.s32 $0xFFFFE000  }
0x1ba: {  	[hbm4b:s20+s2] =	stream.linear.scatter [tilespmem:s5], [sflag:$0x2], $0x2000, $0x38;
	[tilespmem:$0x2080] =	vst v63  }
0x1bb: {  	_ =	swait.ge [sflag:s3], $0x2000  }
0x1bc: {  	[sflag:s3] =	ssyncset.done $0x0  }
0x1bd: {  	[sflag:s3] =	ssyncadd.s32 $0xFFFFE000  }
0x1be: {  	[tilespmem:s2], [sflag:$0x2] =	stream.linear.gather [hbm4b:s21+s2], $0x80, $0x38;
	[tilespmem:$0x2080] =	vst v63  }
0x1bf: {  	_ =	swait.ge [sflag:s3], $0x80  }
0x1c0: {  	[sflag:s3] =	ssyncset.done $0x0  }
0x1c1: {  	[sflag:s3] =	ssyncadd.s32 $0xFFFFFF80  }
0x1c2: {  	[tilespmem:s5], [sflag:$0x1] =	stream.indirect.gather [hbm4b:s4+s5], $0x40, s2, s5, $0xb8;
	[tilespmem:$0x2080] =	vst v63  }
0x1c3: {  	_ =	swait.ge [sflag:s6], $0x2000  }
0x1c4: {  	[sflag:s6] =	ssyncset.done $0x0  }
0x1c5: {  	[sflag:s6] =	ssyncadd.s32 $0xFFFFE000  }
0x1c6: {  	[hbm4b:s22+s2] =	stream.linear.scatter [tilespmem:s5], [sflag:$0x2], $0x2000, $0x38;
	[tilespmem:$0x2080] =	vst v63  }
0x1c7: {  	_ =	swait.ge [sflag:s3], $0x2000  }
0x1c8: {  	[sflag:s3] =	ssyncset.done $0x0  }
0x1c9: {  	[sflag:s3] =	ssyncadd.s32 $0xFFFFE000  }
0x1ca: {  	[tilespmem:s2], [sflag:$0x2] =	stream.linear.gather [hbm4b:s23+s2], $0x80, $0x38;
	[tilespmem:$0x2080] =	vst v63  }
0x1cb: {  	_ =	swait.ge [sflag:s3], $0x80  }
0x1cc: {  	[sflag:s3] =	ssyncset.done $0x0  }
0x1cd: {  	[sflag:s3] =	ssyncadd.s32 $0xFFFFFF80  }
0x1ce: {  	[tilespmem:s5], [sflag:$0x1] =	stream.indirect.gather [hbm4b:s4+s5], $0x40, s2, s5, $0xb8;
	[tilespmem:$0x2080] =	vst v63  }
0x1cf: {  	_ =	swait.ge [sflag:s6], $0x2000  }
0x1d0: {  	[sflag:s6] =	ssyncset.done $0x0  }
0x1d1: {  	[sflag:s6] =	ssyncadd.s32 $0xFFFFE000  }
0x1d2: {  	[hbm4b:s24+s2] =	stream.linear.scatter [tilespmem:s5], [sflag:$0x2], $0x2000, $0x38;
	[tilespmem:$0x2080] =	vst v63  }
0x1d3: {  	_ =	swait.ge [sflag:s3], $0x2000  }
0x1d4: {  	[sflag:s3] =	ssyncset.done $0x0  }
0x1d5: {  	[sflag:s3] =	ssyncadd.s32 $0xFFFFE000  }
0x1d6: {  	[tilespmem:s2], [sflag:$0x2] =	stream.linear.gather [hbm4b:s25+s2], $0x80, $0x38;
	[tilespmem:$0x2080] =	vst v63  }
0x1d7: {  	_ =	swait.ge [sflag:s3], $0x80  }
0x1d8: {  	[sflag:s3] =	ssyncset.done $0x0  }
0x1d9: {  	[sflag:s3] =	ssyncadd.s32 $0xFFFFFF80  }
0x1da: {  	[tilespmem:s5], [sflag:$0x1] =	stream.indirect.gather [hbm4b:s4+s5], $0x40, s2, s5, $0xb8;
	[tilespmem:$0x2080] =	vst v63  }
0x1db: {  	_ =	swait.ge [sflag:s6], $0x2000  }
0x1dc: {  	[sflag:s6] =	ssyncset.done $0x0  }
0x1dd: {  	[sflag:s6] =	ssyncadd.s32 $0xFFFFE000  }
0x1de: {  	[hbm4b:s26+s2] =	stream.linear.scatter [tilespmem:s5], [sflag:$0x2], $0x2000, $0x38;
	[tilespmem:$0x2080] =	vst v63  }
0x1df: {  	_ =	swait.ge [sflag:s3], $0x2000  }
0x1e0: {  	[sflag:s3] =	ssyncset.done $0x0  }
0x1e1: {  	[sflag:s3] =	ssyncadd.s32 $0xFFFFE000  }
0x1e2: {  	[tilespmem:s2], [sflag:$0x2] =	stream.linear.gather [hbm4b:s28+s2], $0x80, $0x38;
	[tilespmem:$0x2080] =	vst v63  }
0x1e3: {  	_ =	swait.ge [sflag:s3], $0x80  }
0x1e4: {  	[sflag:s3] =	ssyncset.done $0x0  }
0x1e5: {  	[sflag:s3] =	ssyncadd.s32 $0xFFFFFF80  }
0x1e6: {  	[tilespmem:s5], [sflag:$0x1] =	stream.indirect.gather [hbm4b:s4+s5], $0x40, s2, s5, $0xb8;
	[tilespmem:$0x2080] =	vst v63  }
0x1e7: {  	_ =	swait.ge [sflag:s6], $0x2000  }
0x1e8: {  	[sflag:s6] =	ssyncset.done $0x0  }
0x1e9: {  	[sflag:s6] =	ssyncadd.s32 $0xFFFFE000  }
0x1ea: {  	[hbm4b:s29+s2] =	stream.linear.scatter [tilespmem:s5], [sflag:$0x2], $0x2000, $0x38;
	[tilespmem:$0x2080] =	vst v63  }
0x1eb: {  	_ =	swait.ge [sflag:s3], $0x2000  }
0x1ec: {  	[sflag:s3] =	ssyncset.done $0x0  }
0x1ed: {  	[sflag:s3] =	ssyncadd.s32 $0xFFFFE000  }
0x1ee: {  	[tilespmem:s2], [sflag:$0x2] =	stream.linear.gather [hbm4b:s30+s2], $0x80, $0x38;
	[tilespmem:$0x2080] =	vst v63  }
0x1ef: {  	_ =	swait.ge [sflag:s3], $0x80  }
0x1f0: {  	[sflag:s3] =	ssyncset.done $0x0  }
0x1f1: {  	p0 =	sne.s32 s1, $0x1;
	[sflag:s3] =	ssyncadd.s32 $0xFFFFFF80  }
0x1f2: {  	[tilespmem:s5], [sflag:$0x1] =	stream.indirect.gather [hbm4b:s4+s5], $0x40, s2, s5, $0xb8;
	[tilespmem:$0x2080] =	vst v63  }
.Ltmp1:
0x1f3: {  	_ =	swait.ge [sflag:s6], $0x2000;
	(pc) =	sbr.rel @p0 .LBB2_1-.Ltmp1, $4  }
0x1f4: {  	[sflag:s6] =	ssyncset.done $0x0  }
0x1f5: {  	[sflag:s6] =	ssyncadd.s32 $0xFFFFE000  }
0x1f6: {  	[hbm4b:s31+s2] =	stream.linear.scatter [tilespmem:s5], [sflag:$0x2], $0x2000, $0x38;
	[tilespmem:$0x2080] =	vst v63  }
0x1f7: {  	s1 =	sadd.s32 $0xFFFFFFFF, s1;
	_ =	swait.ge [sflag:s3], $0x2000  }
.LBB2_2:
0x1f8: {  	[sflag:s3] =	ssyncset.done $0x0  }
0x1f9: {  	[sflag:s3] =	ssyncadd.s32 $0xFFFFE000  }
0x1fa: {  	_ =	sfence.sel $0x180000  }
0x1fb: {  	[bflag:$0x0] =	sbarrier.arrive $0xFFFF  }
0x1fc: {  	_ =	strace $0x90000047  }
0x1fd: {  	s0 =	stileid.u32;
	[bflag:$0x2] =	sbarrier.arrive $0xFFFF  }
0x1fe: {  	p0 =	sne.s32 s0, $0x0;
	s0 =	rddreg [dreg:$0x1]  }
0x1ff: {  	s0 =	sadd.s32 @!p0 $0x100000, s0  }
0x200: {  	[sflag:s0] =	ssyncadd.tile.s32 @!p0 $0x1;
	_ =	shalt  }
.Lfunc_end2:
_tile_overlayer_lowered:
.L_overlay_start_2:
0x201: {  	(tag) =	ssettag $0x2  }
0x202: {  	s0 =	rddreg [dreg:$0x0];
	s2 =	stileid.u32  }
0x203: {  	s1 =	rddreg [dreg:$0x1];
	p0 =	sne.s32 s2, $0x0  }
0x204: {  	s3 =	rddreg [dreg:$0x2];
	[bflag:$0x3] =	sbarrier.arrive $0xFFFF;
	s2 =	simm.s32 @!p0 $0x1C02  }
0x205: {  	[timem:s3], [sflag:s2] =	dma.local @!p0 [hbm:s0], s1  }
0x206: {  	s0 =	simm.s32 @!p0 $0x2  }
0x207: {  	_ =	swait.ge @!p0 [sflag:s0], s1  }
0x208: {  	s1 =	ssub.s32 @!p0 $0x0, s1;
	[sflag:s0] =	ssyncset.done @!p0 $0x0  }
0x209: {  	[sflag:s0] =	ssyncadd.s32 @!p0 s1  }
0x20a: {  	[bflag:$0x3] =	sbarrier.arrive $0xFFFF  }
0x20b: {  	_ =	shalt  }

</sc_bundles>
